<compile_context>
chip_gen: v7x
topology: tpu7x:2x2x1
jax: 0.10.2.dev20260603
libtpu: 0.0.44.dev20260713+nightly
codegen_flags: <defaults>
</compile_context>

<pallas_src>
import functools

import jax
import jax.numpy as jnp
from jax import lax
from jax.experimental import pallas as pl
from jax.experimental.pallas import tpu as pltpu
from jax.experimental.pallas import tpu_sc as plsc

N = 10000
D = 128
E = 320000
NC = 2
NS = 16
NW = NC * NS
EPW = E // NW
C = 80
NCHUNK = EPW // C
SS = 25
NSUPER = NCHUNK // SS
SEDGE = SS * C
NBUF = 4
N_PAD = 10112
STRIP = N_PAD // NS


def _sc_scatter(x0, x1, ei00, ei01, zstrip):
    mesh = plsc.VectorSubcoreMesh(core_axis_name="c", subcore_axis_name="s")

    @functools.partial(
        pl.kernel,
        out_type=jax.ShapeDtypeStruct((3, NC, N_PAD, D), jnp.float32),
        mesh=mesh,
        scratch_types=(
            [pltpu.VMEM((2 * SEDGE,), jnp.int32)] * 2
            + [pltpu.VMEM((NBUF * C, D), jnp.float32)]
            + [pltpu.SemaphoreType.DMA((NBUF,))] * 2
            + [pltpu.SemaphoreType.DMA] * 2
            + [pltpu.VMEM_SHARED((N_PAD, D), jnp.float32)]
        ),
    )
    def k(x0_hbm, x1_hbm, ei00_hbm, ei01_hbm, z_hbm, p_hbm, *scr):
        gidx, sidx = scr[0], scr[1]
        rows = scr[2]
        gsem, ssem = scr[3], scr[4]
        gisem, sisem = scr[5], scr[6]
        acc = scr[7]
        cid = lax.axis_index("c")
        sid = lax.axis_index("s")
        wid = sid * NC + cid
        ebase = wid * EPW
        rlo = sid * STRIP

        def zero_strip():
            pltpu.sync_copy(z_hbm, acc.at[pl.ds(rlo, STRIP)])

        def run_pass(ei_hbm, g_sel, s_sel, table_hbm):
            goff = g_sel * E + ebase
            soff = s_sel * E + ebase

            def idx_descs(s2):
                h = lax.rem(s2, 2) * SEDGE
                gd = pltpu.make_async_copy(
                    ei_hbm.at[pl.ds(goff + s2 * SEDGE, SEDGE)],
                    gidx.at[pl.ds(h, SEDGE)], gisem)
                sd = pltpu.make_async_copy(
                    ei_hbm.at[pl.ds(soff + s2 * SEDGE, SEDGE)],
                    sidx.at[pl.ds(h, SEDGE)], sisem)
                return gd, sd

            def ioff(j):
                s2 = lax.div(j, SS)
                return lax.rem(s2, 2) * SEDGE + (j - s2 * SS) * C

            def gather_desc(c, slot):
                return pltpu.make_async_copy(
                    table_hbm.at[gidx.at[pl.ds(ioff(c), C)]],
                    rows.at[pl.ds(slot * C, C)], gsem.at[slot])

            def scatter_start(c, slot):
                pltpu.async_copy(rows.at[pl.ds(slot * C, C)],
                                 acc.at[sidx.at[pl.ds(ioff(c), C)]],
                                 ssem.at[slot], add=True)

            def scatter_wait(c, slot):
                pltpu.make_async_copy(
                    rows.at[pl.ds(slot * C, C)],
                    acc.at[sidx.at[pl.ds(ioff(c), C)]],
                    ssem.at[slot]).wait()

            K = NBUF - 1

            gd, sd = idx_descs(0)
            gd.start()
            sd.start()
            gd.wait()
            sd.wait()
            gd, sd = idx_descs(1)
            gd.start()
            sd.start()
            for b in range(K):
                gather_desc(b, b).start()

            def body(c, carry):
                slot = lax.rem(c, NBUF)
                nslot = lax.rem(c + K, NBUF)

                @pl.when(c + K < NCHUNK)
                def _():
                    @pl.when(c >= 1)
                    def _():
                        scatter_wait(c - 1, nslot)

                    @pl.when((lax.rem(c, SS) == 0) & (c > 0))
                    def _():
                        s2 = lax.div(c, SS) + 1

                        @pl.when(s2 < NSUPER)
                        def _():
                            gd2, sd2 = idx_descs(s2)
                            gd2.start()
                            sd2.start()

                    @pl.when(lax.rem(c + K, SS) == 0)
                    def _():
                        gd2, sd2 = idx_descs(lax.div(c + K, SS))
                        gd2.wait()
                        sd2.wait()
                    gather_desc(c + K, nslot).start()

                gather_desc(c, slot).wait()
                scatter_start(c, slot)
                return carry
            lax.fori_loop(0, NCHUNK, body, 0)
            for b in range(NBUF):
                cc = NCHUNK - NBUF + b
                scatter_wait(cc, cc % NBUF)

        def dump(phase):
            pltpu.sync_copy(acc.at[pl.ds(rlo, STRIP)],
                            p_hbm.at[phase, cid, pl.ds(rlo, STRIP)])

        zero_strip()
        plsc.subcore_barrier()
        run_pass(ei00_hbm, 1, 0, x0_hbm)
        run_pass(ei00_hbm, 0, 1, x0_hbm)
        plsc.subcore_barrier()
        dump(0)
        plsc.subcore_barrier()
        run_pass(ei01_hbm, 1, 0, x1_hbm)
        plsc.subcore_barrier()
        dump(1)
        plsc.subcore_barrier()
        run_pass(ei01_hbm, 0, 1, x0_hbm)
        plsc.subcore_barrier()
        dump(2)

    return k(x0, x1, ei00, ei01, zstrip)


def _tc_prefix(x0, x1, W0, W1, b0, b1):
    BR = 2000
    grid = (N // BR,)

    def body(x0_ref, x1_ref, w0_ref, w1_ref, b0_ref, b1_ref,
             s0_ref, s1_ref):
        s0_ref[...] = (
            jnp.dot(x0_ref[...], w0_ref[...],
                    preferred_element_type=jnp.float32)
            + 3.0 * b0_ref[...] + b1_ref[...]
        )
        s1_ref[...] = (
            jnp.dot(x1_ref[...], w1_ref[...],
                    preferred_element_type=jnp.float32)
            + b0_ref[...] + b1_ref[...]
        )

    return pl.pallas_call(
        body,
        grid=grid,
        in_specs=[
            pl.BlockSpec((BR, D), lambda i: (i, 0)),
            pl.BlockSpec((BR, D), lambda i: (i, 0)),
            pl.BlockSpec((D, D), lambda i: (0, 0)),
            pl.BlockSpec((D, D), lambda i: (0, 0)),
            pl.BlockSpec((1, D), lambda i: (0, 0)),
            pl.BlockSpec((1, D), lambda i: (0, 0)),
        ],
        out_specs=[
            pl.BlockSpec((BR, D), lambda i: (i, 0)),
            pl.BlockSpec((BR, D), lambda i: (i, 0)),
        ],
        out_shape=[
            jax.ShapeDtypeStruct((N, D), jnp.float32),
            jax.ShapeDtypeStruct((N, D), jnp.float32),
        ],
    )(x0, x1, W0, W1, b0.reshape(1, D), b1.reshape(1, D))


def _combine(s0, s1, P, W0, W1):
    BR = 2000
    grid = (N // BR,)

    def body(s0_ref, s1_ref, p_ref, w0_ref, w1_ref, o0_ref, o1_ref):
        p = p_ref[...]
        cum0 = p[0, 0] + p[0, 1]
        cum1 = p[1, 0] + p[1, 1]
        cum2 = p[2, 0] + p[2, 1]
        a01 = cum1 - cum0
        a10 = cum2 - cum1
        w0 = w0_ref[...]
        w1 = w1_ref[...]
        o0_ref[...] = (
            s0_ref[...]
            + jnp.dot(cum0, w0, preferred_element_type=jnp.float32)
            + jnp.dot(a01, w1, preferred_element_type=jnp.float32)
        )
        o1_ref[...] = (
            s1_ref[...]
            + jnp.dot(a10, w0, preferred_element_type=jnp.float32)
        )

    return pl.pallas_call(
        body,
        grid=grid,
        in_specs=[
            pl.BlockSpec((BR, D), lambda i: (i, 0)),
            pl.BlockSpec((BR, D), lambda i: (i, 0)),
            pl.BlockSpec((3, NC, BR, D), lambda i: (0, 0, i, 0)),
            pl.BlockSpec((D, D), lambda i: (0, 0)),
            pl.BlockSpec((D, D), lambda i: (0, 0)),
        ],
        out_specs=[
            pl.BlockSpec((BR, D), lambda i: (i, 0)),
            pl.BlockSpec((BR, D), lambda i: (i, 0)),
        ],
        out_shape=[
            jax.ShapeDtypeStruct((N, D), jnp.float32),
            jax.ShapeDtypeStruct((N, D), jnp.float32),
        ],
    )(s0, s1, P, W0, W1)


def kernel(x0, x1, edge_index_00, edge_index_01, W0, b0, W1, b1):
    zstrip = jnp.zeros((STRIP, D), jnp.float32)
    P = _sc_scatter(x0, x1, edge_index_00.reshape(-1),
                    edge_index_01.reshape(-1), zstrip)
    s0, s1 = _tc_prefix(x0, x1, W0, W1, b0, b1)
    out0, out1 = _combine(s0, s1, P, W0, W1)
    return out0, out1

# --- scband reference (transcript-rebuilt; emitter-appended) ---
"""Pipeline reference for scband-hetero-gcn-54357106098554 (READ-ONLY COPY).

The authoritative reference and input builder live on the scoring server;
editing this copy changes nothing except your own understanding.
"""

import jax, jax.numpy as jnp
import numpy as np

N0 = 10000
N1 = 10000
D_IN = 128
D_OUT = 128
E = 320000


def setup_inputs(seed: int = 0) -> dict:
    key = jax.random.key(seed)
    ks = jax.random.split(key, 8)
    x0 = jax.random.normal(ks[0], (N0, D_IN), dtype=jnp.float32)
    x1 = jax.random.normal(ks[1], (N1, D_IN), dtype=jnp.float32)
    edge_index_00 = jax.random.randint(ks[2], (2, E), 0, N0, dtype=jnp.int32)
    edge_index_01 = jax.random.randint(ks[3], (2, E), 0, N0, dtype=jnp.int32)  # row in type-0, col in type-1 (N0==N1)
    scale = 1.0 / np.sqrt(D_IN)
    W0 = jax.random.normal(ks[4], (D_IN, D_OUT), dtype=jnp.float32) * scale
    b0 = jnp.zeros((D_OUT,), dtype=jnp.float32)
    W1 = jax.random.normal(ks[5], (D_IN, D_OUT), dtype=jnp.float32) * scale
    b1 = jnp.zeros((D_OUT,), dtype=jnp.float32)
    return {
        "x0": x0, "x1": x1,
        "edge_index_00": edge_index_00, "edge_index_01": edge_index_01,
        "W0": W0, "b0": b0, "W1": W1, "b1": b1,
    }


def _gcn(x, W, b, row=None, col=None, n_out=None):
    # GraphConvolution: support = x @ W; if adj given: out = spmm(adj, support); out += b
    support = x @ W
    if row is None:
        return support + b
    out = jnp.zeros((n_out, support.shape[1]), dtype=support.dtype).at[row].add(support[col])
    return out + b


def reference(x0, x1, edge_index_00, edge_index_01, W0, b0, W1, b1):
    # HeteroGCN forward with node types {0,1}, edge types {(0,0),(0,1)}, sum aggregation.
    out0 = _gcn(x0, W0, b0)
    out1 = _gcn(x1, W1, b1)
    r00, c00 = edge_index_00[0], edge_index_00[1]
    r01, c01 = edge_index_01[0], edge_index_01[1]
    # edge type (0,0): out0 += gcn0(x0, A00); random adj is asymmetric -> out0 += gcn0(x0, A00.T)
    out0 = out0 + _gcn(x0, W0, b0, r00, c00, N0)
    out0 = out0 + _gcn(x0, W0, b0, c00, r00, N0)
    # edge type (0,1): out0 += gcn1(x1, A01); out1 += gcn0(x0, A01.T)
    out0 = out0 + _gcn(x1, W1, b1, r01, c01, N0)
    out1 = out1 + _gcn(x0, W0, b0, c01, r01, N1)
    return out0, out1

if __name__ == "__main__":
    import jax
    _d = setup_inputs()
    print(jax.jit(kernel)(*tuple(_d.values())))

</pallas_src>

<mosaic_0001>
#map = affine_map<(d0, d1) -> (0, 0)>
#map1 = affine_map<(d0, d1) -> (0)>
#map2 = affine_map<(d0, d1) -> (0, 0, 0, 0)>
module attributes {stable_mosaic.version = 14 : i64} {
  func.func @k(%arg0: i32, %arg1: i32, %arg2: memref<10000x128xf32, #tpu.memory_space<hbm>>, %arg3: memref<10000x128xf32, #tpu.memory_space<hbm>>, %arg4: memref<640000xi32, #tpu.memory_space<hbm>>, %arg5: memref<640000xi32, #tpu.memory_space<hbm>>, %arg6: memref<632x128xf32, #tpu.memory_space<hbm>>, %arg7: memref<3x2x10112x128xf32, #tpu.memory_space<hbm>>, %arg8: memref<4000xi32, #tpu.memory_space<vmem>>, %arg9: memref<4000xi32, #tpu.memory_space<vmem>>, %arg10: memref<320x128xf32, #tpu.memory_space<vmem>>, %arg11: memref<4x!tpu.dma_semaphore, #tpu.memory_space<semaphore_mem>>, %arg12: memref<4x!tpu.dma_semaphore, #tpu.memory_space<semaphore_mem>>, %arg13: memref<!tpu.dma_semaphore, #tpu.memory_space<semaphore_mem>>, %arg14: memref<!tpu.dma_semaphore, #tpu.memory_space<semaphore_mem>>, %arg15: memref<10112x128xf32, #tpu.memory_space<vmem_shared>>) attributes {dimension_semantics = [#tpu.dimension_semantics<core_parallel>, #tpu.dimension_semantics<subcore_parallel>], iteration_bounds = array<i64: 2, 16>, scalar_prefetch = 0 : i64, scratch_operands = 8 : i64, tpu.core_type = #tpu.core_type<sc_vector_subcore>, window_params = [{transform_indices = #map}, {transform_indices = #map}, {transform_indices = #map1}, {transform_indices = #map1}, {transform_indices = #map}, {transform_indices = #map2}]} {
    %mul3A = arith.constant 2 : i32
    %mul3A_0 = arith.muli %arg1, %mul3A : i32
    %add3A = arith.addi %mul3A_0, %arg0 : i32
    %mul3A_1 = arith.constant 10000 : i32
    %mul3A_2 = arith.muli %add3A, %mul3A_1 : i32
    %mul3A_3 = arith.constant 632 : i32
    %mul3A_4 = arith.muli %arg1, %mul3A_3 : i32
    "tpu.region"() ({
      %run_scoped3A_886 = tpu.sem_alloc : memref<!tpu.dma_semaphore, #tpu.memory_space<semaphore_mem>>
      %dma_start3A_887 = arith.constant 0 : i32
      %dma_start3A_888 = tpu.memref_slice %arg15[%mul3A_4, %dma_start3A_887] : memref<10112x128xf32, #tpu.memory_space<vmem_shared>> -> memref<632x128xf32, #tpu.memory_space<vmem_shared>>
      tpu.enqueue_dma source(%arg6 : memref<632x128xf32, #tpu.memory_space<hbm>>) target(%dma_start3A_888 : memref<632x128xf32, #tpu.memory_space<vmem_shared>>) target_semaphore(%run_scoped3A_886 : memref<!tpu.dma_semaphore, #tpu.memory_space<semaphore_mem>>)
      %dma_wait3A_889 = arith.constant 0 : i32
      %dma_wait3A_890 = tpu.memref_slice %arg15[%mul3A_4, %dma_wait3A_889] : memref<10112x128xf32, #tpu.memory_space<vmem_shared>> -> memref<632x128xf32, #tpu.memory_space<vmem_shared>>
      tpu.wait_dma2 semaphore(%run_scoped3A_886 : memref<!tpu.dma_semaphore, #tpu.memory_space<semaphore_mem>>) src(%arg6 : memref<632x128xf32, #tpu.memory_space<hbm>>) dst(%dma_wait3A_890 : memref<632x128xf32, #tpu.memory_space<vmem_shared>>)
      tpu.yield
    }) : () -> ()
    %barrier3A = arith.constant 0 : index
    tpu.barrier barrier_id(%barrier3A)
    %add3A_5 = arith.constant 320000 : i32
    %add3A_6 = arith.addi %add3A_5, %mul3A_2 : i32
    %add3A_7 = arith.constant 0 : i32
    %add3A_8 = arith.addi %add3A_7, %mul3A_2 : i32
    %rem3A = arith.constant 0 : i32
    %rem3A_9 = arith.constant 2 : i32
    %rem3A_10 = arith.remsi %rem3A, %rem3A_9 : i32
    %mul3A_11 = arith.constant 2000 : i32
    %mul3A_12 = arith.muli %rem3A_10, %mul3A_11 : i32
    %add3A_13 = arith.constant 0 : i32
    %add3A_14 = arith.addi %add3A_6, %add3A_13 : i32
    %add3A_15 = arith.constant 0 : i32
    %add3A_16 = arith.addi %add3A_8, %add3A_15 : i32
    %dma_start3A = tpu.memref_slice %arg8[%mul3A_12] : memref<4000xi32, #tpu.memory_space<vmem>> -> memref<2000xi32, #tpu.memory_space<vmem>>
    %dma_start3A_17 = tpu.memref_slice %arg4[%add3A_14] : memref<640000xi32, #tpu.memory_space<hbm>> -> memref<2000xi32, #tpu.memory_space<hbm>>
    %dma_start3A_18 = tpu.memref_slice %arg8[%mul3A_12] : memref<4000xi32, #tpu.memory_space<vmem>> -> memref<2000xi32, #tpu.memory_space<vmem>>
    %dma_start3A_19 = tpu.memref_slice %arg4[%add3A_14] : memref<640000xi32, #tpu.memory_space<hbm>> -> memref<2000xi32, #tpu.memory_space<hbm>>
    tpu.enqueue_dma source(%dma_start3A_19 : memref<2000xi32, #tpu.memory_space<hbm>>) target(%dma_start3A_18 : memref<2000xi32, #tpu.memory_space<vmem>>) target_semaphore(%arg13 : memref<!tpu.dma_semaphore, #tpu.memory_space<semaphore_mem>>)
    %dma_start3A_20 = tpu.memref_slice %arg9[%mul3A_12] : memref<4000xi32, #tpu.memory_space<vmem>> -> memref<2000xi32, #tpu.memory_space<vmem>>
    %dma_start3A_21 = tpu.memref_slice %arg4[%add3A_16] : memref<640000xi32, #tpu.memory_space<hbm>> -> memref<2000xi32, #tpu.memory_space<hbm>>
    %dma_start3A_22 = tpu.memref_slice %arg9[%mul3A_12] : memref<4000xi32, #tpu.memory_space<vmem>> -> memref<2000xi32, #tpu.memory_space<vmem>>
    %dma_start3A_23 = tpu.memref_slice %arg4[%add3A_16] : memref<640000xi32, #tpu.memory_space<hbm>> -> memref<2000xi32, #tpu.memory_space<hbm>>
    tpu.enqueue_dma source(%dma_start3A_23 : memref<2000xi32, #tpu.memory_space<hbm>>) target(%dma_start3A_22 : memref<2000xi32, #tpu.memory_space<vmem>>) target_semaphore(%arg14 : memref<!tpu.dma_semaphore, #tpu.memory_space<semaphore_mem>>)
    %dma_wait3A = tpu.memref_slice %arg8[%mul3A_12] : memref<4000xi32, #tpu.memory_space<vmem>> -> memref<2000xi32, #tpu.memory_space<vmem>>
    %dma_wait3A_24 = tpu.memref_slice %arg4[%add3A_14] : memref<640000xi32, #tpu.memory_space<hbm>> -> memref<2000xi32, #tpu.memory_space<hbm>>
    %dma_wait3A_25 = tpu.memref_slice %arg8[%mul3A_12] : memref<4000xi32, #tpu.memory_space<vmem>> -> memref<2000xi32, #tpu.memory_space<vmem>>
    %dma_wait3A_26 = tpu.memref_slice %arg4[%add3A_14] : memref<640000xi32, #tpu.memory_space<hbm>> -> memref<2000xi32, #tpu.memory_space<hbm>>
    tpu.wait_dma2 semaphore(%arg13 : memref<!tpu.dma_semaphore, #tpu.memory_space<semaphore_mem>>) src(%dma_wait3A_26 : memref<2000xi32, #tpu.memory_space<hbm>>) dst(%dma_wait3A_25 : memref<2000xi32, #tpu.memory_space<vmem>>)
    %dma_wait3A_27 = tpu.memref_slice %arg9[%mul3A_12] : memref<4000xi32, #tpu.memory_space<vmem>> -> memref<2000xi32, #tpu.memory_space<vmem>>
    %dma_wait3A_28 = tpu.memref_slice %arg4[%add3A_16] : memref<640000xi32, #tpu.memory_space<hbm>> -> memref<2000xi32, #tpu.memory_space<hbm>>
    %dma_wait3A_29 = tpu.memref_slice %arg9[%mul3A_12] : memref<4000xi32, #tpu.memory_space<vmem>> -> memref<2000xi32, #tpu.memory_space<vmem>>
    %dma_wait3A_30 = tpu.memref_slice %arg4[%add3A_16] : memref<640000xi32, #tpu.memory_space<hbm>> -> memref<2000xi32, #tpu.memory_space<hbm>>
    tpu.wait_dma2 semaphore(%arg14 : memref<!tpu.dma_semaphore, #tpu.memory_space<semaphore_mem>>) src(%dma_wait3A_30 : memref<2000xi32, #tpu.memory_space<hbm>>) dst(%dma_wait3A_29 : memref<2000xi32, #tpu.memory_space<vmem>>)
    %rem3A_31 = arith.constant 1 : i32
    %rem3A_32 = arith.constant 2 : i32
    %rem3A_33 = arith.remsi %rem3A_31, %rem3A_32 : i32
    %mul3A_34 = arith.constant 2000 : i32
    %mul3A_35 = arith.muli %rem3A_33, %mul3A_34 : i32
    %add3A_36 = arith.constant 2000 : i32
    %add3A_37 = arith.addi %add3A_6, %add3A_36 : i32
    %add3A_38 = arith.constant 2000 : i32
    %add3A_39 = arith.addi %add3A_8, %add3A_38 : i32
    %dma_start3A_40 = tpu.memref_slice %arg8[%mul3A_35] : memref<4000xi32, #tpu.memory_space<vmem>> -> memref<2000xi32, #tpu.memory_space<vmem>>
    %dma_start3A_41 = tpu.memref_slice %arg4[%add3A_37] : memref<640000xi32, #tpu.memory_space<hbm>> -> memref<2000xi32, #tpu.memory_space<hbm>>
    %dma_start3A_42 = tpu.memref_slice %arg8[%mul3A_35] : memref<4000xi32, #tpu.memory_space<vmem>> -> memref<2000xi32, #tpu.memory_space<vmem>>
    %dma_start3A_43 = tpu.memref_slice %arg4[%add3A_37] : memref<640000xi32, #tpu.memory_space<hbm>> -> memref<2000xi32, #tpu.memory_space<hbm>>
    tpu.enqueue_dma source(%dma_start3A_43 : memref<2000xi32, #tpu.memory_space<hbm>>) target(%dma_start3A_42 : memref<2000xi32, #tpu.memory_space<vmem>>) target_semaphore(%arg13 : memref<!tpu.dma_semaphore, #tpu.memory_space<semaphore_mem>>)
    %dma_start3A_44 = tpu.memref_slice %arg9[%mul3A_35] : memref<4000xi32, #tpu.memory_space<vmem>> -> memref<2000xi32, #tpu.memory_space<vmem>>
    %dma_start3A_45 = tpu.memref_slice %arg4[%add3A_39] : memref<640000xi32, #tpu.memory_space<hbm>> -> memref<2000xi32, #tpu.memory_space<hbm>>
    %dma_start3A_46 = tpu.memref_slice %arg9[%mul3A_35] : memref<4000xi32, #tpu.memory_space<vmem>> -> memref<2000xi32, #tpu.memory_space<vmem>>
    %dma_start3A_47 = tpu.memref_slice %arg4[%add3A_39] : memref<640000xi32, #tpu.memory_space<hbm>> -> memref<2000xi32, #tpu.memory_space<hbm>>
    tpu.enqueue_dma source(%dma_start3A_47 : memref<2000xi32, #tpu.memory_space<hbm>>) target(%dma_start3A_46 : memref<2000xi32, #tpu.memory_space<vmem>>) target_semaphore(%arg14 : memref<!tpu.dma_semaphore, #tpu.memory_space<semaphore_mem>>)
    %div3A = arith.constant 0 : i32
    %div3A_48 = arith.constant 25 : i32
    %div3A_49 = arith.divsi %div3A, %div3A_48 : i32
    %rem3A_50 = arith.constant 2 : i32
    %rem3A_51 = arith.remsi %div3A_49, %rem3A_50 : i32
    %mul3A_52 = arith.constant 2000 : i32
    %mul3A_53 = arith.muli %rem3A_51, %mul3A_52 : i32
    %mul3A_54 = arith.constant 25 : i32
    %mul3A_55 = arith.muli %div3A_49, %mul3A_54 : i32
    %sub3A = arith.constant 0 : i32
    %sub3A_56 = arith.subi %sub3A, %mul3A_55 : i32
    %mul3A_57 = arith.constant 80 : i32
    %mul3A_58 = arith.muli %sub3A_56, %mul3A_57 : i32
    %add3A_59 = arith.addi %mul3A_53, %mul3A_58 : i32
    %dma_start3A_60 = arith.constant 0 : i32
    %dma_start3A_61 = arith.constant 0 : i32
    %dma_start3A_62 = arith.constant 0 : i32
    %dma_start3A_63 = tpu.memref_slice %arg10[%dma_start3A_61, %dma_start3A_62] : memref<320x128xf32, #tpu.memory_space<vmem>> -> memref<80x128xf32, #tpu.memory_space<vmem>>
    %dma_start3A_64 = tpu.memref_slice %arg8[%add3A_59] : memref<4000xi32, #tpu.memory_space<vmem>> -> memref<80xi32, #tpu.memory_space<vmem>>
    %dma_start3A_65 = arith.constant 0 : i32
    %dma_start3A_66 = arith.constant 0 : i32
    %dma_start3A_67 = tpu.memref_slice %arg2[%dma_start3A_65, %dma_start3A_66] : memref<10000x128xf32, #tpu.memory_space<hbm>> -> memref<10000x128xf32, #tpu.memory_space<hbm>>
    %dma_start3A_68 = tpu.memref_slice %arg11[%dma_start3A_60] : memref<4x!tpu.dma_semaphore, #tpu.memory_space<semaphore_mem>> -> memref<1x!tpu.dma_semaphore, #tpu.memory_space<semaphore_mem>>
    %dma_start3A_69 = tpu.memref_squeeze %dma_start3A_68 : memref<1x!tpu.dma_semaphore, #tpu.memory_space<semaphore_mem>> -> memref<!tpu.dma_semaphore, #tpu.memory_space<semaphore_mem>>
    tpu.enqueue_indirect_dma source(%dma_start3A_67 : memref<10000x128xf32, #tpu.memory_space<hbm>>) target(%dma_start3A_63 : memref<80x128xf32, #tpu.memory_space<vmem>>) offsets(%dma_start3A_64 : memref<80xi32, #tpu.memory_space<vmem>>) semaphore(%dma_start3A_69 : memref<!tpu.dma_semaphore, #tpu.memory_space<semaphore_mem>>)
    %div3A_70 = arith.constant 1 : i32
    %div3A_71 = arith.constant 25 : i32
    %div3A_72 = arith.divsi %div3A_70, %div3A_71 : i32
    %rem3A_73 = arith.constant 2 : i32
    %rem3A_74 = arith.remsi %div3A_72, %rem3A_73 : i32
    %mul3A_75 = arith.constant 2000 : i32
    %mul3A_76 = arith.muli %rem3A_74, %mul3A_75 : i32
    %mul3A_77 = arith.constant 25 : i32
    %mul3A_78 = arith.muli %div3A_72, %mul3A_77 : i32
    %sub3A_79 = arith.constant 1 : i32
    %sub3A_80 = arith.subi %sub3A_79, %mul3A_78 : i32
    %mul3A_81 = arith.constant 80 : i32
    %mul3A_82 = arith.muli %sub3A_80, %mul3A_81 : i32
    %add3A_83 = arith.addi %mul3A_76, %mul3A_82 : i32
    %dma_start3A_84 = arith.constant 1 : i32
    %dma_start3A_85 = arith.constant 80 : i32
    %dma_start3A_86 = arith.constant 0 : i32
    %dma_start3A_87 = tpu.memref_slice %arg10[%dma_start3A_85, %dma_start3A_86] : memref<320x128xf32, #tpu.memory_space<vmem>> -> memref<80x128xf32, #tpu.memory_space<vmem>>
    %dma_start3A_88 = tpu.memref_slice %arg8[%add3A_83] : memref<4000xi32, #tpu.memory_space<vmem>> -> memref<80xi32, #tpu.memory_space<vmem>>
    %dma_start3A_89 = arith.constant 0 : i32
    %dma_start3A_90 = arith.constant 0 : i32
    %dma_start3A_91 = tpu.memref_slice %arg2[%dma_start3A_89, %dma_start3A_90] : memref<10000x128xf32, #tpu.memory_space<hbm>> -> memref<10000x128xf32, #tpu.memory_space<hbm>>
    %dma_start3A_92 = tpu.memref_slice %arg11[%dma_start3A_84] : memref<4x!tpu.dma_semaphore, #tpu.memory_space<semaphore_mem>> -> memref<1x!tpu.dma_semaphore, #tpu.memory_space<semaphore_mem>>
    %dma_start3A_93 = tpu.memref_squeeze %dma_start3A_92 : memref<1x!tpu.dma_semaphore, #tpu.memory_space<semaphore_mem>> -> memref<!tpu.dma_semaphore, #tpu.memory_space<semaphore_mem>>
    tpu.enqueue_indirect_dma source(%dma_start3A_91 : memref<10000x128xf32, #tpu.memory_space<hbm>>) target(%dma_start3A_87 : memref<80x128xf32, #tpu.memory_space<vmem>>) offsets(%dma_start3A_88 : memref<80xi32, #tpu.memory_space<vmem>>) semaphore(%dma_start3A_93 : memref<!tpu.dma_semaphore, #tpu.memory_space<semaphore_mem>>)
    %div3A_94 = arith.constant 2 : i32
    %div3A_95 = arith.constant 25 : i32
    %div3A_96 = arith.divsi %div3A_94, %div3A_95 : i32
    %rem3A_97 = arith.constant 2 : i32
    %rem3A_98 = arith.remsi %div3A_96, %rem3A_97 : i32
    %mul3A_99 = arith.constant 2000 : i32
    %mul3A_100 = arith.muli %rem3A_98, %mul3A_99 : i32
    %mul3A_101 = arith.constant 25 : i32
    %mul3A_102 = arith.muli %div3A_96, %mul3A_101 : i32
    %sub3A_103 = arith.constant 2 : i32
    %sub3A_104 = arith.subi %sub3A_103, %mul3A_102 : i32
    %mul3A_105 = arith.constant 80 : i32
    %mul3A_106 = arith.muli %sub3A_104, %mul3A_105 : i32
    %add3A_107 = arith.addi %mul3A_100, %mul3A_106 : i32
    %dma_start3A_108 = arith.constant 2 : i32
    %dma_start3A_109 = arith.constant 160 : i32
    %dma_start3A_110 = arith.constant 0 : i32
    %dma_start3A_111 = tpu.memref_slice %arg10[%dma_start3A_109, %dma_start3A_110] : memref<320x128xf32, #tpu.memory_space<vmem>> -> memref<80x128xf32, #tpu.memory_space<vmem>>
    %dma_start3A_112 = tpu.memref_slice %arg8[%add3A_107] : memref<4000xi32, #tpu.memory_space<vmem>> -> memref<80xi32, #tpu.memory_space<vmem>>
    %dma_start3A_113 = arith.constant 0 : i32
    %dma_start3A_114 = arith.constant 0 : i32
    %dma_start3A_115 = tpu.memref_slice %arg2[%dma_start3A_113, %dma_start3A_114] : memref<10000x128xf32, #tpu.memory_space<hbm>> -> memref<10000x128xf32, #tpu.memory_space<hbm>>
    %dma_start3A_116 = tpu.memref_slice %arg11[%dma_start3A_108] : memref<4x!tpu.dma_semaphore, #tpu.memory_space<semaphore_mem>> -> memref<1x!tpu.dma_semaphore, #tpu.memory_space<semaphore_mem>>
    %dma_start3A_117 = tpu.memref_squeeze %dma_start3A_116 : memref<1x!tpu.dma_semaphore, #tpu.memory_space<semaphore_mem>> -> memref<!tpu.dma_semaphore, #tpu.memory_space<semaphore_mem>>
    tpu.enqueue_indirect_dma source(%dma_start3A_115 : memref<10000x128xf32, #tpu.memory_space<hbm>>) target(%dma_start3A_111 : memref<80x128xf32, #tpu.memory_space<vmem>>) offsets(%dma_start3A_112 : memref<80xi32, #tpu.memory_space<vmem>>) semaphore(%dma_start3A_117 : memref<!tpu.dma_semaphore, #tpu.memory_space<semaphore_mem>>)
    %scan3A = arith.constant 0 : i32
    %scan3A_118 = arith.constant 0 : i32
    %scan3A_119 = arith.constant 125 : i32
    %scan3A_120 = arith.addi %scan3A_118, %scan3A_119 : i32
    %scan3A_121 = arith.constant 1 : i32
    scf.for %scan3A_886 = %scan3A_118 to %scan3A_120 step %scan3A_121  : i32 {
      %rem3A_887 = arith.constant 4 : i32
      %rem3A_888 = arith.remsi %scan3A_886, %rem3A_887 : i32
      %add3A_889 = arith.constant 3 : i32
      %add3A_890 = arith.addi %scan3A_886, %add3A_889 : i32
      %rem3A_891 = arith.constant 4 : i32
      %rem3A_892 = arith.remsi %add3A_890, %rem3A_891 : i32
      %add3A_893 = arith.constant 3 : i32
      %add3A_894 = arith.addi %scan3A_886, %add3A_893 : i32
      %lt3A = arith.constant 125 : i32
      %lt3A_895 = arith.cmpi slt, %add3A_894, %lt3A : i32
      %convert_element_type3A = arith.extui %lt3A_895 : i1 to i32
      %cond3A = arith.constant 0 : i32
      %cond3A_896 = arith.cmpi ne, %convert_element_type3A, %cond3A : i32
      scf.if %cond3A_896 {
        %ge3A = arith.constant 1 : i32
        %ge3A_941 = arith.cmpi sge, %scan3A_886, %ge3A : i32
        %convert_element_type3A_942 = arith.extui %ge3A_941 : i1 to i32
        %cond3A_943 = arith.constant 0 : i32
        %cond3A_944 = arith.cmpi ne, %convert_element_type3A_942, %cond3A_943 : i32
        scf.if %cond3A_944 {
          %sub3A_985 = arith.constant 1 : i32
          %sub3A_986 = arith.subi %scan3A_886, %sub3A_985 : i32
          %mul3A_987 = arith.constant 80 : i32
          %mul3A_988 = arith.muli %rem3A_892, %mul3A_987 : i32
          %div3A_989 = arith.constant 25 : i32
          %div3A_990 = arith.divsi %sub3A_986, %div3A_989 : i32
          %rem3A_991 = arith.constant 2 : i32
          %rem3A_992 = arith.remsi %div3A_990, %rem3A_991 : i32
          %mul3A_993 = arith.constant 2000 : i32
          %mul3A_994 = arith.muli %rem3A_992, %mul3A_993 : i32
          %mul3A_995 = arith.constant 25 : i32
          %mul3A_996 = arith.muli %div3A_990, %mul3A_995 : i32
          %sub3A_997 = arith.subi %sub3A_986, %mul3A_996 : i32
          %mul3A_998 = arith.constant 80 : i32
          %mul3A_999 = arith.muli %sub3A_997, %mul3A_998 : i32
          %add3A_1000 = arith.addi %mul3A_994, %mul3A_999 : i32
          %dma_wait3A_1001 = arith.constant 0 : i32
          %dma_wait3A_1002 = tpu.memref_slice %arg10[%mul3A_988, %dma_wait3A_1001] : memref<320x128xf32, #tpu.memory_space<vmem>> -> memref<80x128xf32, #tpu.memory_space<vmem>>
          %dma_wait3A_1003 = tpu.memref_slice %arg9[%add3A_1000] : memref<4000xi32, #tpu.memory_space<vmem>> -> memref<80xi32, #tpu.memory_space<vmem>>
          %dma_wait3A_1004 = arith.constant 0 : i32
          %dma_wait3A_1005 = arith.constant 0 : i32
          %dma_wait3A_1006 = tpu.memref_slice %arg15[%dma_wait3A_1004, %dma_wait3A_1005] : memref<10112x128xf32, #tpu.memory_space<vmem_shared>> -> memref<10112x128xf32, #tpu.memory_space<vmem_shared>>
          %dma_wait3A_1007 = tpu.memref_slice %arg12[%rem3A_892] : memref<4x!tpu.dma_semaphore, #tpu.memory_space<semaphore_mem>> -> memref<1x!tpu.dma_semaphore, #tpu.memory_space<semaphore_mem>>
          %dma_wait3A_1008 = tpu.memref_squeeze %dma_wait3A_1007 : memref<1x!tpu.dma_semaphore, #tpu.memory_space<semaphore_mem>> -> memref<!tpu.dma_semaphore, #tpu.memory_space<semaphore_mem>>
          tpu.wait_indirect_dma semaphore(%dma_wait3A_1008 : memref<!tpu.dma_semaphore, #tpu.memory_space<semaphore_mem>>) src(%dma_wait3A_1002 : memref<80x128xf32, #tpu.memory_space<vmem>>) dst(%dma_wait3A_1006 : memref<10112x128xf32, #tpu.memory_space<vmem_shared>>)
        } else {
        }
        %rem3A_945 = arith.constant 25 : i32
        %rem3A_946 = arith.remsi %scan3A_886, %rem3A_945 : i32
        %eq3A = arith.constant 0 : i32
        %eq3A_947 = arith.cmpi eq, %rem3A_946, %eq3A : i32
        %gt3A = arith.constant 0 : i32
        %gt3A_948 = arith.cmpi sgt, %scan3A_886, %gt3A : i32
        %and3A = arith.andi %eq3A_947, %gt3A_948 : i1
        %convert_element_type3A_949 = arith.extui %and3A : i1 to i32
        %cond3A_950 = arith.constant 0 : i32
        %cond3A_951 = arith.cmpi ne, %convert_element_type3A_949, %cond3A_950 : i32
        scf.if %cond3A_951 {
          %div3A_985 = arith.constant 25 : i32
          %div3A_986 = arith.divsi %scan3A_886, %div3A_985 : i32
          %add3A_987 = arith.constant 1 : i32
          %add3A_988 = arith.addi %div3A_986, %add3A_987 : i32
          %lt3A_989 = arith.constant 5 : i32
          %lt3A_990 = arith.cmpi slt, %add3A_988, %lt3A_989 : i32
          %convert_element_type3A_991 = arith.extui %lt3A_990 : i1 to i32
          %cond3A_992 = arith.constant 0 : i32
          %cond3A_993 = arith.cmpi ne, %convert_element_type3A_991, %cond3A_992 : i32
          scf.if %cond3A_993 {
            %rem3A_994 = arith.constant 2 : i32
            %rem3A_995 = arith.remsi %add3A_988, %rem3A_994 : i32
            %mul3A_996 = arith.constant 2000 : i32
            %mul3A_997 = arith.muli %rem3A_995, %mul3A_996 : i32
            %mul3A_998 = arith.constant 2000 : i32
            %mul3A_999 = arith.muli %add3A_988, %mul3A_998 : i32
            %add3A_1000 = arith.addi %add3A_6, %mul3A_999 : i32
            %mul3A_1001 = arith.constant 2000 : i32
            %mul3A_1002 = arith.muli %add3A_988, %mul3A_1001 : i32
            %add3A_1003 = arith.addi %add3A_8, %mul3A_1002 : i32
            %dma_start3A_1004 = tpu.memref_slice %arg8[%mul3A_997] : memref<4000xi32, #tpu.memory_space<vmem>> -> memref<2000xi32, #tpu.memory_space<vmem>>
            %dma_start3A_1005 = tpu.memref_slice %arg4[%add3A_1000] : memref<640000xi32, #tpu.memory_space<hbm>> -> memref<2000xi32, #tpu.memory_space<hbm>>
            %dma_start3A_1006 = tpu.memref_slice %arg8[%mul3A_997] : memref<4000xi32, #tpu.memory_space<vmem>> -> memref<2000xi32, #tpu.memory_space<vmem>>
            %dma_start3A_1007 = tpu.memref_slice %arg4[%add3A_1000] : memref<640000xi32, #tpu.memory_space<hbm>> -> memref<2000xi32, #tpu.memory_space<hbm>>
            tpu.enqueue_dma source(%dma_start3A_1007 : memref<2000xi32, #tpu.memory_space<hbm>>) target(%dma_start3A_1006 : memref<2000xi32, #tpu.memory_space<vmem>>) target_semaphore(%arg13 : memref<!tpu.dma_semaphore, #tpu.memory_space<semaphore_mem>>)
            %dma_start3A_1008 = tpu.memref_slice %arg9[%mul3A_997] : memref<4000xi32, #tpu.memory_space<vmem>> -> memref<2000xi32, #tpu.memory_space<vmem>>
            %dma_start3A_1009 = tpu.memref_slice %arg4[%add3A_1003] : memref<640000xi32, #tpu.memory_space<hbm>> -> memref<2000xi32, #tpu.memory_space<hbm>>
            %dma_start3A_1010 = tpu.memref_slice %arg9[%mul3A_997] : memref<4000xi32, #tpu.memory_space<vmem>> -> memref<2000xi32, #tpu.memory_space<vmem>>
            %dma_start3A_1011 = tpu.memref_slice %arg4[%add3A_1003] : memref<640000xi32, #tpu.memory_space<hbm>> -> memref<2000xi32, #tpu.memory_space<hbm>>
            tpu.enqueue_dma source(%dma_start3A_1011 : memref<2000xi32, #tpu.memory_space<hbm>>) target(%dma_start3A_1010 : memref<2000xi32, #tpu.memory_space<vmem>>) target_semaphore(%arg14 : memref<!tpu.dma_semaphore, #tpu.memory_space<semaphore_mem>>)
          } else {
          }
        } else {
        }
        %add3A_952 = arith.constant 3 : i32
        %add3A_953 = arith.addi %scan3A_886, %add3A_952 : i32
        %rem3A_954 = arith.constant 25 : i32
        %rem3A_955 = arith.remsi %add3A_953, %rem3A_954 : i32
        %eq3A_956 = arith.constant 0 : i32
        %eq3A_957 = arith.cmpi eq, %rem3A_955, %eq3A_956 : i32
        %convert_element_type3A_958 = arith.extui %eq3A_957 : i1 to i32
        %cond3A_959 = arith.constant 0 : i32
        %cond3A_960 = arith.cmpi ne, %convert_element_type3A_958, %cond3A_959 : i32
        scf.if %cond3A_960 {
          %add3A_985 = arith.constant 3 : i32
          %add3A_986 = arith.addi %scan3A_886, %add3A_985 : i32
          %div3A_987 = arith.constant 25 : i32
          %div3A_988 = arith.divsi %add3A_986, %div3A_987 : i32
          %rem3A_989 = arith.constant 2 : i32
          %rem3A_990 = arith.remsi %div3A_988, %rem3A_989 : i32
          %mul3A_991 = arith.constant 2000 : i32
          %mul3A_992 = arith.muli %rem3A_990, %mul3A_991 : i32
          %mul3A_993 = arith.constant 2000 : i32
          %mul3A_994 = arith.muli %div3A_988, %mul3A_993 : i32
          %add3A_995 = arith.addi %add3A_6, %mul3A_994 : i32
          %mul3A_996 = arith.constant 2000 : i32
          %mul3A_997 = arith.muli %div3A_988, %mul3A_996 : i32
          %add3A_998 = arith.addi %add3A_8, %mul3A_997 : i32
          %dma_wait3A_999 = tpu.memref_slice %arg8[%mul3A_992] : memref<4000xi32, #tpu.memory_space<vmem>> -> memref<2000xi32, #tpu.memory_space<vmem>>
          %dma_wait3A_1000 = tpu.memref_slice %arg4[%add3A_995] : memref<640000xi32, #tpu.memory_space<hbm>> -> memref<2000xi32, #tpu.memory_space<hbm>>
          %dma_wait3A_1001 = tpu.memref_slice %arg8[%mul3A_992] : memref<4000xi32, #tpu.memory_space<vmem>> -> memref<2000xi32, #tpu.memory_space<vmem>>
          %dma_wait3A_1002 = tpu.memref_slice %arg4[%add3A_995] : memref<640000xi32, #tpu.memory_space<hbm>> -> memref<2000xi32, #tpu.memory_space<hbm>>
          tpu.wait_dma2 semaphore(%arg13 : memref<!tpu.dma_semaphore, #tpu.memory_space<semaphore_mem>>) src(%dma_wait3A_1002 : memref<2000xi32, #tpu.memory_space<hbm>>) dst(%dma_wait3A_1001 : memref<2000xi32, #tpu.memory_space<vmem>>)
          %dma_wait3A_1003 = tpu.memref_slice %arg9[%mul3A_992] : memref<4000xi32, #tpu.memory_space<vmem>> -> memref<2000xi32, #tpu.memory_space<vmem>>
          %dma_wait3A_1004 = tpu.memref_slice %arg4[%add3A_998] : memref<640000xi32, #tpu.memory_space<hbm>> -> memref<2000xi32, #tpu.memory_space<hbm>>
          %dma_wait3A_1005 = tpu.memref_slice %arg9[%mul3A_992] : memref<4000xi32, #tpu.memory_space<vmem>> -> memref<2000xi32, #tpu.memory_space<vmem>>
          %dma_wait3A_1006 = tpu.memref_slice %arg4[%add3A_998] : memref<640000xi32, #tpu.memory_space<hbm>> -> memref<2000xi32, #tpu.memory_space<hbm>>
          tpu.wait_dma2 semaphore(%arg14 : memref<!tpu.dma_semaphore, #tpu.memory_space<semaphore_mem>>) src(%dma_wait3A_1006 : memref<2000xi32, #tpu.memory_space<hbm>>) dst(%dma_wait3A_1005 : memref<2000xi32, #tpu.memory_space<vmem>>)
        } else {
        }
        %add3A_961 = arith.constant 3 : i32
        %add3A_962 = arith.addi %scan3A_886, %add3A_961 : i32
        %div3A_963 = arith.constant 25 : i32
        %div3A_964 = arith.divsi %add3A_962, %div3A_963 : i32
        %rem3A_965 = arith.constant 2 : i32
        %rem3A_966 = arith.remsi %div3A_964, %rem3A_965 : i32
        %mul3A_967 = arith.constant 2000 : i32
        %mul3A_968 = arith.muli %rem3A_966, %mul3A_967 : i32
        %mul3A_969 = arith.constant 25 : i32
        %mul3A_970 = arith.muli %div3A_964, %mul3A_969 : i32
        %sub3A_971 = arith.subi %add3A_962, %mul3A_970 : i32
        %mul3A_972 = arith.constant 80 : i32
        %mul3A_973 = arith.muli %sub3A_971, %mul3A_972 : i32
        %add3A_974 = arith.addi %mul3A_968, %mul3A_973 : i32
        %mul3A_975 = arith.constant 80 : i32
        %mul3A_976 = arith.muli %rem3A_892, %mul3A_975 : i32
        %dma_start3A_977 = arith.constant 0 : i32
        %dma_start3A_978 = tpu.memref_slice %arg10[%mul3A_976, %dma_start3A_977] : memref<320x128xf32, #tpu.memory_space<vmem>> -> memref<80x128xf32, #tpu.memory_space<vmem>>
        %dma_start3A_979 = tpu.memref_slice %arg8[%add3A_974] : memref<4000xi32, #tpu.memory_space<vmem>> -> memref<80xi32, #tpu.memory_space<vmem>>
        %dma_start3A_980 = arith.constant 0 : i32
        %dma_start3A_981 = arith.constant 0 : i32
        %dma_start3A_982 = tpu.memref_slice %arg2[%dma_start3A_980, %dma_start3A_981] : memref<10000x128xf32, #tpu.memory_space<hbm>> -> memref<10000x128xf32, #tpu.memory_space<hbm>>
        %dma_start3A_983 = tpu.memref_slice %arg11[%rem3A_892] : memref<4x!tpu.dma_semaphore, #tpu.memory_space<semaphore_mem>> -> memref<1x!tpu.dma_semaphore, #tpu.memory_space<semaphore_mem>>
        %dma_start3A_984 = tpu.memref_squeeze %dma_start3A_983 : memref<1x!tpu.dma_semaphore, #tpu.memory_space<semaphore_mem>> -> memref<!tpu.dma_semaphore, #tpu.memory_space<semaphore_mem>>
        tpu.enqueue_indirect_dma source(%dma_start3A_982 : memref<10000x128xf32, #tpu.memory_space<hbm>>) target(%dma_start3A_978 : memref<80x128xf32, #tpu.memory_space<vmem>>) offsets(%dma_start3A_979 : memref<80xi32, #tpu.memory_space<vmem>>) semaphore(%dma_start3A_984 : memref<!tpu.dma_semaphore, #tpu.memory_space<semaphore_mem>>)
      } else {
      }
      %div3A_897 = arith.constant 25 : i32
      %div3A_898 = arith.divsi %scan3A_886, %div3A_897 : i32
      %rem3A_899 = arith.constant 2 : i32
      %rem3A_900 = arith.remsi %div3A_898, %rem3A_899 : i32
      %mul3A_901 = arith.constant 2000 : i32
      %mul3A_902 = arith.muli %rem3A_900, %mul3A_901 : i32
      %mul3A_903 = arith.constant 25 : i32
      %mul3A_904 = arith.muli %div3A_898, %mul3A_903 : i32
      %sub3A_905 = arith.subi %scan3A_886, %mul3A_904 : i32
      %mul3A_906 = arith.constant 80 : i32
      %mul3A_907 = arith.muli %sub3A_905, %mul3A_906 : i32
      %add3A_908 = arith.addi %mul3A_902, %mul3A_907 : i32
      %mul3A_909 = arith.constant 80 : i32
      %mul3A_910 = arith.muli %rem3A_888, %mul3A_909 : i32
      %dma_wait3A_911 = arith.constant 0 : i32
      %dma_wait3A_912 = tpu.memref_slice %arg10[%mul3A_910, %dma_wait3A_911] : memref<320x128xf32, #tpu.memory_space<vmem>> -> memref<80x128xf32, #tpu.memory_space<vmem>>
      %dma_wait3A_913 = tpu.memref_slice %arg8[%add3A_908] : memref<4000xi32, #tpu.memory_space<vmem>> -> memref<80xi32, #tpu.memory_space<vmem>>
      %dma_wait3A_914 = arith.constant 0 : i32
      %dma_wait3A_915 = arith.constant 0 : i32
      %dma_wait3A_916 = tpu.memref_slice %arg2[%dma_wait3A_914, %dma_wait3A_915] : memref<10000x128xf32, #tpu.memory_space<hbm>> -> memref<10000x128xf32, #tpu.memory_space<hbm>>
      %dma_wait3A_917 = tpu.memref_slice %arg11[%rem3A_888] : memref<4x!tpu.dma_semaphore, #tpu.memory_space<semaphore_mem>> -> memref<1x!tpu.dma_semaphore, #tpu.memory_space<semaphore_mem>>
      %dma_wait3A_918 = tpu.memref_squeeze %dma_wait3A_917 : memref<1x!tpu.dma_semaphore, #tpu.memory_space<semaphore_mem>> -> memref<!tpu.dma_semaphore, #tpu.memory_space<semaphore_mem>>
      tpu.wait_indirect_dma semaphore(%dma_wait3A_918 : memref<!tpu.dma_semaphore, #tpu.memory_space<semaphore_mem>>) src(%dma_wait3A_916 : memref<10000x128xf32, #tpu.memory_space<hbm>>) dst(%dma_wait3A_912 : memref<80x128xf32, #tpu.memory_space<vmem>>)
      %mul3A_919 = arith.constant 80 : i32
      %mul3A_920 = arith.muli %rem3A_888, %mul3A_919 : i32
      %div3A_921 = arith.constant 25 : i32
      %div3A_922 = arith.divsi %scan3A_886, %div3A_921 : i32
      %rem3A_923 = arith.constant 2 : i32
      %rem3A_924 = arith.remsi %div3A_922, %rem3A_923 : i32
      %mul3A_925 = arith.constant 2000 : i32
      %mul3A_926 = arith.muli %rem3A_924, %mul3A_925 : i32
      %mul3A_927 = arith.constant 25 : i32
      %mul3A_928 = arith.muli %div3A_922, %mul3A_927 : i32
      %sub3A_929 = arith.subi %scan3A_886, %mul3A_928 : i32
      %mul3A_930 = arith.constant 80 : i32
      %mul3A_931 = arith.muli %sub3A_929, %mul3A_930 : i32
      %add3A_932 = arith.addi %mul3A_926, %mul3A_931 : i32
      %dma_start3A_933 = arith.constant 0 : i32
      %dma_start3A_934 = tpu.memref_slice %arg10[%mul3A_920, %dma_start3A_933] : memref<320x128xf32, #tpu.memory_space<vmem>> -> memref<80x128xf32, #tpu.memory_space<vmem>>
      %dma_start3A_935 = tpu.memref_slice %arg9[%add3A_932] : memref<4000xi32, #tpu.memory_space<vmem>> -> memref<80xi32, #tpu.memory_space<vmem>>
      %dma_start3A_936 = arith.constant 0 : i32
      %dma_start3A_937 = arith.constant 0 : i32
      %dma_start3A_938 = tpu.memref_slice %arg15[%dma_start3A_936, %dma_start3A_937] : memref<10112x128xf32, #tpu.memory_space<vmem_shared>> -> memref<10112x128xf32, #tpu.memory_space<vmem_shared>>
      %dma_start3A_939 = tpu.memref_slice %arg12[%rem3A_888] : memref<4x!tpu.dma_semaphore, #tpu.memory_space<semaphore_mem>> -> memref<1x!tpu.dma_semaphore, #tpu.memory_space<semaphore_mem>>
      %dma_start3A_940 = tpu.memref_squeeze %dma_start3A_939 : memref<1x!tpu.dma_semaphore, #tpu.memory_space<semaphore_mem>> -> memref<!tpu.dma_semaphore, #tpu.memory_space<semaphore_mem>>
      tpu.enqueue_indirect_dma source(%dma_start3A_934 : memref<80x128xf32, #tpu.memory_space<vmem>>) target(%dma_start3A_938 : memref<10112x128xf32, #tpu.memory_space<vmem_shared>>) offsets(%dma_start3A_935 : memref<80xi32, #tpu.memory_space<vmem>>) semaphore(%dma_start3A_940 : memref<!tpu.dma_semaphore, #tpu.memory_space<semaphore_mem>>) {add = true}
    }
    %scan3A_122 = arith.constant 125 : i32
    %div3A_123 = arith.constant 121 : i32
    %div3A_124 = arith.constant 25 : i32
    %div3A_125 = arith.divsi %div3A_123, %div3A_124 : i32
    %rem3A_126 = arith.constant 2 : i32
    %rem3A_127 = arith.remsi %div3A_125, %rem3A_126 : i32
    %mul3A_128 = arith.constant 2000 : i32
    %mul3A_129 = arith.muli %rem3A_127, %mul3A_128 : i32
    %mul3A_130 = arith.constant 25 : i32
    %mul3A_131 = arith.muli %div3A_125, %mul3A_130 : i32
    %sub3A_132 = arith.constant 121 : i32
    %sub3A_133 = arith.subi %sub3A_132, %mul3A_131 : i32
    %mul3A_134 = arith.constant 80 : i32
    %mul3A_135 = arith.muli %sub3A_133, %mul3A_134 : i32
    %add3A_136 = arith.addi %mul3A_129, %mul3A_135 : i32
    %dma_wait3A_137 = arith.constant 1 : i32
    %dma_wait3A_138 = arith.constant 80 : i32
    %dma_wait3A_139 = arith.constant 0 : i32
    %dma_wait3A_140 = tpu.memref_slice %arg10[%dma_wait3A_138, %dma_wait3A_139] : memref<320x128xf32, #tpu.memory_space<vmem>> -> memref<80x128xf32, #tpu.memory_space<vmem>>
    %dma_wait3A_141 = tpu.memref_slice %arg9[%add3A_136] : memref<4000xi32, #tpu.memory_space<vmem>> -> memref<80xi32, #tpu.memory_space<vmem>>
    %dma_wait3A_142 = arith.constant 0 : i32
    %dma_wait3A_143 = arith.constant 0 : i32
    %dma_wait3A_144 = tpu.memref_slice %arg15[%dma_wait3A_142, %dma_wait3A_143] : memref<10112x128xf32, #tpu.memory_space<vmem_shared>> -> memref<10112x128xf32, #tpu.memory_space<vmem_shared>>
    %dma_wait3A_145 = tpu.memref_slice %arg12[%dma_wait3A_137] : memref<4x!tpu.dma_semaphore, #tpu.memory_space<semaphore_mem>> -> memref<1x!tpu.dma_semaphore, #tpu.memory_space<semaphore_mem>>
    %dma_wait3A_146 = tpu.memref_squeeze %dma_wait3A_145 : memref<1x!tpu.dma_semaphore, #tpu.memory_space<semaphore_mem>> -> memref<!tpu.dma_semaphore, #tpu.memory_space<semaphore_mem>>
    tpu.wait_indirect_dma semaphore(%dma_wait3A_146 : memref<!tpu.dma_semaphore, #tpu.memory_space<semaphore_mem>>) src(%dma_wait3A_140 : memref<80x128xf32, #tpu.memory_space<vmem>>) dst(%dma_wait3A_144 : memref<10112x128xf32, #tpu.memory_space<vmem_shared>>)
    %div3A_147 = arith.constant 122 : i32
    %div3A_148 = arith.constant 25 : i32
    %div3A_149 = arith.divsi %div3A_147, %div3A_148 : i32
    %rem3A_150 = arith.constant 2 : i32
    %rem3A_151 = arith.remsi %div3A_149, %rem3A_150 : i32
    %mul3A_152 = arith.constant 2000 : i32
    %mul3A_153 = arith.muli %rem3A_151, %mul3A_152 : i32
    %mul3A_154 = arith.constant 25 : i32
    %mul3A_155 = arith.muli %div3A_149, %mul3A_154 : i32
    %sub3A_156 = arith.constant 122 : i32
    %sub3A_157 = arith.subi %sub3A_156, %mul3A_155 : i32
    %mul3A_158 = arith.constant 80 : i32
    %mul3A_159 = arith.muli %sub3A_157, %mul3A_158 : i32
    %add3A_160 = arith.addi %mul3A_153, %mul3A_159 : i32
    %dma_wait3A_161 = arith.constant 2 : i32
    %dma_wait3A_162 = arith.constant 160 : i32
    %dma_wait3A_163 = arith.constant 0 : i32
    %dma_wait3A_164 = tpu.memref_slice %arg10[%dma_wait3A_162, %dma_wait3A_163] : memref<320x128xf32, #tpu.memory_space<vmem>> -> memref<80x128xf32, #tpu.memory_space<vmem>>
    %dma_wait3A_165 = tpu.memref_slice %arg9[%add3A_160] : memref<4000xi32, #tpu.memory_space<vmem>> -> memref<80xi32, #tpu.memory_space<vmem>>
    %dma_wait3A_166 = arith.constant 0 : i32
    %dma_wait3A_167 = arith.constant 0 : i32
    %dma_wait3A_168 = tpu.memref_slice %arg15[%dma_wait3A_166, %dma_wait3A_167] : memref<10112x128xf32, #tpu.memory_space<vmem_shared>> -> memref<10112x128xf32, #tpu.memory_space<vmem_shared>>
    %dma_wait3A_169 = tpu.memref_slice %arg12[%dma_wait3A_161] : memref<4x!tpu.dma_semaphore, #tpu.memory_space<semaphore_mem>> -> memref<1x!tpu.dma_semaphore, #tpu.memory_space<semaphore_mem>>
    %dma_wait3A_170 = tpu.memref_squeeze %dma_wait3A_169 : memref<1x!tpu.dma_semaphore, #tpu.memory_space<semaphore_mem>> -> memref<!tpu.dma_semaphore, #tpu.memory_space<semaphore_mem>>
    tpu.wait_indirect_dma semaphore(%dma_wait3A_170 : memref<!tpu.dma_semaphore, #tpu.memory_space<semaphore_mem>>) src(%dma_wait3A_164 : memref<80x128xf32, #tpu.memory_space<vmem>>) dst(%dma_wait3A_168 : memref<10112x128xf32, #tpu.memory_space<vmem_shared>>)
    %div3A_171 = arith.constant 123 : i32
    %div3A_172 = arith.constant 25 : i32
    %div3A_173 = arith.divsi %div3A_171, %div3A_172 : i32
    %rem3A_174 = arith.constant 2 : i32
    %rem3A_175 = arith.remsi %div3A_173, %rem3A_174 : i32
    %mul3A_176 = arith.constant 2000 : i32
    %mul3A_177 = arith.muli %rem3A_175, %mul3A_176 : i32
    %mul3A_178 = arith.constant 25 : i32
    %mul3A_179 = arith.muli %div3A_173, %mul3A_178 : i32
    %sub3A_180 = arith.constant 123 : i32
    %sub3A_181 = arith.subi %sub3A_180, %mul3A_179 : i32
    %mul3A_182 = arith.constant 80 : i32
    %mul3A_183 = arith.muli %sub3A_181, %mul3A_182 : i32
    %add3A_184 = arith.addi %mul3A_177, %mul3A_183 : i32
    %dma_wait3A_185 = arith.constant 3 : i32
    %dma_wait3A_186 = arith.constant 240 : i32
    %dma_wait3A_187 = arith.constant 0 : i32
    %dma_wait3A_188 = tpu.memref_slice %arg10[%dma_wait3A_186, %dma_wait3A_187] : memref<320x128xf32, #tpu.memory_space<vmem>> -> memref<80x128xf32, #tpu.memory_space<vmem>>
    %dma_wait3A_189 = tpu.memref_slice %arg9[%add3A_184] : memref<4000xi32, #tpu.memory_space<vmem>> -> memref<80xi32, #tpu.memory_space<vmem>>
    %dma_wait3A_190 = arith.constant 0 : i32
    %dma_wait3A_191 = arith.constant 0 : i32
    %dma_wait3A_192 = tpu.memref_slice %arg15[%dma_wait3A_190, %dma_wait3A_191] : memref<10112x128xf32, #tpu.memory_space<vmem_shared>> -> memref<10112x128xf32, #tpu.memory_space<vmem_shared>>
    %dma_wait3A_193 = tpu.memref_slice %arg12[%dma_wait3A_185] : memref<4x!tpu.dma_semaphore, #tpu.memory_space<semaphore_mem>> -> memref<1x!tpu.dma_semaphore, #tpu.memory_space<semaphore_mem>>
    %dma_wait3A_194 = tpu.memref_squeeze %dma_wait3A_193 : memref<1x!tpu.dma_semaphore, #tpu.memory_space<semaphore_mem>> -> memref<!tpu.dma_semaphore, #tpu.memory_space<semaphore_mem>>
    tpu.wait_indirect_dma semaphore(%dma_wait3A_194 : memref<!tpu.dma_semaphore, #tpu.memory_space<semaphore_mem>>) src(%dma_wait3A_188 : memref<80x128xf32, #tpu.memory_space<vmem>>) dst(%dma_wait3A_192 : memref<10112x128xf32, #tpu.memory_space<vmem_shared>>)
    %div3A_195 = arith.constant 124 : i32
    %div3A_196 = arith.constant 25 : i32
    %div3A_197 = arith.divsi %div3A_195, %div3A_196 : i32
    %rem3A_198 = arith.constant 2 : i32
    %rem3A_199 = arith.remsi %div3A_197, %rem3A_198 : i32
    %mul3A_200 = arith.constant 2000 : i32
    %mul3A_201 = arith.muli %rem3A_199, %mul3A_200 : i32
    %mul3A_202 = arith.constant 25 : i32
    %mul3A_203 = arith.muli %div3A_197, %mul3A_202 : i32
    %sub3A_204 = arith.constant 124 : i32
    %sub3A_205 = arith.subi %sub3A_204, %mul3A_203 : i32
    %mul3A_206 = arith.constant 80 : i32
    %mul3A_207 = arith.muli %sub3A_205, %mul3A_206 : i32
    %add3A_208 = arith.addi %mul3A_201, %mul3A_207 : i32
    %dma_wait3A_209 = arith.constant 0 : i32
    %dma_wait3A_210 = arith.constant 0 : i32
    %dma_wait3A_211 = arith.constant 0 : i32
    %dma_wait3A_212 = tpu.memref_slice %arg10[%dma_wait3A_210, %dma_wait3A_211] : memref<320x128xf32, #tpu.memory_space<vmem>> -> memref<80x128xf32, #tpu.memory_space<vmem>>
    %dma_wait3A_213 = tpu.memref_slice %arg9[%add3A_208] : memref<4000xi32, #tpu.memory_space<vmem>> -> memref<80xi32, #tpu.memory_space<vmem>>
    %dma_wait3A_214 = arith.constant 0 : i32
    %dma_wait3A_215 = arith.constant 0 : i32
    %dma_wait3A_216 = tpu.memref_slice %arg15[%dma_wait3A_214, %dma_wait3A_215] : memref<10112x128xf32, #tpu.memory_space<vmem_shared>> -> memref<10112x128xf32, #tpu.memory_space<vmem_shared>>
    %dma_wait3A_217 = tpu.memref_slice %arg12[%dma_wait3A_209] : memref<4x!tpu.dma_semaphore, #tpu.memory_space<semaphore_mem>> -> memref<1x!tpu.dma_semaphore, #tpu.memory_space<semaphore_mem>>
    %dma_wait3A_218 = tpu.memref_squeeze %dma_wait3A_217 : memref<1x!tpu.dma_semaphore, #tpu.memory_space<semaphore_mem>> -> memref<!tpu.dma_semaphore, #tpu.memory_space<semaphore_mem>>
    tpu.wait_indirect_dma semaphore(%dma_wait3A_218 : memref<!tpu.dma_semaphore, #tpu.memory_space<semaphore_mem>>) src(%dma_wait3A_212 : memref<80x128xf32, #tpu.memory_space<vmem>>) dst(%dma_wait3A_216 : memref<10112x128xf32, #tpu.memory_space<vmem_shared>>)
    %add3A_219 = arith.constant 0 : i32
    %add3A_220 = arith.addi %add3A_219, %mul3A_2 : i32
    %add3A_221 = arith.constant 320000 : i32
    %add3A_222 = arith.addi %add3A_221, %mul3A_2 : i32
    %rem3A_223 = arith.constant 0 : i32
    %rem3A_224 = arith.constant 2 : i32
    %rem3A_225 = arith.remsi %rem3A_223, %rem3A_224 : i32
    %mul3A_226 = arith.constant 2000 : i32
    %mul3A_227 = arith.muli %rem3A_225, %mul3A_226 : i32
    %add3A_228 = arith.constant 0 : i32
    %add3A_229 = arith.addi %add3A_220, %add3A_228 : i32
    %add3A_230 = arith.constant 0 : i32
    %add3A_231 = arith.addi %add3A_222, %add3A_230 : i32
    %dma_start3A_232 = tpu.memref_slice %arg8[%mul3A_227] : memref<4000xi32, #tpu.memory_space<vmem>> -> memref<2000xi32, #tpu.memory_space<vmem>>
    %dma_start3A_233 = tpu.memref_slice %arg4[%add3A_229] : memref<640000xi32, #tpu.memory_space<hbm>> -> memref<2000xi32, #tpu.memory_space<hbm>>
    %dma_start3A_234 = tpu.memref_slice %arg8[%mul3A_227] : memref<4000xi32, #tpu.memory_space<vmem>> -> memref<2000xi32, #tpu.memory_space<vmem>>
    %dma_start3A_235 = tpu.memref_slice %arg4[%add3A_229] : memref<640000xi32, #tpu.memory_space<hbm>> -> memref<2000xi32, #tpu.memory_space<hbm>>
    tpu.enqueue_dma source(%dma_start3A_235 : memref<2000xi32, #tpu.memory_space<hbm>>) target(%dma_start3A_234 : memref<2000xi32, #tpu.memory_space<vmem>>) target_semaphore(%arg13 : memref<!tpu.dma_semaphore, #tpu.memory_space<semaphore_mem>>)
    %dma_start3A_236 = tpu.memref_slice %arg9[%mul3A_227] : memref<4000xi32, #tpu.memory_space<vmem>> -> memref<2000xi32, #tpu.memory_space<vmem>>
    %dma_start3A_237 = tpu.memref_slice %arg4[%add3A_231] : memref<640000xi32, #tpu.memory_space<hbm>> -> memref<2000xi32, #tpu.memory_space<hbm>>
    %dma_start3A_238 = tpu.memref_slice %arg9[%mul3A_227] : memref<4000xi32, #tpu.memory_space<vmem>> -> memref<2000xi32, #tpu.memory_space<vmem>>
    %dma_start3A_239 = tpu.memref_slice %arg4[%add3A_231] : memref<640000xi32, #tpu.memory_space<hbm>> -> memref<2000xi32, #tpu.memory_space<hbm>>
    tpu.enqueue_dma source(%dma_start3A_239 : memref<2000xi32, #tpu.memory_space<hbm>>) target(%dma_start3A_238 : memref<2000xi32, #tpu.memory_space<vmem>>) target_semaphore(%arg14 : memref<!tpu.dma_semaphore, #tpu.memory_space<semaphore_mem>>)
    %dma_wait3A_240 = tpu.memref_slice %arg8[%mul3A_227] : memref<4000xi32, #tpu.memory_space<vmem>> -> memref<2000xi32, #tpu.memory_space<vmem>>
    %dma_wait3A_241 = tpu.memref_slice %arg4[%add3A_229] : memref<640000xi32, #tpu.memory_space<hbm>> -> memref<2000xi32, #tpu.memory_space<hbm>>
    %dma_wait3A_242 = tpu.memref_slice %arg8[%mul3A_227] : memref<4000xi32, #tpu.memory_space<vmem>> -> memref<2000xi32, #tpu.memory_space<vmem>>
    %dma_wait3A_243 = tpu.memref_slice %arg4[%add3A_229] : memref<640000xi32, #tpu.memory_space<hbm>> -> memref<2000xi32, #tpu.memory_space<hbm>>
    tpu.wait_dma2 semaphore(%arg13 : memref<!tpu.dma_semaphore, #tpu.memory_space<semaphore_mem>>) src(%dma_wait3A_243 : memref<2000xi32, #tpu.memory_space<hbm>>) dst(%dma_wait3A_242 : memref<2000xi32, #tpu.memory_space<vmem>>)
    %dma_wait3A_244 = tpu.memref_slice %arg9[%mul3A_227] : memref<4000xi32, #tpu.memory_space<vmem>> -> memref<2000xi32, #tpu.memory_space<vmem>>
    %dma_wait3A_245 = tpu.memref_slice %arg4[%add3A_231] : memref<640000xi32, #tpu.memory_space<hbm>> -> memref<2000xi32, #tpu.memory_space<hbm>>
    %dma_wait3A_246 = tpu.memref_slice %arg9[%mul3A_227] : memref<4000xi32, #tpu.memory_space<vmem>> -> memref<2000xi32, #tpu.memory_space<vmem>>
    %dma_wait3A_247 = tpu.memref_slice %arg4[%add3A_231] : memref<640000xi32, #tpu.memory_space<hbm>> -> memref<2000xi32, #tpu.memory_space<hbm>>
    tpu.wait_dma2 semaphore(%arg14 : memref<!tpu.dma_semaphore, #tpu.memory_space<semaphore_mem>>) src(%dma_wait3A_247 : memref<2000xi32, #tpu.memory_space<hbm>>) dst(%dma_wait3A_246 : memref<2000xi32, #tpu.memory_space<vmem>>)
    %rem3A_248 = arith.constant 1 : i32
    %rem3A_249 = arith.constant 2 : i32
    %rem3A_250 = arith.remsi %rem3A_248, %rem3A_249 : i32
    %mul3A_251 = arith.constant 2000 : i32
    %mul3A_252 = arith.muli %rem3A_250, %mul3A_251 : i32
    %add3A_253 = arith.constant 2000 : i32
    %add3A_254 = arith.addi %add3A_220, %add3A_253 : i32
    %add3A_255 = arith.constant 2000 : i32
    %add3A_256 = arith.addi %add3A_222, %add3A_255 : i32
    %dma_start3A_257 = tpu.memref_slice %arg8[%mul3A_252] : memref<4000xi32, #tpu.memory_space<vmem>> -> memref<2000xi32, #tpu.memory_space<vmem>>
    %dma_start3A_258 = tpu.memref_slice %arg4[%add3A_254] : memref<640000xi32, #tpu.memory_space<hbm>> -> memref<2000xi32, #tpu.memory_space<hbm>>
    %dma_start3A_259 = tpu.memref_slice %arg8[%mul3A_252] : memref<4000xi32, #tpu.memory_space<vmem>> -> memref<2000xi32, #tpu.memory_space<vmem>>
    %dma_start3A_260 = tpu.memref_slice %arg4[%add3A_254] : memref<640000xi32, #tpu.memory_space<hbm>> -> memref<2000xi32, #tpu.memory_space<hbm>>
    tpu.enqueue_dma source(%dma_start3A_260 : memref<2000xi32, #tpu.memory_space<hbm>>) target(%dma_start3A_259 : memref<2000xi32, #tpu.memory_space<vmem>>) target_semaphore(%arg13 : memref<!tpu.dma_semaphore, #tpu.memory_space<semaphore_mem>>)
    %dma_start3A_261 = tpu.memref_slice %arg9[%mul3A_252] : memref<4000xi32, #tpu.memory_space<vmem>> -> memref<2000xi32, #tpu.memory_space<vmem>>
    %dma_start3A_262 = tpu.memref_slice %arg4[%add3A_256] : memref<640000xi32, #tpu.memory_space<hbm>> -> memref<2000xi32, #tpu.memory_space<hbm>>
    %dma_start3A_263 = tpu.memref_slice %arg9[%mul3A_252] : memref<4000xi32, #tpu.memory_space<vmem>> -> memref<2000xi32, #tpu.memory_space<vmem>>
    %dma_start3A_264 = tpu.memref_slice %arg4[%add3A_256] : memref<640000xi32, #tpu.memory_space<hbm>> -> memref<2000xi32, #tpu.memory_space<hbm>>
    tpu.enqueue_dma source(%dma_start3A_264 : memref<2000xi32, #tpu.memory_space<hbm>>) target(%dma_start3A_263 : memref<2000xi32, #tpu.memory_space<vmem>>) target_semaphore(%arg14 : memref<!tpu.dma_semaphore, #tpu.memory_space<semaphore_mem>>)
    %div3A_265 = arith.constant 0 : i32
    %div3A_266 = arith.constant 25 : i32
    %div3A_267 = arith.divsi %div3A_265, %div3A_266 : i32
    %rem3A_268 = arith.constant 2 : i32
    %rem3A_269 = arith.remsi %div3A_267, %rem3A_268 : i32
    %mul3A_270 = arith.constant 2000 : i32
    %mul3A_271 = arith.muli %rem3A_269, %mul3A_270 : i32
    %mul3A_272 = arith.constant 25 : i32
    %mul3A_273 = arith.muli %div3A_267, %mul3A_272 : i32
    %sub3A_274 = arith.constant 0 : i32
    %sub3A_275 = arith.subi %sub3A_274, %mul3A_273 : i32
    %mul3A_276 = arith.constant 80 : i32
    %mul3A_277 = arith.muli %sub3A_275, %mul3A_276 : i32
    %add3A_278 = arith.addi %mul3A_271, %mul3A_277 : i32
    %dma_start3A_279 = arith.constant 0 : i32
    %dma_start3A_280 = arith.constant 0 : i32
    %dma_start3A_281 = arith.constant 0 : i32
    %dma_start3A_282 = tpu.memref_slice %arg10[%dma_start3A_280, %dma_start3A_281] : memref<320x128xf32, #tpu.memory_space<vmem>> -> memref<80x128xf32, #tpu.memory_space<vmem>>
    %dma_start3A_283 = tpu.memref_slice %arg8[%add3A_278] : memref<4000xi32, #tpu.memory_space<vmem>> -> memref<80xi32, #tpu.memory_space<vmem>>
    %dma_start3A_284 = arith.constant 0 : i32
    %dma_start3A_285 = arith.constant 0 : i32
    %dma_start3A_286 = tpu.memref_slice %arg2[%dma_start3A_284, %dma_start3A_285] : memref<10000x128xf32, #tpu.memory_space<hbm>> -> memref<10000x128xf32, #tpu.memory_space<hbm>>
    %dma_start3A_287 = tpu.memref_slice %arg11[%dma_start3A_279] : memref<4x!tpu.dma_semaphore, #tpu.memory_space<semaphore_mem>> -> memref<1x!tpu.dma_semaphore, #tpu.memory_space<semaphore_mem>>
    %dma_start3A_288 = tpu.memref_squeeze %dma_start3A_287 : memref<1x!tpu.dma_semaphore, #tpu.memory_space<semaphore_mem>> -> memref<!tpu.dma_semaphore, #tpu.memory_space<semaphore_mem>>
    tpu.enqueue_indirect_dma source(%dma_start3A_286 : memref<10000x128xf32, #tpu.memory_space<hbm>>) target(%dma_start3A_282 : memref<80x128xf32, #tpu.memory_space<vmem>>) offsets(%dma_start3A_283 : memref<80xi32, #tpu.memory_space<vmem>>) semaphore(%dma_start3A_288 : memref<!tpu.dma_semaphore, #tpu.memory_space<semaphore_mem>>)
    %div3A_289 = arith.constant 1 : i32
    %div3A_290 = arith.constant 25 : i32
    %div3A_291 = arith.divsi %div3A_289, %div3A_290 : i32
    %rem3A_292 = arith.constant 2 : i32
    %rem3A_293 = arith.remsi %div3A_291, %rem3A_292 : i32
    %mul3A_294 = arith.constant 2000 : i32
    %mul3A_295 = arith.muli %rem3A_293, %mul3A_294 : i32
    %mul3A_296 = arith.constant 25 : i32
    %mul3A_297 = arith.muli %div3A_291, %mul3A_296 : i32
    %sub3A_298 = arith.constant 1 : i32
    %sub3A_299 = arith.subi %sub3A_298, %mul3A_297 : i32
    %mul3A_300 = arith.constant 80 : i32
    %mul3A_301 = arith.muli %sub3A_299, %mul3A_300 : i32
    %add3A_302 = arith.addi %mul3A_295, %mul3A_301 : i32
    %dma_start3A_303 = arith.constant 1 : i32
    %dma_start3A_304 = arith.constant 80 : i32
    %dma_start3A_305 = arith.constant 0 : i32
    %dma_start3A_306 = tpu.memref_slice %arg10[%dma_start3A_304, %dma_start3A_305] : memref<320x128xf32, #tpu.memory_space<vmem>> -> memref<80x128xf32, #tpu.memory_space<vmem>>
    %dma_start3A_307 = tpu.memref_slice %arg8[%add3A_302] : memref<4000xi32, #tpu.memory_space<vmem>> -> memref<80xi32, #tpu.memory_space<vmem>>
    %dma_start3A_308 = arith.constant 0 : i32
    %dma_start3A_309 = arith.constant 0 : i32
    %dma_start3A_310 = tpu.memref_slice %arg2[%dma_start3A_308, %dma_start3A_309] : memref<10000x128xf32, #tpu.memory_space<hbm>> -> memref<10000x128xf32, #tpu.memory_space<hbm>>
    %dma_start3A_311 = tpu.memref_slice %arg11[%dma_start3A_303] : memref<4x!tpu.dma_semaphore, #tpu.memory_space<semaphore_mem>> -> memref<1x!tpu.dma_semaphore, #tpu.memory_space<semaphore_mem>>
    %dma_start3A_312 = tpu.memref_squeeze %dma_start3A_311 : memref<1x!tpu.dma_semaphore, #tpu.memory_space<semaphore_mem>> -> memref<!tpu.dma_semaphore, #tpu.memory_space<semaphore_mem>>
    tpu.enqueue_indirect_dma source(%dma_start3A_310 : memref<10000x128xf32, #tpu.memory_space<hbm>>) target(%dma_start3A_306 : memref<80x128xf32, #tpu.memory_space<vmem>>) offsets(%dma_start3A_307 : memref<80xi32, #tpu.memory_space<vmem>>) semaphore(%dma_start3A_312 : memref<!tpu.dma_semaphore, #tpu.memory_space<semaphore_mem>>)
    %div3A_313 = arith.constant 2 : i32
    %div3A_314 = arith.constant 25 : i32
    %div3A_315 = arith.divsi %div3A_313, %div3A_314 : i32
    %rem3A_316 = arith.constant 2 : i32
    %rem3A_317 = arith.remsi %div3A_315, %rem3A_316 : i32
    %mul3A_318 = arith.constant 2000 : i32
    %mul3A_319 = arith.muli %rem3A_317, %mul3A_318 : i32
    %mul3A_320 = arith.constant 25 : i32
    %mul3A_321 = arith.muli %div3A_315, %mul3A_320 : i32
    %sub3A_322 = arith.constant 2 : i32
    %sub3A_323 = arith.subi %sub3A_322, %mul3A_321 : i32
    %mul3A_324 = arith.constant 80 : i32
    %mul3A_325 = arith.muli %sub3A_323, %mul3A_324 : i32
    %add3A_326 = arith.addi %mul3A_319, %mul3A_325 : i32
    %dma_start3A_327 = arith.constant 2 : i32
    %dma_start3A_328 = arith.constant 160 : i32
    %dma_start3A_329 = arith.constant 0 : i32
    %dma_start3A_330 = tpu.memref_slice %arg10[%dma_start3A_328, %dma_start3A_329] : memref<320x128xf32, #tpu.memory_space<vmem>> -> memref<80x128xf32, #tpu.memory_space<vmem>>
    %dma_start3A_331 = tpu.memref_slice %arg8[%add3A_326] : memref<4000xi32, #tpu.memory_space<vmem>> -> memref<80xi32, #tpu.memory_space<vmem>>
    %dma_start3A_332 = arith.constant 0 : i32
    %dma_start3A_333 = arith.constant 0 : i32
    %dma_start3A_334 = tpu.memref_slice %arg2[%dma_start3A_332, %dma_start3A_333] : memref<10000x128xf32, #tpu.memory_space<hbm>> -> memref<10000x128xf32, #tpu.memory_space<hbm>>
    %dma_start3A_335 = tpu.memref_slice %arg11[%dma_start3A_327] : memref<4x!tpu.dma_semaphore, #tpu.memory_space<semaphore_mem>> -> memref<1x!tpu.dma_semaphore, #tpu.memory_space<semaphore_mem>>
    %dma_start3A_336 = tpu.memref_squeeze %dma_start3A_335 : memref<1x!tpu.dma_semaphore, #tpu.memory_space<semaphore_mem>> -> memref<!tpu.dma_semaphore, #tpu.memory_space<semaphore_mem>>
    tpu.enqueue_indirect_dma source(%dma_start3A_334 : memref<10000x128xf32, #tpu.memory_space<hbm>>) target(%dma_start3A_330 : memref<80x128xf32, #tpu.memory_space<vmem>>) offsets(%dma_start3A_331 : memref<80xi32, #tpu.memory_space<vmem>>) semaphore(%dma_start3A_336 : memref<!tpu.dma_semaphore, #tpu.memory_space<semaphore_mem>>)
    %scan3A_337 = arith.constant 0 : i32
    %scan3A_338 = arith.constant 0 : i32
    %scan3A_339 = arith.constant 125 : i32
    %scan3A_340 = arith.addi %scan3A_338, %scan3A_339 : i32
    %scan3A_341 = arith.constant 1 : i32
    scf.for %scan3A_886 = %scan3A_338 to %scan3A_340 step %scan3A_341  : i32 {
      %rem3A_887 = arith.constant 4 : i32
      %rem3A_888 = arith.remsi %scan3A_886, %rem3A_887 : i32
      %add3A_889 = arith.constant 3 : i32
      %add3A_890 = arith.addi %scan3A_886, %add3A_889 : i32
      %rem3A_891 = arith.constant 4 : i32
      %rem3A_892 = arith.remsi %add3A_890, %rem3A_891 : i32
      %add3A_893 = arith.constant 3 : i32
      %add3A_894 = arith.addi %scan3A_886, %add3A_893 : i32
      %lt3A = arith.constant 125 : i32
      %lt3A_895 = arith.cmpi slt, %add3A_894, %lt3A : i32
      %convert_element_type3A = arith.extui %lt3A_895 : i1 to i32
      %cond3A = arith.constant 0 : i32
      %cond3A_896 = arith.cmpi ne, %convert_element_type3A, %cond3A : i32
      scf.if %cond3A_896 {
        %ge3A = arith.constant 1 : i32
        %ge3A_941 = arith.cmpi sge, %scan3A_886, %ge3A : i32
        %convert_element_type3A_942 = arith.extui %ge3A_941 : i1 to i32
        %cond3A_943 = arith.constant 0 : i32
        %cond3A_944 = arith.cmpi ne, %convert_element_type3A_942, %cond3A_943 : i32
        scf.if %cond3A_944 {
          %sub3A_985 = arith.constant 1 : i32
          %sub3A_986 = arith.subi %scan3A_886, %sub3A_985 : i32
          %mul3A_987 = arith.constant 80 : i32
          %mul3A_988 = arith.muli %rem3A_892, %mul3A_987 : i32
          %div3A_989 = arith.constant 25 : i32
          %div3A_990 = arith.divsi %sub3A_986, %div3A_989 : i32
          %rem3A_991 = arith.constant 2 : i32
          %rem3A_992 = arith.remsi %div3A_990, %rem3A_991 : i32
          %mul3A_993 = arith.constant 2000 : i32
          %mul3A_994 = arith.muli %rem3A_992, %mul3A_993 : i32
          %mul3A_995 = arith.constant 25 : i32
          %mul3A_996 = arith.muli %div3A_990, %mul3A_995 : i32
          %sub3A_997 = arith.subi %sub3A_986, %mul3A_996 : i32
          %mul3A_998 = arith.constant 80 : i32
          %mul3A_999 = arith.muli %sub3A_997, %mul3A_998 : i32
          %add3A_1000 = arith.addi %mul3A_994, %mul3A_999 : i32
          %dma_wait3A_1001 = arith.constant 0 : i32
          %dma_wait3A_1002 = tpu.memref_slice %arg10[%mul3A_988, %dma_wait3A_1001] : memref<320x128xf32, #tpu.memory_space<vmem>> -> memref<80x128xf32, #tpu.memory_space<vmem>>
          %dma_wait3A_1003 = tpu.memref_slice %arg9[%add3A_1000] : memref<4000xi32, #tpu.memory_space<vmem>> -> memref<80xi32, #tpu.memory_space<vmem>>
          %dma_wait3A_1004 = arith.constant 0 : i32
          %dma_wait3A_1005 = arith.constant 0 : i32
          %dma_wait3A_1006 = tpu.memref_slice %arg15[%dma_wait3A_1004, %dma_wait3A_1005] : memref<10112x128xf32, #tpu.memory_space<vmem_shared>> -> memref<10112x128xf32, #tpu.memory_space<vmem_shared>>
          %dma_wait3A_1007 = tpu.memref_slice %arg12[%rem3A_892] : memref<4x!tpu.dma_semaphore, #tpu.memory_space<semaphore_mem>> -> memref<1x!tpu.dma_semaphore, #tpu.memory_space<semaphore_mem>>
          %dma_wait3A_1008 = tpu.memref_squeeze %dma_wait3A_1007 : memref<1x!tpu.dma_semaphore, #tpu.memory_space<semaphore_mem>> -> memref<!tpu.dma_semaphore, #tpu.memory_space<semaphore_mem>>
          tpu.wait_indirect_dma semaphore(%dma_wait3A_1008 : memref<!tpu.dma_semaphore, #tpu.memory_space<semaphore_mem>>) src(%dma_wait3A_1002 : memref<80x128xf32, #tpu.memory_space<vmem>>) dst(%dma_wait3A_1006 : memref<10112x128xf32, #tpu.memory_space<vmem_shared>>)
        } else {
        }
        %rem3A_945 = arith.constant 25 : i32
        %rem3A_946 = arith.remsi %scan3A_886, %rem3A_945 : i32
        %eq3A = arith.constant 0 : i32
        %eq3A_947 = arith.cmpi eq, %rem3A_946, %eq3A : i32
        %gt3A = arith.constant 0 : i32
        %gt3A_948 = arith.cmpi sgt, %scan3A_886, %gt3A : i32
        %and3A = arith.andi %eq3A_947, %gt3A_948 : i1
        %convert_element_type3A_949 = arith.extui %and3A : i1 to i32
        %cond3A_950 = arith.constant 0 : i32
        %cond3A_951 = arith.cmpi ne, %convert_element_type3A_949, %cond3A_950 : i32
        scf.if %cond3A_951 {
          %div3A_985 = arith.constant 25 : i32
          %div3A_986 = arith.divsi %scan3A_886, %div3A_985 : i32
          %add3A_987 = arith.constant 1 : i32
          %add3A_988 = arith.addi %div3A_986, %add3A_987 : i32
          %lt3A_989 = arith.constant 5 : i32
          %lt3A_990 = arith.cmpi slt, %add3A_988, %lt3A_989 : i32
          %convert_element_type3A_991 = arith.extui %lt3A_990 : i1 to i32
          %cond3A_992 = arith.constant 0 : i32
          %cond3A_993 = arith.cmpi ne, %convert_element_type3A_991, %cond3A_992 : i32
          scf.if %cond3A_993 {
            %rem3A_994 = arith.constant 2 : i32
            %rem3A_995 = arith.remsi %add3A_988, %rem3A_994 : i32
            %mul3A_996 = arith.constant 2000 : i32
            %mul3A_997 = arith.muli %rem3A_995, %mul3A_996 : i32
            %mul3A_998 = arith.constant 2000 : i32
            %mul3A_999 = arith.muli %add3A_988, %mul3A_998 : i32
            %add3A_1000 = arith.addi %add3A_220, %mul3A_999 : i32
            %mul3A_1001 = arith.constant 2000 : i32
            %mul3A_1002 = arith.muli %add3A_988, %mul3A_1001 : i32
            %add3A_1003 = arith.addi %add3A_222, %mul3A_1002 : i32
            %dma_start3A_1004 = tpu.memref_slice %arg8[%mul3A_997] : memref<4000xi32, #tpu.memory_space<vmem>> -> memref<2000xi32, #tpu.memory_space<vmem>>
            %dma_start3A_1005 = tpu.memref_slice %arg4[%add3A_1000] : memref<640000xi32, #tpu.memory_space<hbm>> -> memref<2000xi32, #tpu.memory_space<hbm>>
            %dma_start3A_1006 = tpu.memref_slice %arg8[%mul3A_997] : memref<4000xi32, #tpu.memory_space<vmem>> -> memref<2000xi32, #tpu.memory_space<vmem>>
            %dma_start3A_1007 = tpu.memref_slice %arg4[%add3A_1000] : memref<640000xi32, #tpu.memory_space<hbm>> -> memref<2000xi32, #tpu.memory_space<hbm>>
            tpu.enqueue_dma source(%dma_start3A_1007 : memref<2000xi32, #tpu.memory_space<hbm>>) target(%dma_start3A_1006 : memref<2000xi32, #tpu.memory_space<vmem>>) target_semaphore(%arg13 : memref<!tpu.dma_semaphore, #tpu.memory_space<semaphore_mem>>)
            %dma_start3A_1008 = tpu.memref_slice %arg9[%mul3A_997] : memref<4000xi32, #tpu.memory_space<vmem>> -> memref<2000xi32, #tpu.memory_space<vmem>>
            %dma_start3A_1009 = tpu.memref_slice %arg4[%add3A_1003] : memref<640000xi32, #tpu.memory_space<hbm>> -> memref<2000xi32, #tpu.memory_space<hbm>>
            %dma_start3A_1010 = tpu.memref_slice %arg9[%mul3A_997] : memref<4000xi32, #tpu.memory_space<vmem>> -> memref<2000xi32, #tpu.memory_space<vmem>>
            %dma_start3A_1011 = tpu.memref_slice %arg4[%add3A_1003] : memref<640000xi32, #tpu.memory_space<hbm>> -> memref<2000xi32, #tpu.memory_space<hbm>>
            tpu.enqueue_dma source(%dma_start3A_1011 : memref<2000xi32, #tpu.memory_space<hbm>>) target(%dma_start3A_1010 : memref<2000xi32, #tpu.memory_space<vmem>>) target_semaphore(%arg14 : memref<!tpu.dma_semaphore, #tpu.memory_space<semaphore_mem>>)
          } else {
          }
        } else {
        }
        %add3A_952 = arith.constant 3 : i32
        %add3A_953 = arith.addi %scan3A_886, %add3A_952 : i32
        %rem3A_954 = arith.constant 25 : i32
        %rem3A_955 = arith.remsi %add3A_953, %rem3A_954 : i32
        %eq3A_956 = arith.constant 0 : i32
        %eq3A_957 = arith.cmpi eq, %rem3A_955, %eq3A_956 : i32
        %convert_element_type3A_958 = arith.extui %eq3A_957 : i1 to i32
        %cond3A_959 = arith.constant 0 : i32
        %cond3A_960 = arith.cmpi ne, %convert_element_type3A_958, %cond3A_959 : i32
        scf.if %cond3A_960 {
          %add3A_985 = arith.constant 3 : i32
          %add3A_986 = arith.addi %scan3A_886, %add3A_985 : i32
          %div3A_987 = arith.constant 25 : i32
          %div3A_988 = arith.divsi %add3A_986, %div3A_987 : i32
          %rem3A_989 = arith.constant 2 : i32
          %rem3A_990 = arith.remsi %div3A_988, %rem3A_989 : i32
          %mul3A_991 = arith.constant 2000 : i32
          %mul3A_992 = arith.muli %rem3A_990, %mul3A_991 : i32
          %mul3A_993 = arith.constant 2000 : i32
          %mul3A_994 = arith.muli %div3A_988, %mul3A_993 : i32
          %add3A_995 = arith.addi %add3A_220, %mul3A_994 : i32
          %mul3A_996 = arith.constant 2000 : i32
          %mul3A_997 = arith.muli %div3A_988, %mul3A_996 : i32
          %add3A_998 = arith.addi %add3A_222, %mul3A_997 : i32
          %dma_wait3A_999 = tpu.memref_slice %arg8[%mul3A_992] : memref<4000xi32, #tpu.memory_space<vmem>> -> memref<2000xi32, #tpu.memory_space<vmem>>
          %dma_wait3A_1000 = tpu.memref_slice %arg4[%add3A_995] : memref<640000xi32, #tpu.memory_space<hbm>> -> memref<2000xi32, #tpu.memory_space<hbm>>
          %dma_wait3A_1001 = tpu.memref_slice %arg8[%mul3A_992] : memref<4000xi32, #tpu.memory_space<vmem>> -> memref<2000xi32, #tpu.memory_space<vmem>>
          %dma_wait3A_1002 = tpu.memref_slice %arg4[%add3A_995] : memref<640000xi32, #tpu.memory_space<hbm>> -> memref<2000xi32, #tpu.memory_space<hbm>>
          tpu.wait_dma2 semaphore(%arg13 : memref<!tpu.dma_semaphore, #tpu.memory_space<semaphore_mem>>) src(%dma_wait3A_1002 : memref<2000xi32, #tpu.memory_space<hbm>>) dst(%dma_wait3A_1001 : memref<2000xi32, #tpu.memory_space<vmem>>)
          %dma_wait3A_1003 = tpu.memref_slice %arg9[%mul3A_992] : memref<4000xi32, #tpu.memory_space<vmem>> -> memref<2000xi32, #tpu.memory_space<vmem>>
          %dma_wait3A_1004 = tpu.memref_slice %arg4[%add3A_998] : memref<640000xi32, #tpu.memory_space<hbm>> -> memref<2000xi32, #tpu.memory_space<hbm>>
          %dma_wait3A_1005 = tpu.memref_slice %arg9[%mul3A_992] : memref<4000xi32, #tpu.memory_space<vmem>> -> memref<2000xi32, #tpu.memory_space<vmem>>
          %dma_wait3A_1006 = tpu.memref_slice %arg4[%add3A_998] : memref<640000xi32, #tpu.memory_space<hbm>> -> memref<2000xi32, #tpu.memory_space<hbm>>
          tpu.wait_dma2 semaphore(%arg14 : memref<!tpu.dma_semaphore, #tpu.memory_space<semaphore_mem>>) src(%dma_wait3A_1006 : memref<2000xi32, #tpu.memory_space<hbm>>) dst(%dma_wait3A_1005 : memref<2000xi32, #tpu.memory_space<vmem>>)
        } else {
        }
        %add3A_961 = arith.constant 3 : i32
        %add3A_962 = arith.addi %scan3A_886, %add3A_961 : i32
        %div3A_963 = arith.constant 25 : i32
        %div3A_964 = arith.divsi %add3A_962, %div3A_963 : i32
        %rem3A_965 = arith.constant 2 : i32
        %rem3A_966 = arith.remsi %div3A_964, %rem3A_965 : i32
        %mul3A_967 = arith.constant 2000 : i32
        %mul3A_968 = arith.muli %rem3A_966, %mul3A_967 : i32
        %mul3A_969 = arith.constant 25 : i32
        %mul3A_970 = arith.muli %div3A_964, %mul3A_969 : i32
        %sub3A_971 = arith.subi %add3A_962, %mul3A_970 : i32
        %mul3A_972 = arith.constant 80 : i32
        %mul3A_973 = arith.muli %sub3A_971, %mul3A_972 : i32
        %add3A_974 = arith.addi %mul3A_968, %mul3A_973 : i32
        %mul3A_975 = arith.constant 80 : i32
        %mul3A_976 = arith.muli %rem3A_892, %mul3A_975 : i32
        %dma_start3A_977 = arith.constant 0 : i32
        %dma_start3A_978 = tpu.memref_slice %arg10[%mul3A_976, %dma_start3A_977] : memref<320x128xf32, #tpu.memory_space<vmem>> -> memref<80x128xf32, #tpu.memory_space<vmem>>
        %dma_start3A_979 = tpu.memref_slice %arg8[%add3A_974] : memref<4000xi32, #tpu.memory_space<vmem>> -> memref<80xi32, #tpu.memory_space<vmem>>
        %dma_start3A_980 = arith.constant 0 : i32
        %dma_start3A_981 = arith.constant 0 : i32
        %dma_start3A_982 = tpu.memref_slice %arg2[%dma_start3A_980, %dma_start3A_981] : memref<10000x128xf32, #tpu.memory_space<hbm>> -> memref<10000x128xf32, #tpu.memory_space<hbm>>
        %dma_start3A_983 = tpu.memref_slice %arg11[%rem3A_892] : memref<4x!tpu.dma_semaphore, #tpu.memory_space<semaphore_mem>> -> memref<1x!tpu.dma_semaphore, #tpu.memory_space<semaphore_mem>>
        %dma_start3A_984 = tpu.memref_squeeze %dma_start3A_983 : memref<1x!tpu.dma_semaphore, #tpu.memory_space<semaphore_mem>> -> memref<!tpu.dma_semaphore, #tpu.memory_space<semaphore_mem>>
        tpu.enqueue_indirect_dma source(%dma_start3A_982 : memref<10000x128xf32, #tpu.memory_space<hbm>>) target(%dma_start3A_978 : memref<80x128xf32, #tpu.memory_space<vmem>>) offsets(%dma_start3A_979 : memref<80xi32, #tpu.memory_space<vmem>>) semaphore(%dma_start3A_984 : memref<!tpu.dma_semaphore, #tpu.memory_space<semaphore_mem>>)
      } else {
      }
      %div3A_897 = arith.constant 25 : i32
      %div3A_898 = arith.divsi %scan3A_886, %div3A_897 : i32
      %rem3A_899 = arith.constant 2 : i32
      %rem3A_900 = arith.remsi %div3A_898, %rem3A_899 : i32
      %mul3A_901 = arith.constant 2000 : i32
      %mul3A_902 = arith.muli %rem3A_900, %mul3A_901 : i32
      %mul3A_903 = arith.constant 25 : i32
      %mul3A_904 = arith.muli %div3A_898, %mul3A_903 : i32
      %sub3A_905 = arith.subi %scan3A_886, %mul3A_904 : i32
      %mul3A_906 = arith.constant 80 : i32
      %mul3A_907 = arith.muli %sub3A_905, %mul3A_906 : i32
      %add3A_908 = arith.addi %mul3A_902, %mul3A_907 : i32
      %mul3A_909 = arith.constant 80 : i32
      %mul3A_910 = arith.muli %rem3A_888, %mul3A_909 : i32
      %dma_wait3A_911 = arith.constant 0 : i32
      %dma_wait3A_912 = tpu.memref_slice %arg10[%mul3A_910, %dma_wait3A_911] : memref<320x128xf32, #tpu.memory_space<vmem>> -> memref<80x128xf32, #tpu.memory_space<vmem>>
      %dma_wait3A_913 = tpu.memref_slice %arg8[%add3A_908] : memref<4000xi32, #tpu.memory_space<vmem>> -> memref<80xi32, #tpu.memory_space<vmem>>
      %dma_wait3A_914 = arith.constant 0 : i32
      %dma_wait3A_915 = arith.constant 0 : i32
      %dma_wait3A_916 = tpu.memref_slice %arg2[%dma_wait3A_914, %dma_wait3A_915] : memref<10000x128xf32, #tpu.memory_space<hbm>> -> memref<10000x128xf32, #tpu.memory_space<hbm>>
      %dma_wait3A_917 = tpu.memref_slice %arg11[%rem3A_888] : memref<4x!tpu.dma_semaphore, #tpu.memory_space<semaphore_mem>> -> memref<1x!tpu.dma_semaphore, #tpu.memory_space<semaphore_mem>>
      %dma_wait3A_918 = tpu.memref_squeeze %dma_wait3A_917 : memref<1x!tpu.dma_semaphore, #tpu.memory_space<semaphore_mem>> -> memref<!tpu.dma_semaphore, #tpu.memory_space<semaphore_mem>>
      tpu.wait_indirect_dma semaphore(%dma_wait3A_918 : memref<!tpu.dma_semaphore, #tpu.memory_space<semaphore_mem>>) src(%dma_wait3A_916 : memref<10000x128xf32, #tpu.memory_space<hbm>>) dst(%dma_wait3A_912 : memref<80x128xf32, #tpu.memory_space<vmem>>)
      %mul3A_919 = arith.constant 80 : i32
      %mul3A_920 = arith.muli %rem3A_888, %mul3A_919 : i32
      %div3A_921 = arith.constant 25 : i32
      %div3A_922 = arith.divsi %scan3A_886, %div3A_921 : i32
      %rem3A_923 = arith.constant 2 : i32
      %rem3A_924 = arith.remsi %div3A_922, %rem3A_923 : i32
      %mul3A_925 = arith.constant 2000 : i32
      %mul3A_926 = arith.muli %rem3A_924, %mul3A_925 : i32
      %mul3A_927 = arith.constant 25 : i32
      %mul3A_928 = arith.muli %div3A_922, %mul3A_927 : i32
      %sub3A_929 = arith.subi %scan3A_886, %mul3A_928 : i32
      %mul3A_930 = arith.constant 80 : i32
      %mul3A_931 = arith.muli %sub3A_929, %mul3A_930 : i32
      %add3A_932 = arith.addi %mul3A_926, %mul3A_931 : i32
      %dma_start3A_933 = arith.constant 0 : i32
      %dma_start3A_934 = tpu.memref_slice %arg10[%mul3A_920, %dma_start3A_933] : memref<320x128xf32, #tpu.memory_space<vmem>> -> memref<80x128xf32, #tpu.memory_space<vmem>>
      %dma_start3A_935 = tpu.memref_slice %arg9[%add3A_932] : memref<4000xi32, #tpu.memory_space<vmem>> -> memref<80xi32, #tpu.memory_space<vmem>>
      %dma_start3A_936 = arith.constant 0 : i32
      %dma_start3A_937 = arith.constant 0 : i32
      %dma_start3A_938 = tpu.memref_slice %arg15[%dma_start3A_936, %dma_start3A_937] : memref<10112x128xf32, #tpu.memory_space<vmem_shared>> -> memref<10112x128xf32, #tpu.memory_space<vmem_shared>>
      %dma_start3A_939 = tpu.memref_slice %arg12[%rem3A_888] : memref<4x!tpu.dma_semaphore, #tpu.memory_space<semaphore_mem>> -> memref<1x!tpu.dma_semaphore, #tpu.memory_space<semaphore_mem>>
      %dma_start3A_940 = tpu.memref_squeeze %dma_start3A_939 : memref<1x!tpu.dma_semaphore, #tpu.memory_space<semaphore_mem>> -> memref<!tpu.dma_semaphore, #tpu.memory_space<semaphore_mem>>
      tpu.enqueue_indirect_dma source(%dma_start3A_934 : memref<80x128xf32, #tpu.memory_space<vmem>>) target(%dma_start3A_938 : memref<10112x128xf32, #tpu.memory_space<vmem_shared>>) offsets(%dma_start3A_935 : memref<80xi32, #tpu.memory_space<vmem>>) semaphore(%dma_start3A_940 : memref<!tpu.dma_semaphore, #tpu.memory_space<semaphore_mem>>) {add = true}
    }
    %scan3A_342 = arith.constant 125 : i32
    %div3A_343 = arith.constant 121 : i32
    %div3A_344 = arith.constant 25 : i32
    %div3A_345 = arith.divsi %div3A_343, %div3A_344 : i32
    %rem3A_346 = arith.constant 2 : i32
    %rem3A_347 = arith.remsi %div3A_345, %rem3A_346 : i32
    %mul3A_348 = arith.constant 2000 : i32
    %mul3A_349 = arith.muli %rem3A_347, %mul3A_348 : i32
    %mul3A_350 = arith.constant 25 : i32
    %mul3A_351 = arith.muli %div3A_345, %mul3A_350 : i32
    %sub3A_352 = arith.constant 121 : i32
    %sub3A_353 = arith.subi %sub3A_352, %mul3A_351 : i32
    %mul3A_354 = arith.constant 80 : i32
    %mul3A_355 = arith.muli %sub3A_353, %mul3A_354 : i32
    %add3A_356 = arith.addi %mul3A_349, %mul3A_355 : i32
    %dma_wait3A_357 = arith.constant 1 : i32
    %dma_wait3A_358 = arith.constant 80 : i32
    %dma_wait3A_359 = arith.constant 0 : i32
    %dma_wait3A_360 = tpu.memref_slice %arg10[%dma_wait3A_358, %dma_wait3A_359] : memref<320x128xf32, #tpu.memory_space<vmem>> -> memref<80x128xf32, #tpu.memory_space<vmem>>
    %dma_wait3A_361 = tpu.memref_slice %arg9[%add3A_356] : memref<4000xi32, #tpu.memory_space<vmem>> -> memref<80xi32, #tpu.memory_space<vmem>>
    %dma_wait3A_362 = arith.constant 0 : i32
    %dma_wait3A_363 = arith.constant 0 : i32
    %dma_wait3A_364 = tpu.memref_slice %arg15[%dma_wait3A_362, %dma_wait3A_363] : memref<10112x128xf32, #tpu.memory_space<vmem_shared>> -> memref<10112x128xf32, #tpu.memory_space<vmem_shared>>
    %dma_wait3A_365 = tpu.memref_slice %arg12[%dma_wait3A_357] : memref<4x!tpu.dma_semaphore, #tpu.memory_space<semaphore_mem>> -> memref<1x!tpu.dma_semaphore, #tpu.memory_space<semaphore_mem>>
    %dma_wait3A_366 = tpu.memref_squeeze %dma_wait3A_365 : memref<1x!tpu.dma_semaphore, #tpu.memory_space<semaphore_mem>> -> memref<!tpu.dma_semaphore, #tpu.memory_space<semaphore_mem>>
    tpu.wait_indirect_dma semaphore(%dma_wait3A_366 : memref<!tpu.dma_semaphore, #tpu.memory_space<semaphore_mem>>) src(%dma_wait3A_360 : memref<80x128xf32, #tpu.memory_space<vmem>>) dst(%dma_wait3A_364 : memref<10112x128xf32, #tpu.memory_space<vmem_shared>>)
    %div3A_367 = arith.constant 122 : i32
    %div3A_368 = arith.constant 25 : i32
    %div3A_369 = arith.divsi %div3A_367, %div3A_368 : i32
    %rem3A_370 = arith.constant 2 : i32
    %rem3A_371 = arith.remsi %div3A_369, %rem3A_370 : i32
    %mul3A_372 = arith.constant 2000 : i32
    %mul3A_373 = arith.muli %rem3A_371, %mul3A_372 : i32
    %mul3A_374 = arith.constant 25 : i32
    %mul3A_375 = arith.muli %div3A_369, %mul3A_374 : i32
    %sub3A_376 = arith.constant 122 : i32
    %sub3A_377 = arith.subi %sub3A_376, %mul3A_375 : i32
    %mul3A_378 = arith.constant 80 : i32
    %mul3A_379 = arith.muli %sub3A_377, %mul3A_378 : i32
    %add3A_380 = arith.addi %mul3A_373, %mul3A_379 : i32
    %dma_wait3A_381 = arith.constant 2 : i32
    %dma_wait3A_382 = arith.constant 160 : i32
    %dma_wait3A_383 = arith.constant 0 : i32
    %dma_wait3A_384 = tpu.memref_slice %arg10[%dma_wait3A_382, %dma_wait3A_383] : memref<320x128xf32, #tpu.memory_space<vmem>> -> memref<80x128xf32, #tpu.memory_space<vmem>>
    %dma_wait3A_385 = tpu.memref_slice %arg9[%add3A_380] : memref<4000xi32, #tpu.memory_space<vmem>> -> memref<80xi32, #tpu.memory_space<vmem>>
    %dma_wait3A_386 = arith.constant 0 : i32
    %dma_wait3A_387 = arith.constant 0 : i32
    %dma_wait3A_388 = tpu.memref_slice %arg15[%dma_wait3A_386, %dma_wait3A_387] : memref<10112x128xf32, #tpu.memory_space<vmem_shared>> -> memref<10112x128xf32, #tpu.memory_space<vmem_shared>>
    %dma_wait3A_389 = tpu.memref_slice %arg12[%dma_wait3A_381] : memref<4x!tpu.dma_semaphore, #tpu.memory_space<semaphore_mem>> -> memref<1x!tpu.dma_semaphore, #tpu.memory_space<semaphore_mem>>
    %dma_wait3A_390 = tpu.memref_squeeze %dma_wait3A_389 : memref<1x!tpu.dma_semaphore, #tpu.memory_space<semaphore_mem>> -> memref<!tpu.dma_semaphore, #tpu.memory_space<semaphore_mem>>
    tpu.wait_indirect_dma semaphore(%dma_wait3A_390 : memref<!tpu.dma_semaphore, #tpu.memory_space<semaphore_mem>>) src(%dma_wait3A_384 : memref<80x128xf32, #tpu.memory_space<vmem>>) dst(%dma_wait3A_388 : memref<10112x128xf32, #tpu.memory_space<vmem_shared>>)
    %div3A_391 = arith.constant 123 : i32
    %div3A_392 = arith.constant 25 : i32
    %div3A_393 = arith.divsi %div3A_391, %div3A_392 : i32
    %rem3A_394 = arith.constant 2 : i32
    %rem3A_395 = arith.remsi %div3A_393, %rem3A_394 : i32
    %mul3A_396 = arith.constant 2000 : i32
    %mul3A_397 = arith.muli %rem3A_395, %mul3A_396 : i32
    %mul3A_398 = arith.constant 25 : i32
    %mul3A_399 = arith.muli %div3A_393, %mul3A_398 : i32
    %sub3A_400 = arith.constant 123 : i32
    %sub3A_401 = arith.subi %sub3A_400, %mul3A_399 : i32
    %mul3A_402 = arith.constant 80 : i32
    %mul3A_403 = arith.muli %sub3A_401, %mul3A_402 : i32
    %add3A_404 = arith.addi %mul3A_397, %mul3A_403 : i32
    %dma_wait3A_405 = arith.constant 3 : i32
    %dma_wait3A_406 = arith.constant 240 : i32
    %dma_wait3A_407 = arith.constant 0 : i32
    %dma_wait3A_408 = tpu.memref_slice %arg10[%dma_wait3A_406, %dma_wait3A_407] : memref<320x128xf32, #tpu.memory_space<vmem>> -> memref<80x128xf32, #tpu.memory_space<vmem>>
    %dma_wait3A_409 = tpu.memref_slice %arg9[%add3A_404] : memref<4000xi32, #tpu.memory_space<vmem>> -> memref<80xi32, #tpu.memory_space<vmem>>
    %dma_wait3A_410 = arith.constant 0 : i32
    %dma_wait3A_411 = arith.constant 0 : i32
    %dma_wait3A_412 = tpu.memref_slice %arg15[%dma_wait3A_410, %dma_wait3A_411] : memref<10112x128xf32, #tpu.memory_space<vmem_shared>> -> memref<10112x128xf32, #tpu.memory_space<vmem_shared>>
    %dma_wait3A_413 = tpu.memref_slice %arg12[%dma_wait3A_405] : memref<4x!tpu.dma_semaphore, #tpu.memory_space<semaphore_mem>> -> memref<1x!tpu.dma_semaphore, #tpu.memory_space<semaphore_mem>>
    %dma_wait3A_414 = tpu.memref_squeeze %dma_wait3A_413 : memref<1x!tpu.dma_semaphore, #tpu.memory_space<semaphore_mem>> -> memref<!tpu.dma_semaphore, #tpu.memory_space<semaphore_mem>>
    tpu.wait_indirect_dma semaphore(%dma_wait3A_414 : memref<!tpu.dma_semaphore, #tpu.memory_space<semaphore_mem>>) src(%dma_wait3A_408 : memref<80x128xf32, #tpu.memory_space<vmem>>) dst(%dma_wait3A_412 : memref<10112x128xf32, #tpu.memory_space<vmem_shared>>)
    %div3A_415 = arith.constant 124 : i32
    %div3A_416 = arith.constant 25 : i32
    %div3A_417 = arith.divsi %div3A_415, %div3A_416 : i32
    %rem3A_418 = arith.constant 2 : i32
    %rem3A_419 = arith.remsi %div3A_417, %rem3A_418 : i32
    %mul3A_420 = arith.constant 2000 : i32
    %mul3A_421 = arith.muli %rem3A_419, %mul3A_420 : i32
    %mul3A_422 = arith.constant 25 : i32
    %mul3A_423 = arith.muli %div3A_417, %mul3A_422 : i32
    %sub3A_424 = arith.constant 124 : i32
    %sub3A_425 = arith.subi %sub3A_424, %mul3A_423 : i32
    %mul3A_426 = arith.constant 80 : i32
    %mul3A_427 = arith.muli %sub3A_425, %mul3A_426 : i32
    %add3A_428 = arith.addi %mul3A_421, %mul3A_427 : i32
    %dma_wait3A_429 = arith.constant 0 : i32
    %dma_wait3A_430 = arith.constant 0 : i32
    %dma_wait3A_431 = arith.constant 0 : i32
    %dma_wait3A_432 = tpu.memref_slice %arg10[%dma_wait3A_430, %dma_wait3A_431] : memref<320x128xf32, #tpu.memory_space<vmem>> -> memref<80x128xf32, #tpu.memory_space<vmem>>
    %dma_wait3A_433 = tpu.memref_slice %arg9[%add3A_428] : memref<4000xi32, #tpu.memory_space<vmem>> -> memref<80xi32, #tpu.memory_space<vmem>>
    %dma_wait3A_434 = arith.constant 0 : i32
    %dma_wait3A_435 = arith.constant 0 : i32
    %dma_wait3A_436 = tpu.memref_slice %arg15[%dma_wait3A_434, %dma_wait3A_435] : memref<10112x128xf32, #tpu.memory_space<vmem_shared>> -> memref<10112x128xf32, #tpu.memory_space<vmem_shared>>
    %dma_wait3A_437 = tpu.memref_slice %arg12[%dma_wait3A_429] : memref<4x!tpu.dma_semaphore, #tpu.memory_space<semaphore_mem>> -> memref<1x!tpu.dma_semaphore, #tpu.memory_space<semaphore_mem>>
    %dma_wait3A_438 = tpu.memref_squeeze %dma_wait3A_437 : memref<1x!tpu.dma_semaphore, #tpu.memory_space<semaphore_mem>> -> memref<!tpu.dma_semaphore, #tpu.memory_space<semaphore_mem>>
    tpu.wait_indirect_dma semaphore(%dma_wait3A_438 : memref<!tpu.dma_semaphore, #tpu.memory_space<semaphore_mem>>) src(%dma_wait3A_432 : memref<80x128xf32, #tpu.memory_space<vmem>>) dst(%dma_wait3A_436 : memref<10112x128xf32, #tpu.memory_space<vmem_shared>>)
    %barrier3A_439 = arith.constant 0 : index
    tpu.barrier barrier_id(%barrier3A_439)
    %run_scoped3A = arith.constant 0 : i32
    "tpu.region"() ({
      %run_scoped3A_886 = tpu.sem_alloc : memref<!tpu.dma_semaphore, #tpu.memory_space<semaphore_mem>>
      %dma_start3A_887 = arith.constant 0 : i32
      %dma_start3A_888 = tpu.memref_slice %arg7[%run_scoped3A, %arg0, %mul3A_4, %dma_start3A_887] : memref<3x2x10112x128xf32, #tpu.memory_space<hbm>> -> memref<1x1x632x128xf32, #tpu.memory_space<hbm>>
      %dma_start3A_889 = tpu.memref_squeeze %dma_start3A_888 : memref<1x1x632x128xf32, #tpu.memory_space<hbm>> -> memref<632x128xf32, #tpu.memory_space<hbm>>
      %dma_start3A_890 = arith.constant 0 : i32
      %dma_start3A_891 = tpu.memref_slice %arg15[%mul3A_4, %dma_start3A_890] : memref<10112x128xf32, #tpu.memory_space<vmem_shared>> -> memref<632x128xf32, #tpu.memory_space<vmem_shared>>
      tpu.enqueue_dma source(%dma_start3A_891 : memref<632x128xf32, #tpu.memory_space<vmem_shared>>) target(%dma_start3A_889 : memref<632x128xf32, #tpu.memory_space<hbm>>) target_semaphore(%run_scoped3A_886 : memref<!tpu.dma_semaphore, #tpu.memory_space<semaphore_mem>>)
      %dma_wait3A_892 = arith.constant 0 : i32
      %dma_wait3A_893 = tpu.memref_slice %arg7[%run_scoped3A, %arg0, %mul3A_4, %dma_wait3A_892] : memref<3x2x10112x128xf32, #tpu.memory_space<hbm>> -> memref<1x1x632x128xf32, #tpu.memory_space<hbm>>
      %dma_wait3A_894 = tpu.memref_squeeze %dma_wait3A_893 : memref<1x1x632x128xf32, #tpu.memory_space<hbm>> -> memref<632x128xf32, #tpu.memory_space<hbm>>
      %dma_wait3A_895 = arith.constant 0 : i32
      %dma_wait3A_896 = tpu.memref_slice %arg15[%mul3A_4, %dma_wait3A_895] : memref<10112x128xf32, #tpu.memory_space<vmem_shared>> -> memref<632x128xf32, #tpu.memory_space<vmem_shared>>
      tpu.wait_dma2 semaphore(%run_scoped3A_886 : memref<!tpu.dma_semaphore, #tpu.memory_space<semaphore_mem>>) src(%dma_wait3A_896 : memref<632x128xf32, #tpu.memory_space<vmem_shared>>) dst(%dma_wait3A_894 : memref<632x128xf32, #tpu.memory_space<hbm>>)
      tpu.yield
    }) : () -> ()
    %barrier3A_440 = arith.constant 0 : index
    tpu.barrier barrier_id(%barrier3A_440)
    %add3A_441 = arith.constant 320000 : i32
    %add3A_442 = arith.addi %add3A_441, %mul3A_2 : i32
    %add3A_443 = arith.constant 0 : i32
    %add3A_444 = arith.addi %add3A_443, %mul3A_2 : i32
    %rem3A_445 = arith.constant 0 : i32
    %rem3A_446 = arith.constant 2 : i32
    %rem3A_447 = arith.remsi %rem3A_445, %rem3A_446 : i32
    %mul3A_448 = arith.constant 2000 : i32
    %mul3A_449 = arith.muli %rem3A_447, %mul3A_448 : i32
    %add3A_450 = arith.constant 0 : i32
    %add3A_451 = arith.addi %add3A_442, %add3A_450 : i32
    %add3A_452 = arith.constant 0 : i32
    %add3A_453 = arith.addi %add3A_444, %add3A_452 : i32
    %dma_start3A_454 = tpu.memref_slice %arg8[%mul3A_449] : memref<4000xi32, #tpu.memory_space<vmem>> -> memref<2000xi32, #tpu.memory_space<vmem>>
    %dma_start3A_455 = tpu.memref_slice %arg5[%add3A_451] : memref<640000xi32, #tpu.memory_space<hbm>> -> memref<2000xi32, #tpu.memory_space<hbm>>
    %dma_start3A_456 = tpu.memref_slice %arg8[%mul3A_449] : memref<4000xi32, #tpu.memory_space<vmem>> -> memref<2000xi32, #tpu.memory_space<vmem>>
    %dma_start3A_457 = tpu.memref_slice %arg5[%add3A_451] : memref<640000xi32, #tpu.memory_space<hbm>> -> memref<2000xi32, #tpu.memory_space<hbm>>
    tpu.enqueue_dma source(%dma_start3A_457 : memref<2000xi32, #tpu.memory_space<hbm>>) target(%dma_start3A_456 : memref<2000xi32, #tpu.memory_space<vmem>>) target_semaphore(%arg13 : memref<!tpu.dma_semaphore, #tpu.memory_space<semaphore_mem>>)
    %dma_start3A_458 = tpu.memref_slice %arg9[%mul3A_449] : memref<4000xi32, #tpu.memory_space<vmem>> -> memref<2000xi32, #tpu.memory_space<vmem>>
    %dma_start3A_459 = tpu.memref_slice %arg5[%add3A_453] : memref<640000xi32, #tpu.memory_space<hbm>> -> memref<2000xi32, #tpu.memory_space<hbm>>
    %dma_start3A_460 = tpu.memref_slice %arg9[%mul3A_449] : memref<4000xi32, #tpu.memory_space<vmem>> -> memref<2000xi32, #tpu.memory_space<vmem>>
    %dma_start3A_461 = tpu.memref_slice %arg5[%add3A_453] : memref<640000xi32, #tpu.memory_space<hbm>> -> memref<2000xi32, #tpu.memory_space<hbm>>
    tpu.enqueue_dma source(%dma_start3A_461 : memref<2000xi32, #tpu.memory_space<hbm>>) target(%dma_start3A_460 : memref<2000xi32, #tpu.memory_space<vmem>>) target_semaphore(%arg14 : memref<!tpu.dma_semaphore, #tpu.memory_space<semaphore_mem>>)
    %dma_wait3A_462 = tpu.memref_slice %arg8[%mul3A_449] : memref<4000xi32, #tpu.memory_space<vmem>> -> memref<2000xi32, #tpu.memory_space<vmem>>
    %dma_wait3A_463 = tpu.memref_slice %arg5[%add3A_451] : memref<640000xi32, #tpu.memory_space<hbm>> -> memref<2000xi32, #tpu.memory_space<hbm>>
    %dma_wait3A_464 = tpu.memref_slice %arg8[%mul3A_449] : memref<4000xi32, #tpu.memory_space<vmem>> -> memref<2000xi32, #tpu.memory_space<vmem>>
    %dma_wait3A_465 = tpu.memref_slice %arg5[%add3A_451] : memref<640000xi32, #tpu.memory_space<hbm>> -> memref<2000xi32, #tpu.memory_space<hbm>>
    tpu.wait_dma2 semaphore(%arg13 : memref<!tpu.dma_semaphore, #tpu.memory_space<semaphore_mem>>) src(%dma_wait3A_465 : memref<2000xi32, #tpu.memory_space<hbm>>) dst(%dma_wait3A_464 : memref<2000xi32, #tpu.memory_space<vmem>>)
    %dma_wait3A_466 = tpu.memref_slice %arg9[%mul3A_449] : memref<4000xi32, #tpu.memory_space<vmem>> -> memref<2000xi32, #tpu.memory_space<vmem>>
    %dma_wait3A_467 = tpu.memref_slice %arg5[%add3A_453] : memref<640000xi32, #tpu.memory_space<hbm>> -> memref<2000xi32, #tpu.memory_space<hbm>>
    %dma_wait3A_468 = tpu.memref_slice %arg9[%mul3A_449] : memref<4000xi32, #tpu.memory_space<vmem>> -> memref<2000xi32, #tpu.memory_space<vmem>>
    %dma_wait3A_469 = tpu.memref_slice %arg5[%add3A_453] : memref<640000xi32, #tpu.memory_space<hbm>> -> memref<2000xi32, #tpu.memory_space<hbm>>
    tpu.wait_dma2 semaphore(%arg14 : memref<!tpu.dma_semaphore, #tpu.memory_space<semaphore_mem>>) src(%dma_wait3A_469 : memref<2000xi32, #tpu.memory_space<hbm>>) dst(%dma_wait3A_468 : memref<2000xi32, #tpu.memory_space<vmem>>)
    %rem3A_470 = arith.constant 1 : i32
    %rem3A_471 = arith.constant 2 : i32
    %rem3A_472 = arith.remsi %rem3A_470, %rem3A_471 : i32
    %mul3A_473 = arith.constant 2000 : i32
    %mul3A_474 = arith.muli %rem3A_472, %mul3A_473 : i32
    %add3A_475 = arith.constant 2000 : i32
    %add3A_476 = arith.addi %add3A_442, %add3A_475 : i32
    %add3A_477 = arith.constant 2000 : i32
    %add3A_478 = arith.addi %add3A_444, %add3A_477 : i32
    %dma_start3A_479 = tpu.memref_slice %arg8[%mul3A_474] : memref<4000xi32, #tpu.memory_space<vmem>> -> memref<2000xi32, #tpu.memory_space<vmem>>
    %dma_start3A_480 = tpu.memref_slice %arg5[%add3A_476] : memref<640000xi32, #tpu.memory_space<hbm>> -> memref<2000xi32, #tpu.memory_space<hbm>>
    %dma_start3A_481 = tpu.memref_slice %arg8[%mul3A_474] : memref<4000xi32, #tpu.memory_space<vmem>> -> memref<2000xi32, #tpu.memory_space<vmem>>
    %dma_start3A_482 = tpu.memref_slice %arg5[%add3A_476] : memref<640000xi32, #tpu.memory_space<hbm>> -> memref<2000xi32, #tpu.memory_space<hbm>>
    tpu.enqueue_dma source(%dma_start3A_482 : memref<2000xi32, #tpu.memory_space<hbm>>) target(%dma_start3A_481 : memref<2000xi32, #tpu.memory_space<vmem>>) target_semaphore(%arg13 : memref<!tpu.dma_semaphore, #tpu.memory_space<semaphore_mem>>)
    %dma_start3A_483 = tpu.memref_slice %arg9[%mul3A_474] : memref<4000xi32, #tpu.memory_space<vmem>> -> memref<2000xi32, #tpu.memory_space<vmem>>
    %dma_start3A_484 = tpu.memref_slice %arg5[%add3A_478] : memref<640000xi32, #tpu.memory_space<hbm>> -> memref<2000xi32, #tpu.memory_space<hbm>>
    %dma_start3A_485 = tpu.memref_slice %arg9[%mul3A_474] : memref<4000xi32, #tpu.memory_space<vmem>> -> memref<2000xi32, #tpu.memory_space<vmem>>
    %dma_start3A_486 = tpu.memref_slice %arg5[%add3A_478] : memref<640000xi32, #tpu.memory_space<hbm>> -> memref<2000xi32, #tpu.memory_space<hbm>>
    tpu.enqueue_dma source(%dma_start3A_486 : memref<2000xi32, #tpu.memory_space<hbm>>) target(%dma_start3A_485 : memref<2000xi32, #tpu.memory_space<vmem>>) target_semaphore(%arg14 : memref<!tpu.dma_semaphore, #tpu.memory_space<semaphore_mem>>)
    %div3A_487 = arith.constant 0 : i32
    %div3A_488 = arith.constant 25 : i32
    %div3A_489 = arith.divsi %div3A_487, %div3A_488 : i32
    %rem3A_490 = arith.constant 2 : i32
    %rem3A_491 = arith.remsi %div3A_489, %rem3A_490 : i32
    %mul3A_492 = arith.constant 2000 : i32
    %mul3A_493 = arith.muli %rem3A_491, %mul3A_492 : i32
    %mul3A_494 = arith.constant 25 : i32
    %mul3A_495 = arith.muli %div3A_489, %mul3A_494 : i32
    %sub3A_496 = arith.constant 0 : i32
    %sub3A_497 = arith.subi %sub3A_496, %mul3A_495 : i32
    %mul3A_498 = arith.constant 80 : i32
    %mul3A_499 = arith.muli %sub3A_497, %mul3A_498 : i32
    %add3A_500 = arith.addi %mul3A_493, %mul3A_499 : i32
    %dma_start3A_501 = arith.constant 0 : i32
    %dma_start3A_502 = arith.constant 0 : i32
    %dma_start3A_503 = arith.constant 0 : i32
    %dma_start3A_504 = tpu.memref_slice %arg10[%dma_start3A_502, %dma_start3A_503] : memref<320x128xf32, #tpu.memory_space<vmem>> -> memref<80x128xf32, #tpu.memory_space<vmem>>
    %dma_start3A_505 = tpu.memref_slice %arg8[%add3A_500] : memref<4000xi32, #tpu.memory_space<vmem>> -> memref<80xi32, #tpu.memory_space<vmem>>
    %dma_start3A_506 = arith.constant 0 : i32
    %dma_start3A_507 = arith.constant 0 : i32
    %dma_start3A_508 = tpu.memref_slice %arg3[%dma_start3A_506, %dma_start3A_507] : memref<10000x128xf32, #tpu.memory_space<hbm>> -> memref<10000x128xf32, #tpu.memory_space<hbm>>
    %dma_start3A_509 = tpu.memref_slice %arg11[%dma_start3A_501] : memref<4x!tpu.dma_semaphore, #tpu.memory_space<semaphore_mem>> -> memref<1x!tpu.dma_semaphore, #tpu.memory_space<semaphore_mem>>
    %dma_start3A_510 = tpu.memref_squeeze %dma_start3A_509 : memref<1x!tpu.dma_semaphore, #tpu.memory_space<semaphore_mem>> -> memref<!tpu.dma_semaphore, #tpu.memory_space<semaphore_mem>>
    tpu.enqueue_indirect_dma source(%dma_start3A_508 : memref<10000x128xf32, #tpu.memory_space<hbm>>) target(%dma_start3A_504 : memref<80x128xf32, #tpu.memory_space<vmem>>) offsets(%dma_start3A_505 : memref<80xi32, #tpu.memory_space<vmem>>) semaphore(%dma_start3A_510 : memref<!tpu.dma_semaphore, #tpu.memory_space<semaphore_mem>>)
    %div3A_511 = arith.constant 1 : i32
    %div3A_512 = arith.constant 25 : i32
    %div3A_513 = arith.divsi %div3A_511, %div3A_512 : i32
    %rem3A_514 = arith.constant 2 : i32
    %rem3A_515 = arith.remsi %div3A_513, %rem3A_514 : i32
    %mul3A_516 = arith.constant 2000 : i32
    %mul3A_517 = arith.muli %rem3A_515, %mul3A_516 : i32
    %mul3A_518 = arith.constant 25 : i32
    %mul3A_519 = arith.muli %div3A_513, %mul3A_518 : i32
    %sub3A_520 = arith.constant 1 : i32
    %sub3A_521 = arith.subi %sub3A_520, %mul3A_519 : i32
    %mul3A_522 = arith.constant 80 : i32
    %mul3A_523 = arith.muli %sub3A_521, %mul3A_522 : i32
    %add3A_524 = arith.addi %mul3A_517, %mul3A_523 : i32
    %dma_start3A_525 = arith.constant 1 : i32
    %dma_start3A_526 = arith.constant 80 : i32
    %dma_start3A_527 = arith.constant 0 : i32
    %dma_start3A_528 = tpu.memref_slice %arg10[%dma_start3A_526, %dma_start3A_527] : memref<320x128xf32, #tpu.memory_space<vmem>> -> memref<80x128xf32, #tpu.memory_space<vmem>>
    %dma_start3A_529 = tpu.memref_slice %arg8[%add3A_524] : memref<4000xi32, #tpu.memory_space<vmem>> -> memref<80xi32, #tpu.memory_space<vmem>>
    %dma_start3A_530 = arith.constant 0 : i32
    %dma_start3A_531 = arith.constant 0 : i32
    %dma_start3A_532 = tpu.memref_slice %arg3[%dma_start3A_530, %dma_start3A_531] : memref<10000x128xf32, #tpu.memory_space<hbm>> -> memref<10000x128xf32, #tpu.memory_space<hbm>>
    %dma_start3A_533 = tpu.memref_slice %arg11[%dma_start3A_525] : memref<4x!tpu.dma_semaphore, #tpu.memory_space<semaphore_mem>> -> memref<1x!tpu.dma_semaphore, #tpu.memory_space<semaphore_mem>>
    %dma_start3A_534 = tpu.memref_squeeze %dma_start3A_533 : memref<1x!tpu.dma_semaphore, #tpu.memory_space<semaphore_mem>> -> memref<!tpu.dma_semaphore, #tpu.memory_space<semaphore_mem>>
    tpu.enqueue_indirect_dma source(%dma_start3A_532 : memref<10000x128xf32, #tpu.memory_space<hbm>>) target(%dma_start3A_528 : memref<80x128xf32, #tpu.memory_space<vmem>>) offsets(%dma_start3A_529 : memref<80xi32, #tpu.memory_space<vmem>>) semaphore(%dma_start3A_534 : memref<!tpu.dma_semaphore, #tpu.memory_space<semaphore_mem>>)
    %div3A_535 = arith.constant 2 : i32
    %div3A_536 = arith.constant 25 : i32
    %div3A_537 = arith.divsi %div3A_535, %div3A_536 : i32
    %rem3A_538 = arith.constant 2 : i32
    %rem3A_539 = arith.remsi %div3A_537, %rem3A_538 : i32
    %mul3A_540 = arith.constant 2000 : i32
    %mul3A_541 = arith.muli %rem3A_539, %mul3A_540 : i32
    %mul3A_542 = arith.constant 25 : i32
    %mul3A_543 = arith.muli %div3A_537, %mul3A_542 : i32
    %sub3A_544 = arith.constant 2 : i32
    %sub3A_545 = arith.subi %sub3A_544, %mul3A_543 : i32
    %mul3A_546 = arith.constant 80 : i32
    %mul3A_547 = arith.muli %sub3A_545, %mul3A_546 : i32
    %add3A_548 = arith.addi %mul3A_541, %mul3A_547 : i32
    %dma_start3A_549 = arith.constant 2 : i32
    %dma_start3A_550 = arith.constant 160 : i32
    %dma_start3A_551 = arith.constant 0 : i32
    %dma_start3A_552 = tpu.memref_slice %arg10[%dma_start3A_550, %dma_start3A_551] : memref<320x128xf32, #tpu.memory_space<vmem>> -> memref<80x128xf32, #tpu.memory_space<vmem>>
    %dma_start3A_553 = tpu.memref_slice %arg8[%add3A_548] : memref<4000xi32, #tpu.memory_space<vmem>> -> memref<80xi32, #tpu.memory_space<vmem>>
    %dma_start3A_554 = arith.constant 0 : i32
    %dma_start3A_555 = arith.constant 0 : i32
    %dma_start3A_556 = tpu.memref_slice %arg3[%dma_start3A_554, %dma_start3A_555] : memref<10000x128xf32, #tpu.memory_space<hbm>> -> memref<10000x128xf32, #tpu.memory_space<hbm>>
    %dma_start3A_557 = tpu.memref_slice %arg11[%dma_start3A_549] : memref<4x!tpu.dma_semaphore, #tpu.memory_space<semaphore_mem>> -> memref<1x!tpu.dma_semaphore, #tpu.memory_space<semaphore_mem>>
    %dma_start3A_558 = tpu.memref_squeeze %dma_start3A_557 : memref<1x!tpu.dma_semaphore, #tpu.memory_space<semaphore_mem>> -> memref<!tpu.dma_semaphore, #tpu.memory_space<semaphore_mem>>
    tpu.enqueue_indirect_dma source(%dma_start3A_556 : memref<10000x128xf32, #tpu.memory_space<hbm>>) target(%dma_start3A_552 : memref<80x128xf32, #tpu.memory_space<vmem>>) offsets(%dma_start3A_553 : memref<80xi32, #tpu.memory_space<vmem>>) semaphore(%dma_start3A_558 : memref<!tpu.dma_semaphore, #tpu.memory_space<semaphore_mem>>)
    %scan3A_559 = arith.constant 0 : i32
    %scan3A_560 = arith.constant 0 : i32
    %scan3A_561 = arith.constant 125 : i32
    %scan3A_562 = arith.addi %scan3A_560, %scan3A_561 : i32
    %scan3A_563 = arith.constant 1 : i32
    scf.for %scan3A_886 = %scan3A_560 to %scan3A_562 step %scan3A_563  : i32 {
      %rem3A_887 = arith.constant 4 : i32
      %rem3A_888 = arith.remsi %scan3A_886, %rem3A_887 : i32
      %add3A_889 = arith.constant 3 : i32
      %add3A_890 = arith.addi %scan3A_886, %add3A_889 : i32
      %rem3A_891 = arith.constant 4 : i32
      %rem3A_892 = arith.remsi %add3A_890, %rem3A_891 : i32
      %add3A_893 = arith.constant 3 : i32
      %add3A_894 = arith.addi %scan3A_886, %add3A_893 : i32
      %lt3A = arith.constant 125 : i32
      %lt3A_895 = arith.cmpi slt, %add3A_894, %lt3A : i32
      %convert_element_type3A = arith.extui %lt3A_895 : i1 to i32
      %cond3A = arith.constant 0 : i32
      %cond3A_896 = arith.cmpi ne, %convert_element_type3A, %cond3A : i32
      scf.if %cond3A_896 {
        %ge3A = arith.constant 1 : i32
        %ge3A_941 = arith.cmpi sge, %scan3A_886, %ge3A : i32
        %convert_element_type3A_942 = arith.extui %ge3A_941 : i1 to i32
        %cond3A_943 = arith.constant 0 : i32
        %cond3A_944 = arith.cmpi ne, %convert_element_type3A_942, %cond3A_943 : i32
        scf.if %cond3A_944 {
          %sub3A_985 = arith.constant 1 : i32
          %sub3A_986 = arith.subi %scan3A_886, %sub3A_985 : i32
          %mul3A_987 = arith.constant 80 : i32
          %mul3A_988 = arith.muli %rem3A_892, %mul3A_987 : i32
          %div3A_989 = arith.constant 25 : i32
          %div3A_990 = arith.divsi %sub3A_986, %div3A_989 : i32
          %rem3A_991 = arith.constant 2 : i32
          %rem3A_992 = arith.remsi %div3A_990, %rem3A_991 : i32
          %mul3A_993 = arith.constant 2000 : i32
          %mul3A_994 = arith.muli %rem3A_992, %mul3A_993 : i32
          %mul3A_995 = arith.constant 25 : i32
          %mul3A_996 = arith.muli %div3A_990, %mul3A_995 : i32
          %sub3A_997 = arith.subi %sub3A_986, %mul3A_996 : i32
          %mul3A_998 = arith.constant 80 : i32
          %mul3A_999 = arith.muli %sub3A_997, %mul3A_998 : i32
          %add3A_1000 = arith.addi %mul3A_994, %mul3A_999 : i32
          %dma_wait3A_1001 = arith.constant 0 : i32
          %dma_wait3A_1002 = tpu.memref_slice %arg10[%mul3A_988, %dma_wait3A_1001] : memref<320x128xf32, #tpu.memory_space<vmem>> -> memref<80x128xf32, #tpu.memory_space<vmem>>
          %dma_wait3A_1003 = tpu.memref_slice %arg9[%add3A_1000] : memref<4000xi32, #tpu.memory_space<vmem>> -> memref<80xi32, #tpu.memory_space<vmem>>
          %dma_wait3A_1004 = arith.constant 0 : i32
          %dma_wait3A_1005 = arith.constant 0 : i32
          %dma_wait3A_1006 = tpu.memref_slice %arg15[%dma_wait3A_1004, %dma_wait3A_1005] : memref<10112x128xf32, #tpu.memory_space<vmem_shared>> -> memref<10112x128xf32, #tpu.memory_space<vmem_shared>>
          %dma_wait3A_1007 = tpu.memref_slice %arg12[%rem3A_892] : memref<4x!tpu.dma_semaphore, #tpu.memory_space<semaphore_mem>> -> memref<1x!tpu.dma_semaphore, #tpu.memory_space<semaphore_mem>>
          %dma_wait3A_1008 = tpu.memref_squeeze %dma_wait3A_1007 : memref<1x!tpu.dma_semaphore, #tpu.memory_space<semaphore_mem>> -> memref<!tpu.dma_semaphore, #tpu.memory_space<semaphore_mem>>
          tpu.wait_indirect_dma semaphore(%dma_wait3A_1008 : memref<!tpu.dma_semaphore, #tpu.memory_space<semaphore_mem>>) src(%dma_wait3A_1002 : memref<80x128xf32, #tpu.memory_space<vmem>>) dst(%dma_wait3A_1006 : memref<10112x128xf32, #tpu.memory_space<vmem_shared>>)
        } else {
        }
        %rem3A_945 = arith.constant 25 : i32
        %rem3A_946 = arith.remsi %scan3A_886, %rem3A_945 : i32
        %eq3A = arith.constant 0 : i32
        %eq3A_947 = arith.cmpi eq, %rem3A_946, %eq3A : i32
        %gt3A = arith.constant 0 : i32
        %gt3A_948 = arith.cmpi sgt, %scan3A_886, %gt3A : i32
        %and3A = arith.andi %eq3A_947, %gt3A_948 : i1
        %convert_element_type3A_949 = arith.extui %and3A : i1 to i32
        %cond3A_950 = arith.constant 0 : i32
        %cond3A_951 = arith.cmpi ne, %convert_element_type3A_949, %cond3A_950 : i32
        scf.if %cond3A_951 {
          %div3A_985 = arith.constant 25 : i32
          %div3A_986 = arith.divsi %scan3A_886, %div3A_985 : i32
          %add3A_987 = arith.constant 1 : i32
          %add3A_988 = arith.addi %div3A_986, %add3A_987 : i32
          %lt3A_989 = arith.constant 5 : i32
          %lt3A_990 = arith.cmpi slt, %add3A_988, %lt3A_989 : i32
          %convert_element_type3A_991 = arith.extui %lt3A_990 : i1 to i32
          %cond3A_992 = arith.constant 0 : i32
          %cond3A_993 = arith.cmpi ne, %convert_element_type3A_991, %cond3A_992 : i32
          scf.if %cond3A_993 {
            %rem3A_994 = arith.constant 2 : i32
            %rem3A_995 = arith.remsi %add3A_988, %rem3A_994 : i32
            %mul3A_996 = arith.constant 2000 : i32
            %mul3A_997 = arith.muli %rem3A_995, %mul3A_996 : i32
            %mul3A_998 = arith.constant 2000 : i32
            %mul3A_999 = arith.muli %add3A_988, %mul3A_998 : i32
            %add3A_1000 = arith.addi %add3A_442, %mul3A_999 : i32
            %mul3A_1001 = arith.constant 2000 : i32
            %mul3A_1002 = arith.muli %add3A_988, %mul3A_1001 : i32
            %add3A_1003 = arith.addi %add3A_444, %mul3A_1002 : i32
            %dma_start3A_1004 = tpu.memref_slice %arg8[%mul3A_997] : memref<4000xi32, #tpu.memory_space<vmem>> -> memref<2000xi32, #tpu.memory_space<vmem>>
            %dma_start3A_1005 = tpu.memref_slice %arg5[%add3A_1000] : memref<640000xi32, #tpu.memory_space<hbm>> -> memref<2000xi32, #tpu.memory_space<hbm>>
            %dma_start3A_1006 = tpu.memref_slice %arg8[%mul3A_997] : memref<4000xi32, #tpu.memory_space<vmem>> -> memref<2000xi32, #tpu.memory_space<vmem>>
            %dma_start3A_1007 = tpu.memref_slice %arg5[%add3A_1000] : memref<640000xi32, #tpu.memory_space<hbm>> -> memref<2000xi32, #tpu.memory_space<hbm>>
            tpu.enqueue_dma source(%dma_start3A_1007 : memref<2000xi32, #tpu.memory_space<hbm>>) target(%dma_start3A_1006 : memref<2000xi32, #tpu.memory_space<vmem>>) target_semaphore(%arg13 : memref<!tpu.dma_semaphore, #tpu.memory_space<semaphore_mem>>)
            %dma_start3A_1008 = tpu.memref_slice %arg9[%mul3A_997] : memref<4000xi32, #tpu.memory_space<vmem>> -> memref<2000xi32, #tpu.memory_space<vmem>>
            %dma_start3A_1009 = tpu.memref_slice %arg5[%add3A_1003] : memref<640000xi32, #tpu.memory_space<hbm>> -> memref<2000xi32, #tpu.memory_space<hbm>>
            %dma_start3A_1010 = tpu.memref_slice %arg9[%mul3A_997] : memref<4000xi32, #tpu.memory_space<vmem>> -> memref<2000xi32, #tpu.memory_space<vmem>>
            %dma_start3A_1011 = tpu.memref_slice %arg5[%add3A_1003] : memref<640000xi32, #tpu.memory_space<hbm>> -> memref<2000xi32, #tpu.memory_space<hbm>>
            tpu.enqueue_dma source(%dma_start3A_1011 : memref<2000xi32, #tpu.memory_space<hbm>>) target(%dma_start3A_1010 : memref<2000xi32, #tpu.memory_space<vmem>>) target_semaphore(%arg14 : memref<!tpu.dma_semaphore, #tpu.memory_space<semaphore_mem>>)
          } else {
          }
        } else {
        }
        %add3A_952 = arith.constant 3 : i32
        %add3A_953 = arith.addi %scan3A_886, %add3A_952 : i32
        %rem3A_954 = arith.constant 25 : i32
        %rem3A_955 = arith.remsi %add3A_953, %rem3A_954 : i32
        %eq3A_956 = arith.constant 0 : i32
        %eq3A_957 = arith.cmpi eq, %rem3A_955, %eq3A_956 : i32
        %convert_element_type3A_958 = arith.extui %eq3A_957 : i1 to i32
        %cond3A_959 = arith.constant 0 : i32
        %cond3A_960 = arith.cmpi ne, %convert_element_type3A_958, %cond3A_959 : i32
        scf.if %cond3A_960 {
          %add3A_985 = arith.constant 3 : i32
          %add3A_986 = arith.addi %scan3A_886, %add3A_985 : i32
          %div3A_987 = arith.constant 25 : i32
          %div3A_988 = arith.divsi %add3A_986, %div3A_987 : i32
          %rem3A_989 = arith.constant 2 : i32
          %rem3A_990 = arith.remsi %div3A_988, %rem3A_989 : i32
          %mul3A_991 = arith.constant 2000 : i32
          %mul3A_992 = arith.muli %rem3A_990, %mul3A_991 : i32
          %mul3A_993 = arith.constant 2000 : i32
          %mul3A_994 = arith.muli %div3A_988, %mul3A_993 : i32
          %add3A_995 = arith.addi %add3A_442, %mul3A_994 : i32
          %mul3A_996 = arith.constant 2000 : i32
          %mul3A_997 = arith.muli %div3A_988, %mul3A_996 : i32
          %add3A_998 = arith.addi %add3A_444, %mul3A_997 : i32
          %dma_wait3A_999 = tpu.memref_slice %arg8[%mul3A_992] : memref<4000xi32, #tpu.memory_space<vmem>> -> memref<2000xi32, #tpu.memory_space<vmem>>
          %dma_wait3A_1000 = tpu.memref_slice %arg5[%add3A_995] : memref<640000xi32, #tpu.memory_space<hbm>> -> memref<2000xi32, #tpu.memory_space<hbm>>
          %dma_wait3A_1001 = tpu.memref_slice %arg8[%mul3A_992] : memref<4000xi32, #tpu.memory_space<vmem>> -> memref<2000xi32, #tpu.memory_space<vmem>>
          %dma_wait3A_1002 = tpu.memref_slice %arg5[%add3A_995] : memref<640000xi32, #tpu.memory_space<hbm>> -> memref<2000xi32, #tpu.memory_space<hbm>>
          tpu.wait_dma2 semaphore(%arg13 : memref<!tpu.dma_semaphore, #tpu.memory_space<semaphore_mem>>) src(%dma_wait3A_1002 : memref<2000xi32, #tpu.memory_space<hbm>>) dst(%dma_wait3A_1001 : memref<2000xi32, #tpu.memory_space<vmem>>)
          %dma_wait3A_1003 = tpu.memref_slice %arg9[%mul3A_992] : memref<4000xi32, #tpu.memory_space<vmem>> -> memref<2000xi32, #tpu.memory_space<vmem>>
          %dma_wait3A_1004 = tpu.memref_slice %arg5[%add3A_998] : memref<640000xi32, #tpu.memory_space<hbm>> -> memref<2000xi32, #tpu.memory_space<hbm>>
          %dma_wait3A_1005 = tpu.memref_slice %arg9[%mul3A_992] : memref<4000xi32, #tpu.memory_space<vmem>> -> memref<2000xi32, #tpu.memory_space<vmem>>
          %dma_wait3A_1006 = tpu.memref_slice %arg5[%add3A_998] : memref<640000xi32, #tpu.memory_space<hbm>> -> memref<2000xi32, #tpu.memory_space<hbm>>
          tpu.wait_dma2 semaphore(%arg14 : memref<!tpu.dma_semaphore, #tpu.memory_space<semaphore_mem>>) src(%dma_wait3A_1006 : memref<2000xi32, #tpu.memory_space<hbm>>) dst(%dma_wait3A_1005 : memref<2000xi32, #tpu.memory_space<vmem>>)
        } else {
        }
        %add3A_961 = arith.constant 3 : i32
        %add3A_962 = arith.addi %scan3A_886, %add3A_961 : i32
        %div3A_963 = arith.constant 25 : i32
        %div3A_964 = arith.divsi %add3A_962, %div3A_963 : i32
        %rem3A_965 = arith.constant 2 : i32
        %rem3A_966 = arith.remsi %div3A_964, %rem3A_965 : i32
        %mul3A_967 = arith.constant 2000 : i32
        %mul3A_968 = arith.muli %rem3A_966, %mul3A_967 : i32
        %mul3A_969 = arith.constant 25 : i32
        %mul3A_970 = arith.muli %div3A_964, %mul3A_969 : i32
        %sub3A_971 = arith.subi %add3A_962, %mul3A_970 : i32
        %mul3A_972 = arith.constant 80 : i32
        %mul3A_973 = arith.muli %sub3A_971, %mul3A_972 : i32
        %add3A_974 = arith.addi %mul3A_968, %mul3A_973 : i32
        %mul3A_975 = arith.constant 80 : i32
        %mul3A_976 = arith.muli %rem3A_892, %mul3A_975 : i32
        %dma_start3A_977 = arith.constant 0 : i32
        %dma_start3A_978 = tpu.memref_slice %arg10[%mul3A_976, %dma_start3A_977] : memref<320x128xf32, #tpu.memory_space<vmem>> -> memref<80x128xf32, #tpu.memory_space<vmem>>
        %dma_start3A_979 = tpu.memref_slice %arg8[%add3A_974] : memref<4000xi32, #tpu.memory_space<vmem>> -> memref<80xi32, #tpu.memory_space<vmem>>
        %dma_start3A_980 = arith.constant 0 : i32
        %dma_start3A_981 = arith.constant 0 : i32
        %dma_start3A_982 = tpu.memref_slice %arg3[%dma_start3A_980, %dma_start3A_981] : memref<10000x128xf32, #tpu.memory_space<hbm>> -> memref<10000x128xf32, #tpu.memory_space<hbm>>
        %dma_start3A_983 = tpu.memref_slice %arg11[%rem3A_892] : memref<4x!tpu.dma_semaphore, #tpu.memory_space<semaphore_mem>> -> memref<1x!tpu.dma_semaphore, #tpu.memory_space<semaphore_mem>>
        %dma_start3A_984 = tpu.memref_squeeze %dma_start3A_983 : memref<1x!tpu.dma_semaphore, #tpu.memory_space<semaphore_mem>> -> memref<!tpu.dma_semaphore, #tpu.memory_space<semaphore_mem>>
        tpu.enqueue_indirect_dma source(%dma_start3A_982 : memref<10000x128xf32, #tpu.memory_space<hbm>>) target(%dma_start3A_978 : memref<80x128xf32, #tpu.memory_space<vmem>>) offsets(%dma_start3A_979 : memref<80xi32, #tpu.memory_space<vmem>>) semaphore(%dma_start3A_984 : memref<!tpu.dma_semaphore, #tpu.memory_space<semaphore_mem>>)
      } else {
      }
      %div3A_897 = arith.constant 25 : i32
      %div3A_898 = arith.divsi %scan3A_886, %div3A_897 : i32
      %rem3A_899 = arith.constant 2 : i32
      %rem3A_900 = arith.remsi %div3A_898, %rem3A_899 : i32
      %mul3A_901 = arith.constant 2000 : i32
      %mul3A_902 = arith.muli %rem3A_900, %mul3A_901 : i32
      %mul3A_903 = arith.constant 25 : i32
      %mul3A_904 = arith.muli %div3A_898, %mul3A_903 : i32
      %sub3A_905 = arith.subi %scan3A_886, %mul3A_904 : i32
      %mul3A_906 = arith.constant 80 : i32
      %mul3A_907 = arith.muli %sub3A_905, %mul3A_906 : i32
      %add3A_908 = arith.addi %mul3A_902, %mul3A_907 : i32
      %mul3A_909 = arith.constant 80 : i32
      %mul3A_910 = arith.muli %rem3A_888, %mul3A_909 : i32
      %dma_wait3A_911 = arith.constant 0 : i32
      %dma_wait3A_912 = tpu.memref_slice %arg10[%mul3A_910, %dma_wait3A_911] : memref<320x128xf32, #tpu.memory_space<vmem>> -> memref<80x128xf32, #tpu.memory_space<vmem>>
      %dma_wait3A_913 = tpu.memref_slice %arg8[%add3A_908] : memref<4000xi32, #tpu.memory_space<vmem>> -> memref<80xi32, #tpu.memory_space<vmem>>
      %dma_wait3A_914 = arith.constant 0 : i32
      %dma_wait3A_915 = arith.constant 0 : i32
      %dma_wait3A_916 = tpu.memref_slice %arg3[%dma_wait3A_914, %dma_wait3A_915] : memref<10000x128xf32, #tpu.memory_space<hbm>> -> memref<10000x128xf32, #tpu.memory_space<hbm>>
      %dma_wait3A_917 = tpu.memref_slice %arg11[%rem3A_888] : memref<4x!tpu.dma_semaphore, #tpu.memory_space<semaphore_mem>> -> memref<1x!tpu.dma_semaphore, #tpu.memory_space<semaphore_mem>>
      %dma_wait3A_918 = tpu.memref_squeeze %dma_wait3A_917 : memref<1x!tpu.dma_semaphore, #tpu.memory_space<semaphore_mem>> -> memref<!tpu.dma_semaphore, #tpu.memory_space<semaphore_mem>>
      tpu.wait_indirect_dma semaphore(%dma_wait3A_918 : memref<!tpu.dma_semaphore, #tpu.memory_space<semaphore_mem>>) src(%dma_wait3A_916 : memref<10000x128xf32, #tpu.memory_space<hbm>>) dst(%dma_wait3A_912 : memref<80x128xf32, #tpu.memory_space<vmem>>)
      %mul3A_919 = arith.constant 80 : i32
      %mul3A_920 = arith.muli %rem3A_888, %mul3A_919 : i32
      %div3A_921 = arith.constant 25 : i32
      %div3A_922 = arith.divsi %scan3A_886, %div3A_921 : i32
      %rem3A_923 = arith.constant 2 : i32
      %rem3A_924 = arith.remsi %div3A_922, %rem3A_923 : i32
      %mul3A_925 = arith.constant 2000 : i32
      %mul3A_926 = arith.muli %rem3A_924, %mul3A_925 : i32
      %mul3A_927 = arith.constant 25 : i32
      %mul3A_928 = arith.muli %div3A_922, %mul3A_927 : i32
      %sub3A_929 = arith.subi %scan3A_886, %mul3A_928 : i32
      %mul3A_930 = arith.constant 80 : i32
      %mul3A_931 = arith.muli %sub3A_929, %mul3A_930 : i32
      %add3A_932 = arith.addi %mul3A_926, %mul3A_931 : i32
      %dma_start3A_933 = arith.constant 0 : i32
      %dma_start3A_934 = tpu.memref_slice %arg10[%mul3A_920, %dma_start3A_933] : memref<320x128xf32, #tpu.memory_space<vmem>> -> memref<80x128xf32, #tpu.memory_space<vmem>>
      %dma_start3A_935 = tpu.memref_slice %arg9[%add3A_932] : memref<4000xi32, #tpu.memory_space<vmem>> -> memref<80xi32, #tpu.memory_space<vmem>>
      %dma_start3A_936 = arith.constant 0 : i32
      %dma_start3A_937 = arith.constant 0 : i32
      %dma_start3A_938 = tpu.memref_slice %arg15[%dma_start3A_936, %dma_start3A_937] : memref<10112x128xf32, #tpu.memory_space<vmem_shared>> -> memref<10112x128xf32, #tpu.memory_space<vmem_shared>>
      %dma_start3A_939 = tpu.memref_slice %arg12[%rem3A_888] : memref<4x!tpu.dma_semaphore, #tpu.memory_space<semaphore_mem>> -> memref<1x!tpu.dma_semaphore, #tpu.memory_space<semaphore_mem>>
      %dma_start3A_940 = tpu.memref_squeeze %dma_start3A_939 : memref<1x!tpu.dma_semaphore, #tpu.memory_space<semaphore_mem>> -> memref<!tpu.dma_semaphore, #tpu.memory_space<semaphore_mem>>
      tpu.enqueue_indirect_dma source(%dma_start3A_934 : memref<80x128xf32, #tpu.memory_space<vmem>>) target(%dma_start3A_938 : memref<10112x128xf32, #tpu.memory_space<vmem_shared>>) offsets(%dma_start3A_935 : memref<80xi32, #tpu.memory_space<vmem>>) semaphore(%dma_start3A_940 : memref<!tpu.dma_semaphore, #tpu.memory_space<semaphore_mem>>) {add = true}
    }
    %scan3A_564 = arith.constant 125 : i32
    %div3A_565 = arith.constant 121 : i32
    %div3A_566 = arith.constant 25 : i32
    %div3A_567 = arith.divsi %div3A_565, %div3A_566 : i32
    %rem3A_568 = arith.constant 2 : i32
    %rem3A_569 = arith.remsi %div3A_567, %rem3A_568 : i32
    %mul3A_570 = arith.constant 2000 : i32
    %mul3A_571 = arith.muli %rem3A_569, %mul3A_570 : i32
    %mul3A_572 = arith.constant 25 : i32
    %mul3A_573 = arith.muli %div3A_567, %mul3A_572 : i32
    %sub3A_574 = arith.constant 121 : i32
    %sub3A_575 = arith.subi %sub3A_574, %mul3A_573 : i32
    %mul3A_576 = arith.constant 80 : i32
    %mul3A_577 = arith.muli %sub3A_575, %mul3A_576 : i32
    %add3A_578 = arith.addi %mul3A_571, %mul3A_577 : i32
    %dma_wait3A_579 = arith.constant 1 : i32
    %dma_wait3A_580 = arith.constant 80 : i32
    %dma_wait3A_581 = arith.constant 0 : i32
    %dma_wait3A_582 = tpu.memref_slice %arg10[%dma_wait3A_580, %dma_wait3A_581] : memref<320x128xf32, #tpu.memory_space<vmem>> -> memref<80x128xf32, #tpu.memory_space<vmem>>
    %dma_wait3A_583 = tpu.memref_slice %arg9[%add3A_578] : memref<4000xi32, #tpu.memory_space<vmem>> -> memref<80xi32, #tpu.memory_space<vmem>>
    %dma_wait3A_584 = arith.constant 0 : i32
    %dma_wait3A_585 = arith.constant 0 : i32
    %dma_wait3A_586 = tpu.memref_slice %arg15[%dma_wait3A_584, %dma_wait3A_585] : memref<10112x128xf32, #tpu.memory_space<vmem_shared>> -> memref<10112x128xf32, #tpu.memory_space<vmem_shared>>
    %dma_wait3A_587 = tpu.memref_slice %arg12[%dma_wait3A_579] : memref<4x!tpu.dma_semaphore, #tpu.memory_space<semaphore_mem>> -> memref<1x!tpu.dma_semaphore, #tpu.memory_space<semaphore_mem>>
    %dma_wait3A_588 = tpu.memref_squeeze %dma_wait3A_587 : memref<1x!tpu.dma_semaphore, #tpu.memory_space<semaphore_mem>> -> memref<!tpu.dma_semaphore, #tpu.memory_space<semaphore_mem>>
    tpu.wait_indirect_dma semaphore(%dma_wait3A_588 : memref<!tpu.dma_semaphore, #tpu.memory_space<semaphore_mem>>) src(%dma_wait3A_582 : memref<80x128xf32, #tpu.memory_space<vmem>>) dst(%dma_wait3A_586 : memref<10112x128xf32, #tpu.memory_space<vmem_shared>>)
    %div3A_589 = arith.constant 122 : i32
    %div3A_590 = arith.constant 25 : i32
    %div3A_591 = arith.divsi %div3A_589, %div3A_590 : i32
    %rem3A_592 = arith.constant 2 : i32
    %rem3A_593 = arith.remsi %div3A_591, %rem3A_592 : i32
    %mul3A_594 = arith.constant 2000 : i32
    %mul3A_595 = arith.muli %rem3A_593, %mul3A_594 : i32
    %mul3A_596 = arith.constant 25 : i32
    %mul3A_597 = arith.muli %div3A_591, %mul3A_596 : i32
    %sub3A_598 = arith.constant 122 : i32
    %sub3A_599 = arith.subi %sub3A_598, %mul3A_597 : i32
    %mul3A_600 = arith.constant 80 : i32
    %mul3A_601 = arith.muli %sub3A_599, %mul3A_600 : i32
    %add3A_602 = arith.addi %mul3A_595, %mul3A_601 : i32
    %dma_wait3A_603 = arith.constant 2 : i32
    %dma_wait3A_604 = arith.constant 160 : i32
    %dma_wait3A_605 = arith.constant 0 : i32
    %dma_wait3A_606 = tpu.memref_slice %arg10[%dma_wait3A_604, %dma_wait3A_605] : memref<320x128xf32, #tpu.memory_space<vmem>> -> memref<80x128xf32, #tpu.memory_space<vmem>>
    %dma_wait3A_607 = tpu.memref_slice %arg9[%add3A_602] : memref<4000xi32, #tpu.memory_space<vmem>> -> memref<80xi32, #tpu.memory_space<vmem>>
    %dma_wait3A_608 = arith.constant 0 : i32
    %dma_wait3A_609 = arith.constant 0 : i32
    %dma_wait3A_610 = tpu.memref_slice %arg15[%dma_wait3A_608, %dma_wait3A_609] : memref<10112x128xf32, #tpu.memory_space<vmem_shared>> -> memref<10112x128xf32, #tpu.memory_space<vmem_shared>>
    %dma_wait3A_611 = tpu.memref_slice %arg12[%dma_wait3A_603] : memref<4x!tpu.dma_semaphore, #tpu.memory_space<semaphore_mem>> -> memref<1x!tpu.dma_semaphore, #tpu.memory_space<semaphore_mem>>
    %dma_wait3A_612 = tpu.memref_squeeze %dma_wait3A_611 : memref<1x!tpu.dma_semaphore, #tpu.memory_space<semaphore_mem>> -> memref<!tpu.dma_semaphore, #tpu.memory_space<semaphore_mem>>
    tpu.wait_indirect_dma semaphore(%dma_wait3A_612 : memref<!tpu.dma_semaphore, #tpu.memory_space<semaphore_mem>>) src(%dma_wait3A_606 : memref<80x128xf32, #tpu.memory_space<vmem>>) dst(%dma_wait3A_610 : memref<10112x128xf32, #tpu.memory_space<vmem_shared>>)
    %div3A_613 = arith.constant 123 : i32
    %div3A_614 = arith.constant 25 : i32
    %div3A_615 = arith.divsi %div3A_613, %div3A_614 : i32
    %rem3A_616 = arith.constant 2 : i32
    %rem3A_617 = arith.remsi %div3A_615, %rem3A_616 : i32
    %mul3A_618 = arith.constant 2000 : i32
    %mul3A_619 = arith.muli %rem3A_617, %mul3A_618 : i32
    %mul3A_620 = arith.constant 25 : i32
    %mul3A_621 = arith.muli %div3A_615, %mul3A_620 : i32
    %sub3A_622 = arith.constant 123 : i32
    %sub3A_623 = arith.subi %sub3A_622, %mul3A_621 : i32
    %mul3A_624 = arith.constant 80 : i32
    %mul3A_625 = arith.muli %sub3A_623, %mul3A_624 : i32
    %add3A_626 = arith.addi %mul3A_619, %mul3A_625 : i32
    %dma_wait3A_627 = arith.constant 3 : i32
    %dma_wait3A_628 = arith.constant 240 : i32
    %dma_wait3A_629 = arith.constant 0 : i32
    %dma_wait3A_630 = tpu.memref_slice %arg10[%dma_wait3A_628, %dma_wait3A_629] : memref<320x128xf32, #tpu.memory_space<vmem>> -> memref<80x128xf32, #tpu.memory_space<vmem>>
    %dma_wait3A_631 = tpu.memref_slice %arg9[%add3A_626] : memref<4000xi32, #tpu.memory_space<vmem>> -> memref<80xi32, #tpu.memory_space<vmem>>
    %dma_wait3A_632 = arith.constant 0 : i32
    %dma_wait3A_633 = arith.constant 0 : i32
    %dma_wait3A_634 = tpu.memref_slice %arg15[%dma_wait3A_632, %dma_wait3A_633] : memref<10112x128xf32, #tpu.memory_space<vmem_shared>> -> memref<10112x128xf32, #tpu.memory_space<vmem_shared>>
    %dma_wait3A_635 = tpu.memref_slice %arg12[%dma_wait3A_627] : memref<4x!tpu.dma_semaphore, #tpu.memory_space<semaphore_mem>> -> memref<1x!tpu.dma_semaphore, #tpu.memory_space<semaphore_mem>>
    %dma_wait3A_636 = tpu.memref_squeeze %dma_wait3A_635 : memref<1x!tpu.dma_semaphore, #tpu.memory_space<semaphore_mem>> -> memref<!tpu.dma_semaphore, #tpu.memory_space<semaphore_mem>>
    tpu.wait_indirect_dma semaphore(%dma_wait3A_636 : memref<!tpu.dma_semaphore, #tpu.memory_space<semaphore_mem>>) src(%dma_wait3A_630 : memref<80x128xf32, #tpu.memory_space<vmem>>) dst(%dma_wait3A_634 : memref<10112x128xf32, #tpu.memory_space<vmem_shared>>)
    %div3A_637 = arith.constant 124 : i32
    %div3A_638 = arith.constant 25 : i32
    %div3A_639 = arith.divsi %div3A_637, %div3A_638 : i32
    %rem3A_640 = arith.constant 2 : i32
    %rem3A_641 = arith.remsi %div3A_639, %rem3A_640 : i32
    %mul3A_642 = arith.constant 2000 : i32
    %mul3A_643 = arith.muli %rem3A_641, %mul3A_642 : i32
    %mul3A_644 = arith.constant 25 : i32
    %mul3A_645 = arith.muli %div3A_639, %mul3A_644 : i32
    %sub3A_646 = arith.constant 124 : i32
    %sub3A_647 = arith.subi %sub3A_646, %mul3A_645 : i32
    %mul3A_648 = arith.constant 80 : i32
    %mul3A_649 = arith.muli %sub3A_647, %mul3A_648 : i32
    %add3A_650 = arith.addi %mul3A_643, %mul3A_649 : i32
    %dma_wait3A_651 = arith.constant 0 : i32
    %dma_wait3A_652 = arith.constant 0 : i32
    %dma_wait3A_653 = arith.constant 0 : i32
    %dma_wait3A_654 = tpu.memref_slice %arg10[%dma_wait3A_652, %dma_wait3A_653] : memref<320x128xf32, #tpu.memory_space<vmem>> -> memref<80x128xf32, #tpu.memory_space<vmem>>
    %dma_wait3A_655 = tpu.memref_slice %arg9[%add3A_650] : memref<4000xi32, #tpu.memory_space<vmem>> -> memref<80xi32, #tpu.memory_space<vmem>>
    %dma_wait3A_656 = arith.constant 0 : i32
    %dma_wait3A_657 = arith.constant 0 : i32
    %dma_wait3A_658 = tpu.memref_slice %arg15[%dma_wait3A_656, %dma_wait3A_657] : memref<10112x128xf32, #tpu.memory_space<vmem_shared>> -> memref<10112x128xf32, #tpu.memory_space<vmem_shared>>
    %dma_wait3A_659 = tpu.memref_slice %arg12[%dma_wait3A_651] : memref<4x!tpu.dma_semaphore, #tpu.memory_space<semaphore_mem>> -> memref<1x!tpu.dma_semaphore, #tpu.memory_space<semaphore_mem>>
    %dma_wait3A_660 = tpu.memref_squeeze %dma_wait3A_659 : memref<1x!tpu.dma_semaphore, #tpu.memory_space<semaphore_mem>> -> memref<!tpu.dma_semaphore, #tpu.memory_space<semaphore_mem>>
    tpu.wait_indirect_dma semaphore(%dma_wait3A_660 : memref<!tpu.dma_semaphore, #tpu.memory_space<semaphore_mem>>) src(%dma_wait3A_654 : memref<80x128xf32, #tpu.memory_space<vmem>>) dst(%dma_wait3A_658 : memref<10112x128xf32, #tpu.memory_space<vmem_shared>>)
    %barrier3A_661 = arith.constant 0 : index
    tpu.barrier barrier_id(%barrier3A_661)
    %run_scoped3A_662 = arith.constant 1 : i32
    "tpu.region"() ({
      %run_scoped3A_886 = tpu.sem_alloc : memref<!tpu.dma_semaphore, #tpu.memory_space<semaphore_mem>>
      %dma_start3A_887 = arith.constant 0 : i32
      %dma_start3A_888 = tpu.memref_slice %arg7[%run_scoped3A_662, %arg0, %mul3A_4, %dma_start3A_887] : memref<3x2x10112x128xf32, #tpu.memory_space<hbm>> -> memref<1x1x632x128xf32, #tpu.memory_space<hbm>>
      %dma_start3A_889 = tpu.memref_squeeze %dma_start3A_888 : memref<1x1x632x128xf32, #tpu.memory_space<hbm>> -> memref<632x128xf32, #tpu.memory_space<hbm>>
      %dma_start3A_890 = arith.constant 0 : i32
      %dma_start3A_891 = tpu.memref_slice %arg15[%mul3A_4, %dma_start3A_890] : memref<10112x128xf32, #tpu.memory_space<vmem_shared>> -> memref<632x128xf32, #tpu.memory_space<vmem_shared>>
      tpu.enqueue_dma source(%dma_start3A_891 : memref<632x128xf32, #tpu.memory_space<vmem_shared>>) target(%dma_start3A_889 : memref<632x128xf32, #tpu.memory_space<hbm>>) target_semaphore(%run_scoped3A_886 : memref<!tpu.dma_semaphore, #tpu.memory_space<semaphore_mem>>)
      %dma_wait3A_892 = arith.constant 0 : i32
      %dma_wait3A_893 = tpu.memref_slice %arg7[%run_scoped3A_662, %arg0, %mul3A_4, %dma_wait3A_892] : memref<3x2x10112x128xf32, #tpu.memory_space<hbm>> -> memref<1x1x632x128xf32, #tpu.memory_space<hbm>>
      %dma_wait3A_894 = tpu.memref_squeeze %dma_wait3A_893 : memref<1x1x632x128xf32, #tpu.memory_space<hbm>> -> memref<632x128xf32, #tpu.memory_space<hbm>>
      %dma_wait3A_895 = arith.constant 0 : i32
      %dma_wait3A_896 = tpu.memref_slice %arg15[%mul3A_4, %dma_wait3A_895] : memref<10112x128xf32, #tpu.memory_space<vmem_shared>> -> memref<632x128xf32, #tpu.memory_space<vmem_shared>>
      tpu.wait_dma2 semaphore(%run_scoped3A_886 : memref<!tpu.dma_semaphore, #tpu.memory_space<semaphore_mem>>) src(%dma_wait3A_896 : memref<632x128xf32, #tpu.memory_space<vmem_shared>>) dst(%dma_wait3A_894 : memref<632x128xf32, #tpu.memory_space<hbm>>)
      tpu.yield
    }) : () -> ()
    %barrier3A_663 = arith.constant 0 : index
    tpu.barrier barrier_id(%barrier3A_663)
    %add3A_664 = arith.constant 0 : i32
    %add3A_665 = arith.addi %add3A_664, %mul3A_2 : i32
    %add3A_666 = arith.constant 320000 : i32
    %add3A_667 = arith.addi %add3A_666, %mul3A_2 : i32
    %rem3A_668 = arith.constant 0 : i32
    %rem3A_669 = arith.constant 2 : i32
    %rem3A_670 = arith.remsi %rem3A_668, %rem3A_669 : i32
    %mul3A_671 = arith.constant 2000 : i32
    %mul3A_672 = arith.muli %rem3A_670, %mul3A_671 : i32
    %add3A_673 = arith.constant 0 : i32
    %add3A_674 = arith.addi %add3A_665, %add3A_673 : i32
    %add3A_675 = arith.constant 0 : i32
    %add3A_676 = arith.addi %add3A_667, %add3A_675 : i32
    %dma_start3A_677 = tpu.memref_slice %arg8[%mul3A_672] : memref<4000xi32, #tpu.memory_space<vmem>> -> memref<2000xi32, #tpu.memory_space<vmem>>
    %dma_start3A_678 = tpu.memref_slice %arg5[%add3A_674] : memref<640000xi32, #tpu.memory_space<hbm>> -> memref<2000xi32, #tpu.memory_space<hbm>>
    %dma_start3A_679 = tpu.memref_slice %arg8[%mul3A_672] : memref<4000xi32, #tpu.memory_space<vmem>> -> memref<2000xi32, #tpu.memory_space<vmem>>
    %dma_start3A_680 = tpu.memref_slice %arg5[%add3A_674] : memref<640000xi32, #tpu.memory_space<hbm>> -> memref<2000xi32, #tpu.memory_space<hbm>>
    tpu.enqueue_dma source(%dma_start3A_680 : memref<2000xi32, #tpu.memory_space<hbm>>) target(%dma_start3A_679 : memref<2000xi32, #tpu.memory_space<vmem>>) target_semaphore(%arg13 : memref<!tpu.dma_semaphore, #tpu.memory_space<semaphore_mem>>)
    %dma_start3A_681 = tpu.memref_slice %arg9[%mul3A_672] : memref<4000xi32, #tpu.memory_space<vmem>> -> memref<2000xi32, #tpu.memory_space<vmem>>
    %dma_start3A_682 = tpu.memref_slice %arg5[%add3A_676] : memref<640000xi32, #tpu.memory_space<hbm>> -> memref<2000xi32, #tpu.memory_space<hbm>>
    %dma_start3A_683 = tpu.memref_slice %arg9[%mul3A_672] : memref<4000xi32, #tpu.memory_space<vmem>> -> memref<2000xi32, #tpu.memory_space<vmem>>
    %dma_start3A_684 = tpu.memref_slice %arg5[%add3A_676] : memref<640000xi32, #tpu.memory_space<hbm>> -> memref<2000xi32, #tpu.memory_space<hbm>>
    tpu.enqueue_dma source(%dma_start3A_684 : memref<2000xi32, #tpu.memory_space<hbm>>) target(%dma_start3A_683 : memref<2000xi32, #tpu.memory_space<vmem>>) target_semaphore(%arg14 : memref<!tpu.dma_semaphore, #tpu.memory_space<semaphore_mem>>)
    %dma_wait3A_685 = tpu.memref_slice %arg8[%mul3A_672] : memref<4000xi32, #tpu.memory_space<vmem>> -> memref<2000xi32, #tpu.memory_space<vmem>>
    %dma_wait3A_686 = tpu.memref_slice %arg5[%add3A_674] : memref<640000xi32, #tpu.memory_space<hbm>> -> memref<2000xi32, #tpu.memory_space<hbm>>
    %dma_wait3A_687 = tpu.memref_slice %arg8[%mul3A_672] : memref<4000xi32, #tpu.memory_space<vmem>> -> memref<2000xi32, #tpu.memory_space<vmem>>
    %dma_wait3A_688 = tpu.memref_slice %arg5[%add3A_674] : memref<640000xi32, #tpu.memory_space<hbm>> -> memref<2000xi32, #tpu.memory_space<hbm>>
    tpu.wait_dma2 semaphore(%arg13 : memref<!tpu.dma_semaphore, #tpu.memory_space<semaphore_mem>>) src(%dma_wait3A_688 : memref<2000xi32, #tpu.memory_space<hbm>>) dst(%dma_wait3A_687 : memref<2000xi32, #tpu.memory_space<vmem>>)
    %dma_wait3A_689 = tpu.memref_slice %arg9[%mul3A_672] : memref<4000xi32, #tpu.memory_space<vmem>> -> memref<2000xi32, #tpu.memory_space<vmem>>
    %dma_wait3A_690 = tpu.memref_slice %arg5[%add3A_676] : memref<640000xi32, #tpu.memory_space<hbm>> -> memref<2000xi32, #tpu.memory_space<hbm>>
    %dma_wait3A_691 = tpu.memref_slice %arg9[%mul3A_672] : memref<4000xi32, #tpu.memory_space<vmem>> -> memref<2000xi32, #tpu.memory_space<vmem>>
    %dma_wait3A_692 = tpu.memref_slice %arg5[%add3A_676] : memref<640000xi32, #tpu.memory_space<hbm>> -> memref<2000xi32, #tpu.memory_space<hbm>>
    tpu.wait_dma2 semaphore(%arg14 : memref<!tpu.dma_semaphore, #tpu.memory_space<semaphore_mem>>) src(%dma_wait3A_692 : memref<2000xi32, #tpu.memory_space<hbm>>) dst(%dma_wait3A_691 : memref<2000xi32, #tpu.memory_space<vmem>>)
    %rem3A_693 = arith.constant 1 : i32
    %rem3A_694 = arith.constant 2 : i32
    %rem3A_695 = arith.remsi %rem3A_693, %rem3A_694 : i32
    %mul3A_696 = arith.constant 2000 : i32
    %mul3A_697 = arith.muli %rem3A_695, %mul3A_696 : i32
    %add3A_698 = arith.constant 2000 : i32
    %add3A_699 = arith.addi %add3A_665, %add3A_698 : i32
    %add3A_700 = arith.constant 2000 : i32
    %add3A_701 = arith.addi %add3A_667, %add3A_700 : i32
    %dma_start3A_702 = tpu.memref_slice %arg8[%mul3A_697] : memref<4000xi32, #tpu.memory_space<vmem>> -> memref<2000xi32, #tpu.memory_space<vmem>>
    %dma_start3A_703 = tpu.memref_slice %arg5[%add3A_699] : memref<640000xi32, #tpu.memory_space<hbm>> -> memref<2000xi32, #tpu.memory_space<hbm>>
    %dma_start3A_704 = tpu.memref_slice %arg8[%mul3A_697] : memref<4000xi32, #tpu.memory_space<vmem>> -> memref<2000xi32, #tpu.memory_space<vmem>>
    %dma_start3A_705 = tpu.memref_slice %arg5[%add3A_699] : memref<640000xi32, #tpu.memory_space<hbm>> -> memref<2000xi32, #tpu.memory_space<hbm>>
    tpu.enqueue_dma source(%dma_start3A_705 : memref<2000xi32, #tpu.memory_space<hbm>>) target(%dma_start3A_704 : memref<2000xi32, #tpu.memory_space<vmem>>) target_semaphore(%arg13 : memref<!tpu.dma_semaphore, #tpu.memory_space<semaphore_mem>>)
    %dma_start3A_706 = tpu.memref_slice %arg9[%mul3A_697] : memref<4000xi32, #tpu.memory_space<vmem>> -> memref<2000xi32, #tpu.memory_space<vmem>>
    %dma_start3A_707 = tpu.memref_slice %arg5[%add3A_701] : memref<640000xi32, #tpu.memory_space<hbm>> -> memref<2000xi32, #tpu.memory_space<hbm>>
    %dma_start3A_708 = tpu.memref_slice %arg9[%mul3A_697] : memref<4000xi32, #tpu.memory_space<vmem>> -> memref<2000xi32, #tpu.memory_space<vmem>>
    %dma_start3A_709 = tpu.memref_slice %arg5[%add3A_701] : memref<640000xi32, #tpu.memory_space<hbm>> -> memref<2000xi32, #tpu.memory_space<hbm>>
    tpu.enqueue_dma source(%dma_start3A_709 : memref<2000xi32, #tpu.memory_space<hbm>>) target(%dma_start3A_708 : memref<2000xi32, #tpu.memory_space<vmem>>) target_semaphore(%arg14 : memref<!tpu.dma_semaphore, #tpu.memory_space<semaphore_mem>>)
    %div3A_710 = arith.constant 0 : i32
    %div3A_711 = arith.constant 25 : i32
    %div3A_712 = arith.divsi %div3A_710, %div3A_711 : i32
    %rem3A_713 = arith.constant 2 : i32
    %rem3A_714 = arith.remsi %div3A_712, %rem3A_713 : i32
    %mul3A_715 = arith.constant 2000 : i32
    %mul3A_716 = arith.muli %rem3A_714, %mul3A_715 : i32
    %mul3A_717 = arith.constant 25 : i32
    %mul3A_718 = arith.muli %div3A_712, %mul3A_717 : i32
    %sub3A_719 = arith.constant 0 : i32
    %sub3A_720 = arith.subi %sub3A_719, %mul3A_718 : i32
    %mul3A_721 = arith.constant 80 : i32
    %mul3A_722 = arith.muli %sub3A_720, %mul3A_721 : i32
    %add3A_723 = arith.addi %mul3A_716, %mul3A_722 : i32
    %dma_start3A_724 = arith.constant 0 : i32
    %dma_start3A_725 = arith.constant 0 : i32
    %dma_start3A_726 = arith.constant 0 : i32
    %dma_start3A_727 = tpu.memref_slice %arg10[%dma_start3A_725, %dma_start3A_726] : memref<320x128xf32, #tpu.memory_space<vmem>> -> memref<80x128xf32, #tpu.memory_space<vmem>>
    %dma_start3A_728 = tpu.memref_slice %arg8[%add3A_723] : memref<4000xi32, #tpu.memory_space<vmem>> -> memref<80xi32, #tpu.memory_space<vmem>>
    %dma_start3A_729 = arith.constant 0 : i32
    %dma_start3A_730 = arith.constant 0 : i32
    %dma_start3A_731 = tpu.memref_slice %arg2[%dma_start3A_729, %dma_start3A_730] : memref<10000x128xf32, #tpu.memory_space<hbm>> -> memref<10000x128xf32, #tpu.memory_space<hbm>>
    %dma_start3A_732 = tpu.memref_slice %arg11[%dma_start3A_724] : memref<4x!tpu.dma_semaphore, #tpu.memory_space<semaphore_mem>> -> memref<1x!tpu.dma_semaphore, #tpu.memory_space<semaphore_mem>>
    %dma_start3A_733 = tpu.memref_squeeze %dma_start3A_732 : memref<1x!tpu.dma_semaphore, #tpu.memory_space<semaphore_mem>> -> memref<!tpu.dma_semaphore, #tpu.memory_space<semaphore_mem>>
    tpu.enqueue_indirect_dma source(%dma_start3A_731 : memref<10000x128xf32, #tpu.memory_space<hbm>>) target(%dma_start3A_727 : memref<80x128xf32, #tpu.memory_space<vmem>>) offsets(%dma_start3A_728 : memref<80xi32, #tpu.memory_space<vmem>>) semaphore(%dma_start3A_733 : memref<!tpu.dma_semaphore, #tpu.memory_space<semaphore_mem>>)
    %div3A_734 = arith.constant 1 : i32
    %div3A_735 = arith.constant 25 : i32
    %div3A_736 = arith.divsi %div3A_734, %div3A_735 : i32
    %rem3A_737 = arith.constant 2 : i32
    %rem3A_738 = arith.remsi %div3A_736, %rem3A_737 : i32
    %mul3A_739 = arith.constant 2000 : i32
    %mul3A_740 = arith.muli %rem3A_738, %mul3A_739 : i32
    %mul3A_741 = arith.constant 25 : i32
    %mul3A_742 = arith.muli %div3A_736, %mul3A_741 : i32
    %sub3A_743 = arith.constant 1 : i32
    %sub3A_744 = arith.subi %sub3A_743, %mul3A_742 : i32
    %mul3A_745 = arith.constant 80 : i32
    %mul3A_746 = arith.muli %sub3A_744, %mul3A_745 : i32
    %add3A_747 = arith.addi %mul3A_740, %mul3A_746 : i32
    %dma_start3A_748 = arith.constant 1 : i32
    %dma_start3A_749 = arith.constant 80 : i32
    %dma_start3A_750 = arith.constant 0 : i32
    %dma_start3A_751 = tpu.memref_slice %arg10[%dma_start3A_749, %dma_start3A_750] : memref<320x128xf32, #tpu.memory_space<vmem>> -> memref<80x128xf32, #tpu.memory_space<vmem>>
    %dma_start3A_752 = tpu.memref_slice %arg8[%add3A_747] : memref<4000xi32, #tpu.memory_space<vmem>> -> memref<80xi32, #tpu.memory_space<vmem>>
    %dma_start3A_753 = arith.constant 0 : i32
    %dma_start3A_754 = arith.constant 0 : i32
    %dma_start3A_755 = tpu.memref_slice %arg2[%dma_start3A_753, %dma_start3A_754] : memref<10000x128xf32, #tpu.memory_space<hbm>> -> memref<10000x128xf32, #tpu.memory_space<hbm>>
    %dma_start3A_756 = tpu.memref_slice %arg11[%dma_start3A_748] : memref<4x!tpu.dma_semaphore, #tpu.memory_space<semaphore_mem>> -> memref<1x!tpu.dma_semaphore, #tpu.memory_space<semaphore_mem>>
    %dma_start3A_757 = tpu.memref_squeeze %dma_start3A_756 : memref<1x!tpu.dma_semaphore, #tpu.memory_space<semaphore_mem>> -> memref<!tpu.dma_semaphore, #tpu.memory_space<semaphore_mem>>
    tpu.enqueue_indirect_dma source(%dma_start3A_755 : memref<10000x128xf32, #tpu.memory_space<hbm>>) target(%dma_start3A_751 : memref<80x128xf32, #tpu.memory_space<vmem>>) offsets(%dma_start3A_752 : memref<80xi32, #tpu.memory_space<vmem>>) semaphore(%dma_start3A_757 : memref<!tpu.dma_semaphore, #tpu.memory_space<semaphore_mem>>)
    %div3A_758 = arith.constant 2 : i32
    %div3A_759 = arith.constant 25 : i32
    %div3A_760 = arith.divsi %div3A_758, %div3A_759 : i32
    %rem3A_761 = arith.constant 2 : i32
    %rem3A_762 = arith.remsi %div3A_760, %rem3A_761 : i32
    %mul3A_763 = arith.constant 2000 : i32
    %mul3A_764 = arith.muli %rem3A_762, %mul3A_763 : i32
    %mul3A_765 = arith.constant 25 : i32
    %mul3A_766 = arith.muli %div3A_760, %mul3A_765 : i32
    %sub3A_767 = arith.constant 2 : i32
    %sub3A_768 = arith.subi %sub3A_767, %mul3A_766 : i32
    %mul3A_769 = arith.constant 80 : i32
    %mul3A_770 = arith.muli %sub3A_768, %mul3A_769 : i32
    %add3A_771 = arith.addi %mul3A_764, %mul3A_770 : i32
    %dma_start3A_772 = arith.constant 2 : i32
    %dma_start3A_773 = arith.constant 160 : i32
    %dma_start3A_774 = arith.constant 0 : i32
    %dma_start3A_775 = tpu.memref_slice %arg10[%dma_start3A_773, %dma_start3A_774] : memref<320x128xf32, #tpu.memory_space<vmem>> -> memref<80x128xf32, #tpu.memory_space<vmem>>
    %dma_start3A_776 = tpu.memref_slice %arg8[%add3A_771] : memref<4000xi32, #tpu.memory_space<vmem>> -> memref<80xi32, #tpu.memory_space<vmem>>
    %dma_start3A_777 = arith.constant 0 : i32
    %dma_start3A_778 = arith.constant 0 : i32
    %dma_start3A_779 = tpu.memref_slice %arg2[%dma_start3A_777, %dma_start3A_778] : memref<10000x128xf32, #tpu.memory_space<hbm>> -> memref<10000x128xf32, #tpu.memory_space<hbm>>
    %dma_start3A_780 = tpu.memref_slice %arg11[%dma_start3A_772] : memref<4x!tpu.dma_semaphore, #tpu.memory_space<semaphore_mem>> -> memref<1x!tpu.dma_semaphore, #tpu.memory_space<semaphore_mem>>
    %dma_start3A_781 = tpu.memref_squeeze %dma_start3A_780 : memref<1x!tpu.dma_semaphore, #tpu.memory_space<semaphore_mem>> -> memref<!tpu.dma_semaphore, #tpu.memory_space<semaphore_mem>>
    tpu.enqueue_indirect_dma source(%dma_start3A_779 : memref<10000x128xf32, #tpu.memory_space<hbm>>) target(%dma_start3A_775 : memref<80x128xf32, #tpu.memory_space<vmem>>) offsets(%dma_start3A_776 : memref<80xi32, #tpu.memory_space<vmem>>) semaphore(%dma_start3A_781 : memref<!tpu.dma_semaphore, #tpu.memory_space<semaphore_mem>>)
    %scan3A_782 = arith.constant 0 : i32
    %scan3A_783 = arith.constant 0 : i32
    %scan3A_784 = arith.constant 125 : i32
    %scan3A_785 = arith.addi %scan3A_783, %scan3A_784 : i32
    %scan3A_786 = arith.constant 1 : i32
    scf.for %scan3A_886 = %scan3A_783 to %scan3A_785 step %scan3A_786  : i32 {
      %rem3A_887 = arith.constant 4 : i32
      %rem3A_888 = arith.remsi %scan3A_886, %rem3A_887 : i32
      %add3A_889 = arith.constant 3 : i32
      %add3A_890 = arith.addi %scan3A_886, %add3A_889 : i32
      %rem3A_891 = arith.constant 4 : i32
      %rem3A_892 = arith.remsi %add3A_890, %rem3A_891 : i32
      %add3A_893 = arith.constant 3 : i32
      %add3A_894 = arith.addi %scan3A_886, %add3A_893 : i32
      %lt3A = arith.constant 125 : i32
      %lt3A_895 = arith.cmpi slt, %add3A_894, %lt3A : i32
      %convert_element_type3A = arith.extui %lt3A_895 : i1 to i32
      %cond3A = arith.constant 0 : i32
      %cond3A_896 = arith.cmpi ne, %convert_element_type3A, %cond3A : i32
      scf.if %cond3A_896 {
        %ge3A = arith.constant 1 : i32
        %ge3A_941 = arith.cmpi sge, %scan3A_886, %ge3A : i32
        %convert_element_type3A_942 = arith.extui %ge3A_941 : i1 to i32
        %cond3A_943 = arith.constant 0 : i32
        %cond3A_944 = arith.cmpi ne, %convert_element_type3A_942, %cond3A_943 : i32
        scf.if %cond3A_944 {
          %sub3A_985 = arith.constant 1 : i32
          %sub3A_986 = arith.subi %scan3A_886, %sub3A_985 : i32
          %mul3A_987 = arith.constant 80 : i32
          %mul3A_988 = arith.muli %rem3A_892, %mul3A_987 : i32
          %div3A_989 = arith.constant 25 : i32
          %div3A_990 = arith.divsi %sub3A_986, %div3A_989 : i32
          %rem3A_991 = arith.constant 2 : i32
          %rem3A_992 = arith.remsi %div3A_990, %rem3A_991 : i32
          %mul3A_993 = arith.constant 2000 : i32
          %mul3A_994 = arith.muli %rem3A_992, %mul3A_993 : i32
          %mul3A_995 = arith.constant 25 : i32
          %mul3A_996 = arith.muli %div3A_990, %mul3A_995 : i32
          %sub3A_997 = arith.subi %sub3A_986, %mul3A_996 : i32
          %mul3A_998 = arith.constant 80 : i32
          %mul3A_999 = arith.muli %sub3A_997, %mul3A_998 : i32
          %add3A_1000 = arith.addi %mul3A_994, %mul3A_999 : i32
          %dma_wait3A_1001 = arith.constant 0 : i32
          %dma_wait3A_1002 = tpu.memref_slice %arg10[%mul3A_988, %dma_wait3A_1001] : memref<320x128xf32, #tpu.memory_space<vmem>> -> memref<80x128xf32, #tpu.memory_space<vmem>>
          %dma_wait3A_1003 = tpu.memref_slice %arg9[%add3A_1000] : memref<4000xi32, #tpu.memory_space<vmem>> -> memref<80xi32, #tpu.memory_space<vmem>>
          %dma_wait3A_1004 = arith.constant 0 : i32
          %dma_wait3A_1005 = arith.constant 0 : i32
          %dma_wait3A_1006 = tpu.memref_slice %arg15[%dma_wait3A_1004, %dma_wait3A_1005] : memref<10112x128xf32, #tpu.memory_space<vmem_shared>> -> memref<10112x128xf32, #tpu.memory_space<vmem_shared>>
          %dma_wait3A_1007 = tpu.memref_slice %arg12[%rem3A_892] : memref<4x!tpu.dma_semaphore, #tpu.memory_space<semaphore_mem>> -> memref<1x!tpu.dma_semaphore, #tpu.memory_space<semaphore_mem>>
          %dma_wait3A_1008 = tpu.memref_squeeze %dma_wait3A_1007 : memref<1x!tpu.dma_semaphore, #tpu.memory_space<semaphore_mem>> -> memref<!tpu.dma_semaphore, #tpu.memory_space<semaphore_mem>>
          tpu.wait_indirect_dma semaphore(%dma_wait3A_1008 : memref<!tpu.dma_semaphore, #tpu.memory_space<semaphore_mem>>) src(%dma_wait3A_1002 : memref<80x128xf32, #tpu.memory_space<vmem>>) dst(%dma_wait3A_1006 : memref<10112x128xf32, #tpu.memory_space<vmem_shared>>)
        } else {
        }
        %rem3A_945 = arith.constant 25 : i32
        %rem3A_946 = arith.remsi %scan3A_886, %rem3A_945 : i32
        %eq3A = arith.constant 0 : i32
        %eq3A_947 = arith.cmpi eq, %rem3A_946, %eq3A : i32
        %gt3A = arith.constant 0 : i32
        %gt3A_948 = arith.cmpi sgt, %scan3A_886, %gt3A : i32
        %and3A = arith.andi %eq3A_947, %gt3A_948 : i1
        %convert_element_type3A_949 = arith.extui %and3A : i1 to i32
        %cond3A_950 = arith.constant 0 : i32
        %cond3A_951 = arith.cmpi ne, %convert_element_type3A_949, %cond3A_950 : i32
        scf.if %cond3A_951 {
          %div3A_985 = arith.constant 25 : i32
          %div3A_986 = arith.divsi %scan3A_886, %div3A_985 : i32
          %add3A_987 = arith.constant 1 : i32
          %add3A_988 = arith.addi %div3A_986, %add3A_987 : i32
          %lt3A_989 = arith.constant 5 : i32
          %lt3A_990 = arith.cmpi slt, %add3A_988, %lt3A_989 : i32
          %convert_element_type3A_991 = arith.extui %lt3A_990 : i1 to i32
          %cond3A_992 = arith.constant 0 : i32
          %cond3A_993 = arith.cmpi ne, %convert_element_type3A_991, %cond3A_992 : i32
          scf.if %cond3A_993 {
            %rem3A_994 = arith.constant 2 : i32
            %rem3A_995 = arith.remsi %add3A_988, %rem3A_994 : i32
            %mul3A_996 = arith.constant 2000 : i32
            %mul3A_997 = arith.muli %rem3A_995, %mul3A_996 : i32
            %mul3A_998 = arith.constant 2000 : i32
            %mul3A_999 = arith.muli %add3A_988, %mul3A_998 : i32
            %add3A_1000 = arith.addi %add3A_665, %mul3A_999 : i32
            %mul3A_1001 = arith.constant 2000 : i32
            %mul3A_1002 = arith.muli %add3A_988, %mul3A_1001 : i32
            %add3A_1003 = arith.addi %add3A_667, %mul3A_1002 : i32
            %dma_start3A_1004 = tpu.memref_slice %arg8[%mul3A_997] : memref<4000xi32, #tpu.memory_space<vmem>> -> memref<2000xi32, #tpu.memory_space<vmem>>
            %dma_start3A_1005 = tpu.memref_slice %arg5[%add3A_1000] : memref<640000xi32, #tpu.memory_space<hbm>> -> memref<2000xi32, #tpu.memory_space<hbm>>
            %dma_start3A_1006 = tpu.memref_slice %arg8[%mul3A_997] : memref<4000xi32, #tpu.memory_space<vmem>> -> memref<2000xi32, #tpu.memory_space<vmem>>
            %dma_start3A_1007 = tpu.memref_slice %arg5[%add3A_1000] : memref<640000xi32, #tpu.memory_space<hbm>> -> memref<2000xi32, #tpu.memory_space<hbm>>
            tpu.enqueue_dma source(%dma_start3A_1007 : memref<2000xi32, #tpu.memory_space<hbm>>) target(%dma_start3A_1006 : memref<2000xi32, #tpu.memory_space<vmem>>) target_semaphore(%arg13 : memref<!tpu.dma_semaphore, #tpu.memory_space<semaphore_mem>>)
            %dma_start3A_1008 = tpu.memref_slice %arg9[%mul3A_997] : memref<4000xi32, #tpu.memory_space<vmem>> -> memref<2000xi32, #tpu.memory_space<vmem>>
            %dma_start3A_1009 = tpu.memref_slice %arg5[%add3A_1003] : memref<640000xi32, #tpu.memory_space<hbm>> -> memref<2000xi32, #tpu.memory_space<hbm>>
            %dma_start3A_1010 = tpu.memref_slice %arg9[%mul3A_997] : memref<4000xi32, #tpu.memory_space<vmem>> -> memref<2000xi32, #tpu.memory_space<vmem>>
            %dma_start3A_1011 = tpu.memref_slice %arg5[%add3A_1003] : memref<640000xi32, #tpu.memory_space<hbm>> -> memref<2000xi32, #tpu.memory_space<hbm>>
            tpu.enqueue_dma source(%dma_start3A_1011 : memref<2000xi32, #tpu.memory_space<hbm>>) target(%dma_start3A_1010 : memref<2000xi32, #tpu.memory_space<vmem>>) target_semaphore(%arg14 : memref<!tpu.dma_semaphore, #tpu.memory_space<semaphore_mem>>)
          } else {
          }
        } else {
        }
        %add3A_952 = arith.constant 3 : i32
        %add3A_953 = arith.addi %scan3A_886, %add3A_952 : i32
        %rem3A_954 = arith.constant 25 : i32
        %rem3A_955 = arith.remsi %add3A_953, %rem3A_954 : i32
        %eq3A_956 = arith.constant 0 : i32
        %eq3A_957 = arith.cmpi eq, %rem3A_955, %eq3A_956 : i32
        %convert_element_type3A_958 = arith.extui %eq3A_957 : i1 to i32
        %cond3A_959 = arith.constant 0 : i32
        %cond3A_960 = arith.cmpi ne, %convert_element_type3A_958, %cond3A_959 : i32
        scf.if %cond3A_960 {
          %add3A_985 = arith.constant 3 : i32
          %add3A_986 = arith.addi %scan3A_886, %add3A_985 : i32
          %div3A_987 = arith.constant 25 : i32
          %div3A_988 = arith.divsi %add3A_986, %div3A_987 : i32
          %rem3A_989 = arith.constant 2 : i32
          %rem3A_990 = arith.remsi %div3A_988, %rem3A_989 : i32
          %mul3A_991 = arith.constant 2000 : i32
          %mul3A_992 = arith.muli %rem3A_990, %mul3A_991 : i32
          %mul3A_993 = arith.constant 2000 : i32
          %mul3A_994 = arith.muli %div3A_988, %mul3A_993 : i32
          %add3A_995 = arith.addi %add3A_665, %mul3A_994 : i32
          %mul3A_996 = arith.constant 2000 : i32
          %mul3A_997 = arith.muli %div3A_988, %mul3A_996 : i32
          %add3A_998 = arith.addi %add3A_667, %mul3A_997 : i32
          %dma_wait3A_999 = tpu.memref_slice %arg8[%mul3A_992] : memref<4000xi32, #tpu.memory_space<vmem>> -> memref<2000xi32, #tpu.memory_space<vmem>>
          %dma_wait3A_1000 = tpu.memref_slice %arg5[%add3A_995] : memref<640000xi32, #tpu.memory_space<hbm>> -> memref<2000xi32, #tpu.memory_space<hbm>>
          %dma_wait3A_1001 = tpu.memref_slice %arg8[%mul3A_992] : memref<4000xi32, #tpu.memory_space<vmem>> -> memref<2000xi32, #tpu.memory_space<vmem>>
          %dma_wait3A_1002 = tpu.memref_slice %arg5[%add3A_995] : memref<640000xi32, #tpu.memory_space<hbm>> -> memref<2000xi32, #tpu.memory_space<hbm>>
          tpu.wait_dma2 semaphore(%arg13 : memref<!tpu.dma_semaphore, #tpu.memory_space<semaphore_mem>>) src(%dma_wait3A_1002 : memref<2000xi32, #tpu.memory_space<hbm>>) dst(%dma_wait3A_1001 : memref<2000xi32, #tpu.memory_space<vmem>>)
          %dma_wait3A_1003 = tpu.memref_slice %arg9[%mul3A_992] : memref<4000xi32, #tpu.memory_space<vmem>> -> memref<2000xi32, #tpu.memory_space<vmem>>
          %dma_wait3A_1004 = tpu.memref_slice %arg5[%add3A_998] : memref<640000xi32, #tpu.memory_space<hbm>> -> memref<2000xi32, #tpu.memory_space<hbm>>
          %dma_wait3A_1005 = tpu.memref_slice %arg9[%mul3A_992] : memref<4000xi32, #tpu.memory_space<vmem>> -> memref<2000xi32, #tpu.memory_space<vmem>>
          %dma_wait3A_1006 = tpu.memref_slice %arg5[%add3A_998] : memref<640000xi32, #tpu.memory_space<hbm>> -> memref<2000xi32, #tpu.memory_space<hbm>>
          tpu.wait_dma2 semaphore(%arg14 : memref<!tpu.dma_semaphore, #tpu.memory_space<semaphore_mem>>) src(%dma_wait3A_1006 : memref<2000xi32, #tpu.memory_space<hbm>>) dst(%dma_wait3A_1005 : memref<2000xi32, #tpu.memory_space<vmem>>)
        } else {
        }
        %add3A_961 = arith.constant 3 : i32
        %add3A_962 = arith.addi %scan3A_886, %add3A_961 : i32
        %div3A_963 = arith.constant 25 : i32
        %div3A_964 = arith.divsi %add3A_962, %div3A_963 : i32
        %rem3A_965 = arith.constant 2 : i32
        %rem3A_966 = arith.remsi %div3A_964, %rem3A_965 : i32
        %mul3A_967 = arith.constant 2000 : i32
        %mul3A_968 = arith.muli %rem3A_966, %mul3A_967 : i32
        %mul3A_969 = arith.constant 25 : i32
        %mul3A_970 = arith.muli %div3A_964, %mul3A_969 : i32
        %sub3A_971 = arith.subi %add3A_962, %mul3A_970 : i32
        %mul3A_972 = arith.constant 80 : i32
        %mul3A_973 = arith.muli %sub3A_971, %mul3A_972 : i32
        %add3A_974 = arith.addi %mul3A_968, %mul3A_973 : i32
        %mul3A_975 = arith.constant 80 : i32
        %mul3A_976 = arith.muli %rem3A_892, %mul3A_975 : i32
        %dma_start3A_977 = arith.constant 0 : i32
        %dma_start3A_978 = tpu.memref_slice %arg10[%mul3A_976, %dma_start3A_977] : memref<320x128xf32, #tpu.memory_space<vmem>> -> memref<80x128xf32, #tpu.memory_space<vmem>>
        %dma_start3A_979 = tpu.memref_slice %arg8[%add3A_974] : memref<4000xi32, #tpu.memory_space<vmem>> -> memref<80xi32, #tpu.memory_space<vmem>>
        %dma_start3A_980 = arith.constant 0 : i32
        %dma_start3A_981 = arith.constant 0 : i32
        %dma_start3A_982 = tpu.memref_slice %arg2[%dma_start3A_980, %dma_start3A_981] : memref<10000x128xf32, #tpu.memory_space<hbm>> -> memref<10000x128xf32, #tpu.memory_space<hbm>>
        %dma_start3A_983 = tpu.memref_slice %arg11[%rem3A_892] : memref<4x!tpu.dma_semaphore, #tpu.memory_space<semaphore_mem>> -> memref<1x!tpu.dma_semaphore, #tpu.memory_space<semaphore_mem>>
        %dma_start3A_984 = tpu.memref_squeeze %dma_start3A_983 : memref<1x!tpu.dma_semaphore, #tpu.memory_space<semaphore_mem>> -> memref<!tpu.dma_semaphore, #tpu.memory_space<semaphore_mem>>
        tpu.enqueue_indirect_dma source(%dma_start3A_982 : memref<10000x128xf32, #tpu.memory_space<hbm>>) target(%dma_start3A_978 : memref<80x128xf32, #tpu.memory_space<vmem>>) offsets(%dma_start3A_979 : memref<80xi32, #tpu.memory_space<vmem>>) semaphore(%dma_start3A_984 : memref<!tpu.dma_semaphore, #tpu.memory_space<semaphore_mem>>)
      } else {
      }
      %div3A_897 = arith.constant 25 : i32
      %div3A_898 = arith.divsi %scan3A_886, %div3A_897 : i32
      %rem3A_899 = arith.constant 2 : i32
      %rem3A_900 = arith.remsi %div3A_898, %rem3A_899 : i32
      %mul3A_901 = arith.constant 2000 : i32
      %mul3A_902 = arith.muli %rem3A_900, %mul3A_901 : i32
      %mul3A_903 = arith.constant 25 : i32
      %mul3A_904 = arith.muli %div3A_898, %mul3A_903 : i32
      %sub3A_905 = arith.subi %scan3A_886, %mul3A_904 : i32
      %mul3A_906 = arith.constant 80 : i32
      %mul3A_907 = arith.muli %sub3A_905, %mul3A_906 : i32
      %add3A_908 = arith.addi %mul3A_902, %mul3A_907 : i32
      %mul3A_909 = arith.constant 80 : i32
      %mul3A_910 = arith.muli %rem3A_888, %mul3A_909 : i32
      %dma_wait3A_911 = arith.constant 0 : i32
      %dma_wait3A_912 = tpu.memref_slice %arg10[%mul3A_910, %dma_wait3A_911] : memref<320x128xf32, #tpu.memory_space<vmem>> -> memref<80x128xf32, #tpu.memory_space<vmem>>
      %dma_wait3A_913 = tpu.memref_slice %arg8[%add3A_908] : memref<4000xi32, #tpu.memory_space<vmem>> -> memref<80xi32, #tpu.memory_space<vmem>>
      %dma_wait3A_914 = arith.constant 0 : i32
      %dma_wait3A_915 = arith.constant 0 : i32
      %dma_wait3A_916 = tpu.memref_slice %arg2[%dma_wait3A_914, %dma_wait3A_915] : memref<10000x128xf32, #tpu.memory_space<hbm>> -> memref<10000x128xf32, #tpu.memory_space<hbm>>
      %dma_wait3A_917 = tpu.memref_slice %arg11[%rem3A_888] : memref<4x!tpu.dma_semaphore, #tpu.memory_space<semaphore_mem>> -> memref<1x!tpu.dma_semaphore, #tpu.memory_space<semaphore_mem>>
      %dma_wait3A_918 = tpu.memref_squeeze %dma_wait3A_917 : memref<1x!tpu.dma_semaphore, #tpu.memory_space<semaphore_mem>> -> memref<!tpu.dma_semaphore, #tpu.memory_space<semaphore_mem>>
      tpu.wait_indirect_dma semaphore(%dma_wait3A_918 : memref<!tpu.dma_semaphore, #tpu.memory_space<semaphore_mem>>) src(%dma_wait3A_916 : memref<10000x128xf32, #tpu.memory_space<hbm>>) dst(%dma_wait3A_912 : memref<80x128xf32, #tpu.memory_space<vmem>>)
      %mul3A_919 = arith.constant 80 : i32
      %mul3A_920 = arith.muli %rem3A_888, %mul3A_919 : i32
      %div3A_921 = arith.constant 25 : i32
      %div3A_922 = arith.divsi %scan3A_886, %div3A_921 : i32
      %rem3A_923 = arith.constant 2 : i32
      %rem3A_924 = arith.remsi %div3A_922, %rem3A_923 : i32
      %mul3A_925 = arith.constant 2000 : i32
      %mul3A_926 = arith.muli %rem3A_924, %mul3A_925 : i32
      %mul3A_927 = arith.constant 25 : i32
      %mul3A_928 = arith.muli %div3A_922, %mul3A_927 : i32
      %sub3A_929 = arith.subi %scan3A_886, %mul3A_928 : i32
      %mul3A_930 = arith.constant 80 : i32
      %mul3A_931 = arith.muli %sub3A_929, %mul3A_930 : i32
      %add3A_932 = arith.addi %mul3A_926, %mul3A_931 : i32
      %dma_start3A_933 = arith.constant 0 : i32
      %dma_start3A_934 = tpu.memref_slice %arg10[%mul3A_920, %dma_start3A_933] : memref<320x128xf32, #tpu.memory_space<vmem>> -> memref<80x128xf32, #tpu.memory_space<vmem>>
      %dma_start3A_935 = tpu.memref_slice %arg9[%add3A_932] : memref<4000xi32, #tpu.memory_space<vmem>> -> memref<80xi32, #tpu.memory_space<vmem>>
      %dma_start3A_936 = arith.constant 0 : i32
      %dma_start3A_937 = arith.constant 0 : i32
      %dma_start3A_938 = tpu.memref_slice %arg15[%dma_start3A_936, %dma_start3A_937] : memref<10112x128xf32, #tpu.memory_space<vmem_shared>> -> memref<10112x128xf32, #tpu.memory_space<vmem_shared>>
      %dma_start3A_939 = tpu.memref_slice %arg12[%rem3A_888] : memref<4x!tpu.dma_semaphore, #tpu.memory_space<semaphore_mem>> -> memref<1x!tpu.dma_semaphore, #tpu.memory_space<semaphore_mem>>
      %dma_start3A_940 = tpu.memref_squeeze %dma_start3A_939 : memref<1x!tpu.dma_semaphore, #tpu.memory_space<semaphore_mem>> -> memref<!tpu.dma_semaphore, #tpu.memory_space<semaphore_mem>>
      tpu.enqueue_indirect_dma source(%dma_start3A_934 : memref<80x128xf32, #tpu.memory_space<vmem>>) target(%dma_start3A_938 : memref<10112x128xf32, #tpu.memory_space<vmem_shared>>) offsets(%dma_start3A_935 : memref<80xi32, #tpu.memory_space<vmem>>) semaphore(%dma_start3A_940 : memref<!tpu.dma_semaphore, #tpu.memory_space<semaphore_mem>>) {add = true}
    }
    %scan3A_787 = arith.constant 125 : i32
    %div3A_788 = arith.constant 121 : i32
    %div3A_789 = arith.constant 25 : i32
    %div3A_790 = arith.divsi %div3A_788, %div3A_789 : i32
    %rem3A_791 = arith.constant 2 : i32
    %rem3A_792 = arith.remsi %div3A_790, %rem3A_791 : i32
    %mul3A_793 = arith.constant 2000 : i32
    %mul3A_794 = arith.muli %rem3A_792, %mul3A_793 : i32
    %mul3A_795 = arith.constant 25 : i32
    %mul3A_796 = arith.muli %div3A_790, %mul3A_795 : i32
    %sub3A_797 = arith.constant 121 : i32
    %sub3A_798 = arith.subi %sub3A_797, %mul3A_796 : i32
    %mul3A_799 = arith.constant 80 : i32
    %mul3A_800 = arith.muli %sub3A_798, %mul3A_799 : i32
    %add3A_801 = arith.addi %mul3A_794, %mul3A_800 : i32
    %dma_wait3A_802 = arith.constant 1 : i32
    %dma_wait3A_803 = arith.constant 80 : i32
    %dma_wait3A_804 = arith.constant 0 : i32
    %dma_wait3A_805 = tpu.memref_slice %arg10[%dma_wait3A_803, %dma_wait3A_804] : memref<320x128xf32, #tpu.memory_space<vmem>> -> memref<80x128xf32, #tpu.memory_space<vmem>>
    %dma_wait3A_806 = tpu.memref_slice %arg9[%add3A_801] : memref<4000xi32, #tpu.memory_space<vmem>> -> memref<80xi32, #tpu.memory_space<vmem>>
    %dma_wait3A_807 = arith.constant 0 : i32
    %dma_wait3A_808 = arith.constant 0 : i32
    %dma_wait3A_809 = tpu.memref_slice %arg15[%dma_wait3A_807, %dma_wait3A_808] : memref<10112x128xf32, #tpu.memory_space<vmem_shared>> -> memref<10112x128xf32, #tpu.memory_space<vmem_shared>>
    %dma_wait3A_810 = tpu.memref_slice %arg12[%dma_wait3A_802] : memref<4x!tpu.dma_semaphore, #tpu.memory_space<semaphore_mem>> -> memref<1x!tpu.dma_semaphore, #tpu.memory_space<semaphore_mem>>
    %dma_wait3A_811 = tpu.memref_squeeze %dma_wait3A_810 : memref<1x!tpu.dma_semaphore, #tpu.memory_space<semaphore_mem>> -> memref<!tpu.dma_semaphore, #tpu.memory_space<semaphore_mem>>
    tpu.wait_indirect_dma semaphore(%dma_wait3A_811 : memref<!tpu.dma_semaphore, #tpu.memory_space<semaphore_mem>>) src(%dma_wait3A_805 : memref<80x128xf32, #tpu.memory_space<vmem>>) dst(%dma_wait3A_809 : memref<10112x128xf32, #tpu.memory_space<vmem_shared>>)
    %div3A_812 = arith.constant 122 : i32
    %div3A_813 = arith.constant 25 : i32
    %div3A_814 = arith.divsi %div3A_812, %div3A_813 : i32
    %rem3A_815 = arith.constant 2 : i32
    %rem3A_816 = arith.remsi %div3A_814, %rem3A_815 : i32
    %mul3A_817 = arith.constant 2000 : i32
    %mul3A_818 = arith.muli %rem3A_816, %mul3A_817 : i32
    %mul3A_819 = arith.constant 25 : i32
    %mul3A_820 = arith.muli %div3A_814, %mul3A_819 : i32
    %sub3A_821 = arith.constant 122 : i32
    %sub3A_822 = arith.subi %sub3A_821, %mul3A_820 : i32
    %mul3A_823 = arith.constant 80 : i32
    %mul3A_824 = arith.muli %sub3A_822, %mul3A_823 : i32
    %add3A_825 = arith.addi %mul3A_818, %mul3A_824 : i32
    %dma_wait3A_826 = arith.constant 2 : i32
    %dma_wait3A_827 = arith.constant 160 : i32
    %dma_wait3A_828 = arith.constant 0 : i32
    %dma_wait3A_829 = tpu.memref_slice %arg10[%dma_wait3A_827, %dma_wait3A_828] : memref<320x128xf32, #tpu.memory_space<vmem>> -> memref<80x128xf32, #tpu.memory_space<vmem>>
    %dma_wait3A_830 = tpu.memref_slice %arg9[%add3A_825] : memref<4000xi32, #tpu.memory_space<vmem>> -> memref<80xi32, #tpu.memory_space<vmem>>
    %dma_wait3A_831 = arith.constant 0 : i32
    %dma_wait3A_832 = arith.constant 0 : i32
    %dma_wait3A_833 = tpu.memref_slice %arg15[%dma_wait3A_831, %dma_wait3A_832] : memref<10112x128xf32, #tpu.memory_space<vmem_shared>> -> memref<10112x128xf32, #tpu.memory_space<vmem_shared>>
    %dma_wait3A_834 = tpu.memref_slice %arg12[%dma_wait3A_826] : memref<4x!tpu.dma_semaphore, #tpu.memory_space<semaphore_mem>> -> memref<1x!tpu.dma_semaphore, #tpu.memory_space<semaphore_mem>>
    %dma_wait3A_835 = tpu.memref_squeeze %dma_wait3A_834 : memref<1x!tpu.dma_semaphore, #tpu.memory_space<semaphore_mem>> -> memref<!tpu.dma_semaphore, #tpu.memory_space<semaphore_mem>>
    tpu.wait_indirect_dma semaphore(%dma_wait3A_835 : memref<!tpu.dma_semaphore, #tpu.memory_space<semaphore_mem>>) src(%dma_wait3A_829 : memref<80x128xf32, #tpu.memory_space<vmem>>) dst(%dma_wait3A_833 : memref<10112x128xf32, #tpu.memory_space<vmem_shared>>)
    %div3A_836 = arith.constant 123 : i32
    %div3A_837 = arith.constant 25 : i32
    %div3A_838 = arith.divsi %div3A_836, %div3A_837 : i32
    %rem3A_839 = arith.constant 2 : i32
    %rem3A_840 = arith.remsi %div3A_838, %rem3A_839 : i32
    %mul3A_841 = arith.constant 2000 : i32
    %mul3A_842 = arith.muli %rem3A_840, %mul3A_841 : i32
    %mul3A_843 = arith.constant 25 : i32
    %mul3A_844 = arith.muli %div3A_838, %mul3A_843 : i32
    %sub3A_845 = arith.constant 123 : i32
    %sub3A_846 = arith.subi %sub3A_845, %mul3A_844 : i32
    %mul3A_847 = arith.constant 80 : i32
    %mul3A_848 = arith.muli %sub3A_846, %mul3A_847 : i32
    %add3A_849 = arith.addi %mul3A_842, %mul3A_848 : i32
    %dma_wait3A_850 = arith.constant 3 : i32
    %dma_wait3A_851 = arith.constant 240 : i32
    %dma_wait3A_852 = arith.constant 0 : i32
    %dma_wait3A_853 = tpu.memref_slice %arg10[%dma_wait3A_851, %dma_wait3A_852] : memref<320x128xf32, #tpu.memory_space<vmem>> -> memref<80x128xf32, #tpu.memory_space<vmem>>
    %dma_wait3A_854 = tpu.memref_slice %arg9[%add3A_849] : memref<4000xi32, #tpu.memory_space<vmem>> -> memref<80xi32, #tpu.memory_space<vmem>>
    %dma_wait3A_855 = arith.constant 0 : i32
    %dma_wait3A_856 = arith.constant 0 : i32
    %dma_wait3A_857 = tpu.memref_slice %arg15[%dma_wait3A_855, %dma_wait3A_856] : memref<10112x128xf32, #tpu.memory_space<vmem_shared>> -> memref<10112x128xf32, #tpu.memory_space<vmem_shared>>
    %dma_wait3A_858 = tpu.memref_slice %arg12[%dma_wait3A_850] : memref<4x!tpu.dma_semaphore, #tpu.memory_space<semaphore_mem>> -> memref<1x!tpu.dma_semaphore, #tpu.memory_space<semaphore_mem>>
    %dma_wait3A_859 = tpu.memref_squeeze %dma_wait3A_858 : memref<1x!tpu.dma_semaphore, #tpu.memory_space<semaphore_mem>> -> memref<!tpu.dma_semaphore, #tpu.memory_space<semaphore_mem>>
    tpu.wait_indirect_dma semaphore(%dma_wait3A_859 : memref<!tpu.dma_semaphore, #tpu.memory_space<semaphore_mem>>) src(%dma_wait3A_853 : memref<80x128xf32, #tpu.memory_space<vmem>>) dst(%dma_wait3A_857 : memref<10112x128xf32, #tpu.memory_space<vmem_shared>>)
    %div3A_860 = arith.constant 124 : i32
    %div3A_861 = arith.constant 25 : i32
    %div3A_862 = arith.divsi %div3A_860, %div3A_861 : i32
    %rem3A_863 = arith.constant 2 : i32
    %rem3A_864 = arith.remsi %div3A_862, %rem3A_863 : i32
    %mul3A_865 = arith.constant 2000 : i32
    %mul3A_866 = arith.muli %rem3A_864, %mul3A_865 : i32
    %mul3A_867 = arith.constant 25 : i32
    %mul3A_868 = arith.muli %div3A_862, %mul3A_867 : i32
    %sub3A_869 = arith.constant 124 : i32
    %sub3A_870 = arith.subi %sub3A_869, %mul3A_868 : i32
    %mul3A_871 = arith.constant 80 : i32
    %mul3A_872 = arith.muli %sub3A_870, %mul3A_871 : i32
    %add3A_873 = arith.addi %mul3A_866, %mul3A_872 : i32
    %dma_wait3A_874 = arith.constant 0 : i32
    %dma_wait3A_875 = arith.constant 0 : i32
    %dma_wait3A_876 = arith.constant 0 : i32
    %dma_wait3A_877 = tpu.memref_slice %arg10[%dma_wait3A_875, %dma_wait3A_876] : memref<320x128xf32, #tpu.memory_space<vmem>> -> memref<80x128xf32, #tpu.memory_space<vmem>>
    %dma_wait3A_878 = tpu.memref_slice %arg9[%add3A_873] : memref<4000xi32, #tpu.memory_space<vmem>> -> memref<80xi32, #tpu.memory_space<vmem>>
    %dma_wait3A_879 = arith.constant 0 : i32
    %dma_wait3A_880 = arith.constant 0 : i32
    %dma_wait3A_881 = tpu.memref_slice %arg15[%dma_wait3A_879, %dma_wait3A_880] : memref<10112x128xf32, #tpu.memory_space<vmem_shared>> -> memref<10112x128xf32, #tpu.memory_space<vmem_shared>>
    %dma_wait3A_882 = tpu.memref_slice %arg12[%dma_wait3A_874] : memref<4x!tpu.dma_semaphore, #tpu.memory_space<semaphore_mem>> -> memref<1x!tpu.dma_semaphore, #tpu.memory_space<semaphore_mem>>
    %dma_wait3A_883 = tpu.memref_squeeze %dma_wait3A_882 : memref<1x!tpu.dma_semaphore, #tpu.memory_space<semaphore_mem>> -> memref<!tpu.dma_semaphore, #tpu.memory_space<semaphore_mem>>
    tpu.wait_indirect_dma semaphore(%dma_wait3A_883 : memref<!tpu.dma_semaphore, #tpu.memory_space<semaphore_mem>>) src(%dma_wait3A_877 : memref<80x128xf32, #tpu.memory_space<vmem>>) dst(%dma_wait3A_881 : memref<10112x128xf32, #tpu.memory_space<vmem_shared>>)
    %barrier3A_884 = arith.constant 0 : index
    tpu.barrier barrier_id(%barrier3A_884)
    %run_scoped3A_885 = arith.constant 2 : i32
    "tpu.region"() ({
      %run_scoped3A_886 = tpu.sem_alloc : memref<!tpu.dma_semaphore, #tpu.memory_space<semaphore_mem>>
      %dma_start3A_887 = arith.constant 0 : i32
      %dma_start3A_888 = tpu.memref_slice %arg7[%run_scoped3A_885, %arg0, %mul3A_4, %dma_start3A_887] : memref<3x2x10112x128xf32, #tpu.memory_space<hbm>> -> memref<1x1x632x128xf32, #tpu.memory_space<hbm>>
      %dma_start3A_889 = tpu.memref_squeeze %dma_start3A_888 : memref<1x1x632x128xf32, #tpu.memory_space<hbm>> -> memref<632x128xf32, #tpu.memory_space<hbm>>
      %dma_start3A_890 = arith.constant 0 : i32
      %dma_start3A_891 = tpu.memref_slice %arg15[%mul3A_4, %dma_start3A_890] : memref<10112x128xf32, #tpu.memory_space<vmem_shared>> -> memref<632x128xf32, #tpu.memory_space<vmem_shared>>
      tpu.enqueue_dma source(%dma_start3A_891 : memref<632x128xf32, #tpu.memory_space<vmem_shared>>) target(%dma_start3A_889 : memref<632x128xf32, #tpu.memory_space<hbm>>) target_semaphore(%run_scoped3A_886 : memref<!tpu.dma_semaphore, #tpu.memory_space<semaphore_mem>>)
      %dma_wait3A_892 = arith.constant 0 : i32
      %dma_wait3A_893 = tpu.memref_slice %arg7[%run_scoped3A_885, %arg0, %mul3A_4, %dma_wait3A_892] : memref<3x2x10112x128xf32, #tpu.memory_space<hbm>> -> memref<1x1x632x128xf32, #tpu.memory_space<hbm>>
      %dma_wait3A_894 = tpu.memref_squeeze %dma_wait3A_893 : memref<1x1x632x128xf32, #tpu.memory_space<hbm>> -> memref<632x128xf32, #tpu.memory_space<hbm>>
      %dma_wait3A_895 = arith.constant 0 : i32
      %dma_wait3A_896 = tpu.memref_slice %arg15[%mul3A_4, %dma_wait3A_895] : memref<10112x128xf32, #tpu.memory_space<vmem_shared>> -> memref<632x128xf32, #tpu.memory_space<vmem_shared>>
      tpu.wait_dma2 semaphore(%run_scoped3A_886 : memref<!tpu.dma_semaphore, #tpu.memory_space<semaphore_mem>>) src(%dma_wait3A_896 : memref<632x128xf32, #tpu.memory_space<vmem_shared>>) dst(%dma_wait3A_894 : memref<632x128xf32, #tpu.memory_space<hbm>>)
      tpu.yield
    }) : () -> ()
    return
  }
}

module attributes {stable_mosaic.version = 14 : i64} {
  func.func @body(%arg0: i32, %arg1: memref<2000x128xf32, #tpu.memory_space<vmem>>, %arg2: memref<2000x128xf32, #tpu.memory_space<vmem>>, %arg3: memref<128x128xf32, #tpu.memory_space<vmem>>, %arg4: memref<128x128xf32, #tpu.memory_space<vmem>>, %arg5: memref<1x128xf32, #tpu.memory_space<vmem>>, %arg6: memref<1x128xf32, #tpu.memory_space<vmem>>, %arg7: memref<2000x128xf32, #tpu.memory_space<vmem>>, %arg8: memref<2000x128xf32, #tpu.memory_space<vmem>>) attributes {dimension_semantics = [#tpu.dimension_semantics<arbitrary>], iteration_bounds = array<i64: 5>, scalar_prefetch = 0 : i64, scratch_operands = 0 : i64, tpu.core_type = #tpu.core_type<tc>, window_params = [{transform_indices = @transform_0, window_bounds = array<i64: 2000, 128>}, {transform_indices = @transform_1, window_bounds = array<i64: 2000, 128>}, {pipeline_mode = #tpu.pipeline_mode<synchronous>, transform_indices = @transform_2, window_bounds = array<i64: 128, 128>}, {pipeline_mode = #tpu.pipeline_mode<synchronous>, transform_indices = @transform_3, window_bounds = array<i64: 128, 128>}, {pipeline_mode = #tpu.pipeline_mode<synchronous>, transform_indices = @transform_4, window_bounds = array<i64: 1, 128>}, {pipeline_mode = #tpu.pipeline_mode<synchronous>, transform_indices = @transform_5, window_bounds = array<i64: 1, 128>}, {transform_indices = @transform_6, window_bounds = array<i64: 2000, 128>}, {transform_indices = @transform_7, window_bounds = array<i64: 2000, 128>}]} {
    %get3A = arith.constant 0 : index
    %get3A_0 = arith.constant 0 : index
    %get3A_1 = vector.load %arg1[%get3A, %get3A_0] : memref<2000x128xf32, #tpu.memory_space<vmem>>, vector<2000x128xf32>
    %get3A_2 = arith.constant 0 : index
    %get3A_3 = arith.constant 0 : index
    %get3A_4 = vector.load %arg3[%get3A_2, %get3A_3] : memref<128x128xf32, #tpu.memory_space<vmem>>, vector<128x128xf32>
    %dot_general3A = arith.constant dense<0.000000e+00> : vector<2000x128xf32>
    %dot_general3A_5 = tpu.matmul %get3A_1, %get3A_4, %dot_general3A {dimension_numbers = #tpu.dot_dimension_numbers<[1], [0], [0], [1], [0, 0, 1, 1], [], []>, transpose_lhs_hint = false} : vector<2000x128xf32>, vector<128x128xf32>, vector<2000x128xf32> -> vector<2000x128xf32>
    %get3A_6 = arith.constant 0 : index
    %get3A_7 = arith.constant 0 : index
    %get3A_8 = vector.load %arg5[%get3A_6, %get3A_7] : memref<1x128xf32, #tpu.memory_space<vmem>>, vector<1x128xf32>
    %mul3A = arith.constant 3.000000e+00 : f32
    %mul3A_9 = vector.broadcast %mul3A : f32 to vector<1x128xf32>
    %mul3A_10 = arith.mulf %mul3A_9, %get3A_8 : vector<1x128xf32>
    %add3A = vector.broadcast %mul3A_10 : vector<1x128xf32> to vector<2000x128xf32>
    %add3A_11 = arith.addf %dot_general3A_5, %add3A : vector<2000x128xf32>
    %get3A_12 = arith.constant 0 : index
    %get3A_13 = arith.constant 0 : index
    %get3A_14 = vector.load %arg6[%get3A_12, %get3A_13] : memref<1x128xf32, #tpu.memory_space<vmem>>, vector<1x128xf32>
    %add3A_15 = vector.broadcast %get3A_14 : vector<1x128xf32> to vector<2000x128xf32>
    %add3A_16 = arith.addf %add3A_11, %add3A_15 : vector<2000x128xf32>
    %swap3A = arith.constant 0 : index
    %swap3A_17 = arith.constant 0 : index
    %swap3A_18 = vector.load %arg7[%swap3A, %swap3A_17] : memref<2000x128xf32, #tpu.memory_space<vmem>>, vector<2000x128xf32>
    tpu.vector_store %arg7[%swap3A, %swap3A_17], %add3A_16 {strides = array<i32>} : memref<2000x128xf32, #tpu.memory_space<vmem>>, vector<2000x128xf32>,
    %get3A_19 = arith.constant 0 : index
    %get3A_20 = arith.constant 0 : index
    %get3A_21 = vector.load %arg2[%get3A_19, %get3A_20] : memref<2000x128xf32, #tpu.memory_space<vmem>>, vector<2000x128xf32>
    %get3A_22 = arith.constant 0 : index
    %get3A_23 = arith.constant 0 : index
    %get3A_24 = vector.load %arg4[%get3A_22, %get3A_23] : memref<128x128xf32, #tpu.memory_space<vmem>>, vector<128x128xf32>
    %dot_general3A_25 = arith.constant dense<0.000000e+00> : vector<2000x128xf32>
    %dot_general3A_26 = tpu.matmul %get3A_21, %get3A_24, %dot_general3A_25 {dimension_numbers = #tpu.dot_dimension_numbers<[1], [0], [0], [1], [0, 0, 1, 1], [], []>, transpose_lhs_hint = false} : vector<2000x128xf32>, vector<128x128xf32>, vector<2000x128xf32> -> vector<2000x128xf32>
    %get3A_27 = arith.constant 0 : index
    %get3A_28 = arith.constant 0 : index
    %get3A_29 = vector.load %arg5[%get3A_27, %get3A_28] : memref<1x128xf32, #tpu.memory_space<vmem>>, vector<1x128xf32>
    %add3A_30 = vector.broadcast %get3A_29 : vector<1x128xf32> to vector<2000x128xf32>
    %add3A_31 = arith.addf %dot_general3A_26, %add3A_30 : vector<2000x128xf32>
    %get3A_32 = arith.constant 0 : index
    %get3A_33 = arith.constant 0 : index
    %get3A_34 = vector.load %arg6[%get3A_32, %get3A_33] : memref<1x128xf32, #tpu.memory_space<vmem>>, vector<1x128xf32>
    %add3A_35 = vector.broadcast %get3A_34 : vector<1x128xf32> to vector<2000x128xf32>
    %add3A_36 = arith.addf %add3A_31, %add3A_35 : vector<2000x128xf32>
    %swap3A_37 = arith.constant 0 : index
    %swap3A_38 = arith.constant 0 : index
    %swap3A_39 = vector.load %arg8[%swap3A_37, %swap3A_38] : memref<2000x128xf32, #tpu.memory_space<vmem>>, vector<2000x128xf32>
    tpu.vector_store %arg8[%swap3A_37, %swap3A_38], %add3A_36 {strides = array<i32>} : memref<2000x128xf32, #tpu.memory_space<vmem>>, vector<2000x128xf32>,
    return
  }
  func.func @transform_0(%arg0: i32) -> (i32, i32) {
    %c0_i32 = arith.constant 0 : i32
    %c0_i32_0 = arith.constant 0 : i32
    return %arg0, %c0_i32 : i32, i32
  }
  func.func @transform_1(%arg0: i32) -> (i32, i32) {
    %c0_i32 = arith.constant 0 : i32
    %c0_i32_0 = arith.constant 0 : i32
    return %arg0, %c0_i32 : i32, i32
  }
  func.func @transform_2(%arg0: i32) -> (i32, i32) {
    %c0_i32 = arith.constant 0 : i32
    %c0_i32_0 = arith.constant 0 : i32
    %c0_i32_1 = arith.constant 0 : i32
    return %c0_i32, %c0_i32_0 : i32, i32
  }
  func.func @transform_3(%arg0: i32) -> (i32, i32) {
    %c0_i32 = arith.constant 0 : i32
    %c0_i32_0 = arith.constant 0 : i32
    %c0_i32_1 = arith.constant 0 : i32
    return %c0_i32, %c0_i32_0 : i32, i32
  }
  func.func @transform_4(%arg0: i32) -> (i32, i32) {
    %c0_i32 = arith.constant 0 : i32
    %c0_i32_0 = arith.constant 0 : i32
    %c0_i32_1 = arith.constant 0 : i32
    return %c0_i32, %c0_i32_0 : i32, i32
  }
  func.func @transform_5(%arg0: i32) -> (i32, i32) {
    %c0_i32 = arith.constant 0 : i32
    %c0_i32_0 = arith.constant 0 : i32
    %c0_i32_1 = arith.constant 0 : i32
    return %c0_i32, %c0_i32_0 : i32, i32
  }
  func.func @transform_6(%arg0: i32) -> (i32, i32) {
    %c0_i32 = arith.constant 0 : i32
    %c0_i32_0 = arith.constant 0 : i32
    return %arg0, %c0_i32 : i32, i32
  }
  func.func @transform_7(%arg0: i32) -> (i32, i32) {
    %c0_i32 = arith.constant 0 : i32
    %c0_i32_0 = arith.constant 0 : i32
    return %arg0, %c0_i32 : i32, i32
  }
}

module attributes {stable_mosaic.version = 14 : i64} {
  func.func @body(%arg0: i32, %arg1: memref<2000x128xf32, #tpu.memory_space<vmem>>, %arg2: memref<2000x128xf32, #tpu.memory_space<vmem>>, %arg3: memref<3x2x2000x128xf32, #tpu.memory_space<vmem>>, %arg4: memref<128x128xf32, #tpu.memory_space<vmem>>, %arg5: memref<128x128xf32, #tpu.memory_space<vmem>>, %arg6: memref<2000x128xf32, #tpu.memory_space<vmem>>, %arg7: memref<2000x128xf32, #tpu.memory_space<vmem>>) attributes {dimension_semantics = [#tpu.dimension_semantics<arbitrary>], iteration_bounds = array<i64: 5>, scalar_prefetch = 0 : i64, scratch_operands = 0 : i64, tpu.core_type = #tpu.core_type<tc>, window_params = [{transform_indices = @transform_0, window_bounds = array<i64: 2000, 128>}, {transform_indices = @transform_1, window_bounds = array<i64: 2000, 128>}, {transform_indices = @transform_2, window_bounds = array<i64: 3, 2, 2000, 128>}, {pipeline_mode = #tpu.pipeline_mode<synchronous>, transform_indices = @transform_3, window_bounds = array<i64: 128, 128>}, {pipeline_mode = #tpu.pipeline_mode<synchronous>, transform_indices = @transform_4, window_bounds = array<i64: 128, 128>}, {transform_indices = @transform_5, window_bounds = array<i64: 2000, 128>}, {transform_indices = @transform_6, window_bounds = array<i64: 2000, 128>}]} {
    %get3A = arith.constant 0 : index
    %get3A_0 = arith.constant 0 : index
    %get3A_1 = arith.constant 0 : index
    %get3A_2 = arith.constant 0 : index
    %get3A_3 = vector.load %arg3[%get3A, %get3A_0, %get3A_1, %get3A_2] : memref<3x2x2000x128xf32, #tpu.memory_space<vmem>>, vector<3x2x2000x128xf32>
    %slice3A = vector.extract_strided_slice %get3A_3 {offsets = [0, 0, 0, 0], sizes = [1, 1, 2000, 128], strides = [1, 1, 1, 1]} : vector<3x2x2000x128xf32> to vector<1x1x2000x128xf32>
    %squeeze3A = vector.shape_cast %slice3A : vector<1x1x2000x128xf32> to vector<2000x128xf32>
    %slice3A_4 = vector.extract_strided_slice %get3A_3 {offsets = [0, 1, 0, 0], sizes = [1, 1, 2000, 128], strides = [1, 1, 1, 1]} : vector<3x2x2000x128xf32> to vector<1x1x2000x128xf32>
    %squeeze3A_5 = vector.shape_cast %slice3A_4 : vector<1x1x2000x128xf32> to vector<2000x128xf32>
    %add3A = arith.addf %squeeze3A, %squeeze3A_5 : vector<2000x128xf32>
    %slice3A_6 = vector.extract_strided_slice %get3A_3 {offsets = [1, 0, 0, 0], sizes = [1, 1, 2000, 128], strides = [1, 1, 1, 1]} : vector<3x2x2000x128xf32> to vector<1x1x2000x128xf32>
    %squeeze3A_7 = vector.shape_cast %slice3A_6 : vector<1x1x2000x128xf32> to vector<2000x128xf32>
    %slice3A_8 = vector.extract_strided_slice %get3A_3 {offsets = [1, 1, 0, 0], sizes = [1, 1, 2000, 128], strides = [1, 1, 1, 1]} : vector<3x2x2000x128xf32> to vector<1x1x2000x128xf32>
    %squeeze3A_9 = vector.shape_cast %slice3A_8 : vector<1x1x2000x128xf32> to vector<2000x128xf32>
    %add3A_10 = arith.addf %squeeze3A_7, %squeeze3A_9 : vector<2000x128xf32>
    %slice3A_11 = vector.extract_strided_slice %get3A_3 {offsets = [2, 0, 0, 0], sizes = [1, 1, 2000, 128], strides = [1, 1, 1, 1]} : vector<3x2x2000x128xf32> to vector<1x1x2000x128xf32>
    %squeeze3A_12 = vector.shape_cast %slice3A_11 : vector<1x1x2000x128xf32> to vector<2000x128xf32>
    %slice3A_13 = vector.extract_strided_slice %get3A_3 {offsets = [2, 1, 0, 0], sizes = [1, 1, 2000, 128], strides = [1, 1, 1, 1]} : vector<3x2x2000x128xf32> to vector<1x1x2000x128xf32>
    %squeeze3A_14 = vector.shape_cast %slice3A_13 : vector<1x1x2000x128xf32> to vector<2000x128xf32>
    %add3A_15 = arith.addf %squeeze3A_12, %squeeze3A_14 : vector<2000x128xf32>
    %sub3A = arith.subf %add3A_10, %add3A : vector<2000x128xf32>
    %sub3A_16 = arith.subf %add3A_15, %add3A_10 : vector<2000x128xf32>
    %get3A_17 = arith.constant 0 : index
    %get3A_18 = arith.constant 0 : index
    %get3A_19 = vector.load %arg4[%get3A_17, %get3A_18] : memref<128x128xf32, #tpu.memory_space<vmem>>, vector<128x128xf32>
    %get3A_20 = arith.constant 0 : index
    %get3A_21 = arith.constant 0 : index
    %get3A_22 = vector.load %arg5[%get3A_20, %get3A_21] : memref<128x128xf32, #tpu.memory_space<vmem>>, vector<128x128xf32>
    %get3A_23 = arith.constant 0 : index
    %get3A_24 = arith.constant 0 : index
    %get3A_25 = vector.load %arg1[%get3A_23, %get3A_24] : memref<2000x128xf32, #tpu.memory_space<vmem>>, vector<2000x128xf32>
    %dot_general3A = arith.constant dense<0.000000e+00> : vector<2000x128xf32>
    %dot_general3A_26 = tpu.matmul %add3A, %get3A_19, %dot_general3A {dimension_numbers = #tpu.dot_dimension_numbers<[1], [0], [0], [1], [0, 0, 1, 1], [], []>, transpose_lhs_hint = false} : vector<2000x128xf32>, vector<128x128xf32>, vector<2000x128xf32> -> vector<2000x128xf32>
    %add3A_27 = arith.addf %get3A_25, %dot_general3A_26 : vector<2000x128xf32>
    %dot_general3A_28 = arith.constant dense<0.000000e+00> : vector<2000x128xf32>
    %dot_general3A_29 = tpu.matmul %sub3A, %get3A_22, %dot_general3A_28 {dimension_numbers = #tpu.dot_dimension_numbers<[1], [0], [0], [1], [0, 0, 1, 1], [], []>, transpose_lhs_hint = false} : vector<2000x128xf32>, vector<128x128xf32>, vector<2000x128xf32> -> vector<2000x128xf32>
    %add3A_30 = arith.addf %add3A_27, %dot_general3A_29 : vector<2000x128xf32>
    %swap3A = arith.constant 0 : index
    %swap3A_31 = arith.constant 0 : index
    %swap3A_32 = vector.load %arg6[%swap3A, %swap3A_31] : memref<2000x128xf32, #tpu.memory_space<vmem>>, vector<2000x128xf32>
    tpu.vector_store %arg6[%swap3A, %swap3A_31], %add3A_30 {strides = array<i32>} : memref<2000x128xf32, #tpu.memory_space<vmem>>, vector<2000x128xf32>,
    %get3A_33 = arith.constant 0 : index
    %get3A_34 = arith.constant 0 : index
    %get3A_35 = vector.load %arg2[%get3A_33, %get3A_34] : memref<2000x128xf32, #tpu.memory_space<vmem>>, vector<2000x128xf32>
    %dot_general3A_36 = arith.constant dense<0.000000e+00> : vector<2000x128xf32>
    %dot_general3A_37 = tpu.matmul %sub3A_16, %get3A_19, %dot_general3A_36 {dimension_numbers = #tpu.dot_dimension_numbers<[1], [0], [0], [1], [0, 0, 1, 1], [], []>, transpose_lhs_hint = false} : vector<2000x128xf32>, vector<128x128xf32>, vector<2000x128xf32> -> vector<2000x128xf32>
    %add3A_38 = arith.addf %get3A_35, %dot_general3A_37 : vector<2000x128xf32>
    %swap3A_39 = arith.constant 0 : index
    %swap3A_40 = arith.constant 0 : index
    %swap3A_41 = vector.load %arg7[%swap3A_39, %swap3A_40] : memref<2000x128xf32, #tpu.memory_space<vmem>>, vector<2000x128xf32>
    tpu.vector_store %arg7[%swap3A_39, %swap3A_40], %add3A_38 {strides = array<i32>} : memref<2000x128xf32, #tpu.memory_space<vmem>>, vector<2000x128xf32>,
    return
  }
  func.func @transform_0(%arg0: i32) -> (i32, i32) {
    %c0_i32 = arith.constant 0 : i32
    %c0_i32_0 = arith.constant 0 : i32
    return %arg0, %c0_i32 : i32, i32
  }
  func.func @transform_1(%arg0: i32) -> (i32, i32) {
    %c0_i32 = arith.constant 0 : i32
    %c0_i32_0 = arith.constant 0 : i32
    return %arg0, %c0_i32 : i32, i32
  }
  func.func @transform_2(%arg0: i32) -> (i32, i32, i32, i32) {
    %c0_i32 = arith.constant 0 : i32
    %c0_i32_0 = arith.constant 0 : i32
    %c0_i32_1 = arith.constant 0 : i32
    %c0_i32_2 = arith.constant 0 : i32
    return %c0_i32, %c0_i32_0, %arg0, %c0_i32_1 : i32, i32, i32, i32
  }
  func.func @transform_3(%arg0: i32) -> (i32, i32) {
    %c0_i32 = arith.constant 0 : i32
    %c0_i32_0 = arith.constant 0 : i32
    %c0_i32_1 = arith.constant 0 : i32
    return %c0_i32, %c0_i32_0 : i32, i32
  }
  func.func @transform_4(%arg0: i32) -> (i32, i32) {
    %c0_i32 = arith.constant 0 : i32
    %c0_i32_0 = arith.constant 0 : i32
    %c0_i32_1 = arith.constant 0 : i32
    return %c0_i32, %c0_i32_0 : i32, i32
  }
  func.func @transform_5(%arg0: i32) -> (i32, i32) {
    %c0_i32 = arith.constant 0 : i32
    %c0_i32_0 = arith.constant 0 : i32
    return %arg0, %c0_i32 : i32, i32
  }
  func.func @transform_6(%arg0: i32) -> (i32, i32) {
    %c0_i32 = arith.constant 0 : i32
    %c0_i32_0 = arith.constant 0 : i32
    return %arg0, %c0_i32 : i32, i32
  }
}

</mosaic_0001>

<sc_bundles>
// kernel: kernel.5.cloned.1.call-start
scs
__scs_entry_jumppad:
0x0: {  	(pc) =	sbr.rel $0x88, $3  }
0x1: {  	(tag) =	ssettag $0x0;
	lr =	simm.s32 $0x1  }
0x2: {  	[smem:$0x3F99] =	sst lr;
	_ =	strace $0xD0000000  }
0x3: {  	_ = 	snop  }
0x4: {  	_ = 	snop  }
0x5: {  	_ = 	snop  }
0x6: {  	_ = 	snop  }
0x7: {  	_ = 	snop  }
__scs_overlays_trampoline_lowered:
0x8: {  	[smem:$0x3FA8] =	sst s0  }
0x9: {  	[smem:$0x3FA9] =	sst s1  }
0xa: {  	[smem:$0x3FAA] =	sst s2  }
0xb: {  	[smem:$0x3FAB] =	sst s3  }
0xc: {  	[smem:$0x3FAC] =	sst s4  }
0xd: {  	[smem:$0x3FAD] =	sst s5  }
0xe: {  	[smem:$0x3FAE] =	sst s6  }
0xf: {  	[smem:$0x3FAF] =	sst s7  }
0x10: {  	[smem:$0x3FB0] =	sst s8  }
0x11: {  	[smem:$0x3FB1] =	sst s9;
	s0 =	simm.s32 @!p0 $0x0  }
0x12: {  	s1 =	sld [smem:$0x3F97];
	s0 =	simm.s32 @p0 $0x1  }
0x13: {  	[smem:$0x3FB2] =	sst s0;
	s0 =	simm.s32 @!p1 $0x0  }
0x14: {  	s2 =	sld [smem:$0x3F96];
	s0 =	simm.s32 @p1 $0x1  }
0x15: {  	[smem:$0x3FB3] =	sst s0;
	s0 =	simm.s32 @!p2 $0x0  }
0x16: {  	s3 =	sld [smem:$0x3FDB];
	s0 =	simm.s32 @p2 $0x1  }
0x17: {  	s4 =	simm.s32 $0x1BF5;
	[smem:$0x3FB5] =	sst s0  }
0x18: {  	s0 =	sld [smem:$0x3F98];
	_ =	swait.ge [sflag:s4], $0x0  }
0x19: {  	s7 =	sld [smem:$0x3F99]  }
0x1a: {  	s8 =	sadd.s32 $0xFFFFE003, lr  }
0x1b: {  	s9 =	sadd.s32 $0xFFFFFEF7, lr;
	s5 =	simm.s32 $0xFFFFFFFF;
	p2 =	slt.u32 s8, $0xFFFFF086  }
0x1c: {  	p1 =	slt.u32 s9, $0xF7A;
	s5 =	simm.s32 @!p2 $0x0  }
0x1d: {  	s5 =	simm.s32 @p1 $0x1;
	p0 =	seq.s32 s7, s2  }
0x1e: {  	s7 =	smul.u32 @!p0 $0xF7A, s2;
	p2 =	seq.s32 @!p0 s5, $0x0  }
0x1f: {  	s9 =	smul.u32 $0xF7A, s1;
	s8 =	simm.s32 @!p0 $0x1BF5;
	p2 =	por !p2, p0  }
0x20: {  	[sflag:s8] =	ssyncset.s32 @!p0 $0xFFFFF086;
	s6 =	sadd.s32 @!p0 s3, s7;
	s7 =	simm.s32 @!p0 $0x108  }
0x21: {  	s3 =	sadd.s32 s3, s9;
	s6 =	sadd.s32 @!p0 $0x88, s6;
	s7 =	simm.s32 @p2 $0x1082  }
0x22: {  	[simem:s7], [sflag:s8] =	dma.local @!p0 [hbm:s6], $0xF7A  }
0x23: {  	s9 =	sor.u32 $0xD0000000, s2;
	s6 =	simm.s32 $0x108;
	_ =	swait.ge @!p0 [sflag:s8], $0x0  }
0x24: {  	s3 =	sadd.s32 $0x88, s3;
	s6 =	simm.s32 @!p1 $0x1082;
	[sflag:s4] =	ssyncset.s32 $0xFFFFF086  }
0x25: {  	[simem:s6], [sflag:s4] =	dma.local [hbm:s3], $0xF7A  }
0x26: {  	[smem:$0x3F99] =	sst s1;
	(tag) =	ssettag s2;
	_ =	strace s9  }
0x27: {  	s1 =	sld [smem:$0x3FA9]  }
0x28: {  	s2 =	sld [smem:$0x3FAA]  }
0x29: {  	s4 =	sld [smem:$0x3FAC]  }
0x2a: {  	p0 =	seq.s32 s5, $0x0;
	s5 =	sld [smem:$0x3FAD]  }
0x2b: {  	s6 =	sld [smem:$0x3FAE]  }
0x2c: {  	s7 =	sld [smem:$0x3FAF]  }
0x2d: {  	s3 =	simm.s32 $0x108;
	s8 =	sld [smem:$0x3FB0]  }
0x2e: {  	s3 =	simm.s32 @!p0 $0x1082;
	s9 =	sld [smem:$0x3FB1]  }
0x2f: {  	lr =	sadd.s32 s0, s3;
	s0 =	sld [smem:$0x3FA8]  }
0x30: {  	s3 =	sld [smem:$0x3FAB]  }
0x31: {  	[smem:$0x3FB4] =	sst s10  }
0x32: {  	s10 =	sld [smem:$0x3FB2];
	_ =	sdelay $0x3  }
0x33: {  	p0 =	seq.s32 s10, $0x1;
	s10 =	sld [smem:$0x3FB4];
	_ =	sdelay $0x3  }
0x34: {  	[smem:$0x3FB4] =	sst s10  }
0x35: {  	s10 =	sld [smem:$0x3FB3];
	_ =	sdelay $0x3  }
0x36: {  	p1 =	seq.s32 s10, $0x1;
	s10 =	sld [smem:$0x3FB4];
	_ =	sdelay $0x3  }
0x37: {  	[smem:$0x3FB4] =	sst s10  }
0x38: {  	s10 =	sld [smem:$0x3FB5]  }
0x39: {  	_ = 	snop;
	(pc) =	sbr.ind lr, $3  }
0x3a: {  	_ = 	snop  }
0x3b: {  	_ = 	snop  }
0x3c: {  	p2 =	seq.s32 s10, $0x1;
	s10 =	sld [smem:$0x3FB4]  }
0x3d: {  	_ =	shalt  }
0x3e: {  	_ =	shalt  }
0x3f: {  	_ =	shalt  }
0x40: {  	_ =	shalt  }
0x41: {  	_ =	shalt  }
0x42: {  	_ =	shalt  }
0x43: {  	_ =	shalt  }
0x44: {  	_ =	shalt  }
0x45: {  	_ =	shalt  }
0x46: {  	_ =	shalt  }
0x47: {  	_ =	shalt  }
0x48: {  	_ =	shalt  }
0x49: {  	_ =	shalt  }
0x4a: {  	_ =	shalt  }
0x4b: {  	_ =	shalt  }
0x4c: {  	_ =	shalt  }
0x4d: {  	_ =	shalt  }
0x4e: {  	_ =	shalt  }
0x4f: {  	_ =	shalt  }
0x50: {  	_ =	shalt  }
0x51: {  	_ =	shalt  }
0x52: {  	_ =	shalt  }
0x53: {  	_ =	shalt  }
0x54: {  	_ =	shalt  }
0x55: {  	_ =	shalt  }
0x56: {  	_ =	shalt  }
0x57: {  	_ =	shalt  }
0x58: {  	_ =	shalt  }
0x59: {  	_ =	shalt  }
0x5a: {  	_ =	shalt  }
0x5b: {  	_ =	shalt  }
0x5c: {  	_ =	shalt  }
0x5d: {  	_ =	shalt  }
0x5e: {  	_ =	shalt  }
0x5f: {  	_ =	shalt  }
0x60: {  	_ =	shalt  }
0x61: {  	_ =	shalt  }
0x62: {  	_ =	shalt  }
0x63: {  	_ =	shalt  }
0x64: {  	_ =	shalt  }
0x65: {  	_ =	shalt  }
0x66: {  	_ =	shalt  }
0x67: {  	_ =	shalt  }
0x68: {  	_ =	shalt  }
0x69: {  	_ =	shalt  }
0x6a: {  	_ =	shalt  }
0x6b: {  	_ =	shalt  }
0x6c: {  	_ =	shalt  }
0x6d: {  	_ =	shalt  }
0x6e: {  	_ =	shalt  }
0x6f: {  	_ =	shalt  }
0x70: {  	_ =	shalt  }
0x71: {  	_ =	shalt  }
0x72: {  	_ =	shalt  }
0x73: {  	_ =	shalt  }
0x74: {  	_ =	shalt  }
0x75: {  	_ =	shalt  }
0x76: {  	_ =	shalt  }
0x77: {  	_ =	shalt  }
0x78: {  	_ =	shalt  }
0x79: {  	_ =	shalt  }
0x7a: {  	_ =	shalt  }
0x7b: {  	_ =	shalt  }
0x7c: {  	_ =	shalt  }
0x7d: {  	_ =	shalt  }
0x7e: {  	_ =	shalt  }
0x7f: {  	_ =	shalt  }
0x80: {  	_ =	shalt  }
0x81: {  	_ =	shalt  }
0x82: {  	_ =	shalt  }
0x83: {  	_ =	shalt  }
0x84: {  	_ =	shalt  }
0x85: {  	_ =	shalt  }
0x86: {  	_ =	shalt  }
0x87: {  	_ =	shalt  }
.Lfunc_end0:
.L_simem_size_0:
called_computation_lowered:
.L_overlay_start_0:
0x88: {  	s2 =	sld [smem:$0x3FD9]  }
0x89: {  	s3 =	sld [smem:$0x3FFE];
	_ =	sdelay $0x1  }
0x8a: {  	s1 =	srdreg.scid  }
0x8b: {  	s0 =	sand.u32 $0x1, s1  }
0x8c: {  	s14 =	sshll.u32 s0, $0xA;
	s2 =	sadd.s32 s3, s2  }
0x8d: {  	s2 =	sadd.s32 s2, s14  }
0x8e: {  	[smem:$0x3FC0] =	sst s2  }
0x8f: {  	_ = 	snop  }
0x90: {  	s2 =	sld [smem:$0x3FD0];
	_ =	sdelay $0x1  }
0x91: {  	s15 =	sld [smem:$0x3FC9]  }
0x92: {  	s5 =	simm.s32 $0xA;
	s6 =	simm.s32 $0x10;
	s4 =	sld [smem:$0x3FC8]  }
0x93: {  	[smem:s6], [sflag:s5] =	dma.local [hbm:s2], $0x1  }
0x94: {  	_ =	swait.eq [sflag:s5], $0x1  }
0x95: {  	[sflag:s5] =	ssyncset.done $0x0  }
0x96: {  	s16 =	sld [smem:$0x10];
	[sflag:s5] =	ssyncadd.s32 $0xFFFFFFFF  }
0x97: {  	s17 =	sld [smem:$0x11];
	(tm) =	ssettm $0x1  }
0x98: {  	s18 =	sld [smem:$0x3FFB];
	_ =	sdelay $0x3  }
0x99: {  	_ =	strace s18  }
0x9a: {  	s6 =	sld [smem:$0x3FFC];
	_ =	sdelay $0x3  }
0x9b: {  	_ =	strace s6  }
0x9c: {  	s6 =	sld [smem:$0x3FFD];
	_ =	sdelay $0x3  }
0x9d: {  	_ =	strace s6  }
0x9e: {  	_ =	strace $0x8FFFFFFF  }
0x9f: {  	s19 =	sld [smem:$0x3FDB];
	_ =	sdelay $0x1  }
0xa0: {  	s7 =	simm.s32 $_scs_section_size  }
0xa1: {  	s8 =	simm.s32 $_size__tile_overlayer_lowered;
	s9 =	simm.s32 $_tile_overlayer_lowered  }
0xa2: {  	s22 =	simm.s32 $0x1BFF;
	s21 =	sshll.u32 s9, $0x1;
	s6 =	sadd.s32 s7, s19  }
0xa3: {  	s10 =	simm.s32 $0x0;
	s20 =	sshll.u32 s8, $0x1;
	s8 =	sadd.s32 s21, s6  }
0xa4: {  	[timem:s10], [sflag:s22] =	dma.local [hbm:s8], s20  }
0xa5: {  	_ =	swait.ge [sflag:s22], s20  }
0xa6: {  	s7 =	ssub.s32 $0x0, s20;
	[sflag:s22] =	ssyncset.done $0x0  }
0xa7: {  	[sflag:s22] =	ssyncadd.s32 s7;
	_ =	sdelay $0x1  }
0xa8: {  	s23 =	simm.s32 $0x1B8B  }
0xa9: {  	_ =	swait.ge [sflag:s23], $0x1  }
0xaa: {  	[sflag:s23] =	ssyncset.done $0x0  }
0xab: {  	s25 =	simm.s32 $0x1B8E;
	s24 =	sld [smem:$0x3FFE];
	[sflag:s23] =	ssyncadd.s32 $0xFFFFFFFF  }
0xac: {  	s26 =	simm.s32 $execute0_lowered;
	[smem:$0x3FD2] =	sst s25  }
0xad: {  	s8 =	sshll.u32 s26, $0x1;
	_ =	strace $0x80000046;
	[dreg:$0x1] =	wrdreg $0xFFFFFFFF  }
0xae: {  	s28 =	simm.s32 $_size_execute0_lowered;
	s6 =	sadd.s32 s6, s8;
	[dreg:$0x0] =	wrdreg $0x0  }
0xaf: {  	s8 =	sshll.u32 s28, $0x1;
	[dreg:$0x2] =	wrdreg s6  }
0xb0: {  	[dreg:$0x3] =	wrdreg s8  }
0xb1: {  	[dreg:$0x4] =	wrdreg $0xC0  }
0xb2: {  	_ =	task [dreg:s10], $0x5FFFF  }
0xb3: {  	[dreg:$0x1] =	wrdreg $0xFFFFFFFF  }
0xb4: {  	[dreg:$0x0] =	wrdreg $0x60  }
0xb5: {  	[dreg:$0x2] =	wrdreg s15  }
0xb6: {  	[dreg:$0x3] =	wrdreg s4  }
0xb7: {  	[dreg:$0x4] =	wrdreg s17  }
0xb8: {  	[dreg:$0x5] =	wrdreg s16  }
0xb9: {  	[dreg:$0x6] =	wrdreg s24  }
0xba: {  	[dreg:$0x7] =	wrdreg $0xC0000  }
0xbb: {  	[dreg:$0x8] =	wrdreg $0x9  }
0xbc: {  	_ =	task.clear_ibuf [dreg:s10], $0x9FFFF;
	_ =	strace $0x90000046  }
0xbd: {  	s29 =	simm.s32 $0x9;
	_ =	strace $0x80000048  }
0xbe: {  	_ =	swait.ge [sflag:s29], $0x1  }
0xbf: {  	[sflag:s29] =	ssyncadd.s32 $0xFFFFFFFF  }
0xc0: {  	_ =	strace $0x90000048  }
0xc1: {  	_ =	sfence  }
0xc2: {  	s30 =	sld [smem:$0x0];
	_ =	sdelay $0x2  }
0xc3: {  	s31 =	sshll.u32 s1, $0xD;
	s1 =	sshrl.u32 s1, $0x2  }
0xc4: {  	s3 =	sand.u32 $0x4000, s31;
	s1 =	sadd.s32 s1, s30  }
0xc5: {  	s0 =	sor.u32 s3, s0;
	s1 =	sshll.u32 s1, $0x11  }
0xc6: {  	s0 =	sor.u32 s1, s0  }
0xc7: {  	s0 =	sadd.s32 $0x8F2B, s0  }
0xc8: {  	[sflag:s0] =	ssyncadd.remote.s32 $0x1  }
0xc9: {  	_ =	sfence.sel $0xFFFF  }
0xca: {  	[dreg:$0x0] =	wrdreg $0xFFFFFFFF;
	(pc) =	sbr.abs _section_cstart, $3  }
0xcb: {  	[dreg:$0x1] =	wrdreg $0xFFFFFFFF  }
0xcc: {  	_ =	task.clear_ibuf [dreg:s10], $0x2FFFF;
	_ =	strace $0x9FFFFFFF  }
0xcd: {  	(tm) =	ssettm $0x7FFFFFFF  }
tec
execute0_lowered:
.L_overlay_start_1:
0x0: {  	(tag) =	ssettag $0x1  }
0x1: {  	s0 =	rddreg [dreg:$0x0]  }
0x2: {  	s2 =	rddreg [dreg:$0x1]  }
0x3: {  	s3 =	rddreg [dreg:$0x2]  }
0x4: {  	s4 =	rddreg [dreg:$0x3]  }
0x5: {  	s1 =	rddreg [dreg:$0x4]  }
0x6: {  	s5 =	rddreg [dreg:$0x5];
	s6 =	srdreg.scid  }
0x7: {  	s7 =	simm.s32 $0x0;
	s12 =	stileid.u32;
	s28 =	simm.s32 $0xA  }
0x8: {  	s31 =	simm.s32 $0x50;
	s6 =	sand.u32 $0x1, s6;
	s9 =	smul.u32 $0x13C00, s12  }
0x9: {  	[smem:$0x7FF] =	sst s7;
	s10 =	sadd.s32 $0x2000, s1;
	s15 =	smul.u32 $0x4F000, s12  }
0xa: {  	s13 =	sshll.u32 s12, $0x1;
	s18 =	sshll.u32 s12, $0x6;
	s8 =	smul.u32 $0x13C000, s6  }
0xb: {  	_ =	strace $0x80000047;
	s14 =	sor.u32 s6, s13;
	s6 =	ssub.s32 $0x2, s6  }
0xc: {  	[dreg:$0x7] =	wrdreg s10;
	s12 =	sor.u32 $0x1C0B, s18;
	s16 =	sshrl.u32 s6, $0x1  }
0xd: {  	s10 =	sshrl.u32 s15, $0x2;
	s8 =	sadd.s32 s9, s8;
	s9 =	smul.u32 $0x2710, s14  }
0xe: {  	s6 =	ssub.s32 s6, s16;
	s17 =	sadd.s32 s10, s5;
	s8 =	sshrl.u32 s8, $0x3  }
0xf: {  	[dreg:$0x8] =	wrdreg s17;
	s30 =	smax.u32 s6, $0x1;
	s13 =	sshrl.u32 s9, $0x3  }
0x10: {  	s1 =	sadd.s32 s8, s1;
	[dreg:$0x14] =	wrdreg s30;
	s14 =	sadd.s32 s3, s13  }
0x11: {  	s6 =	simm.s32 $0x4800;
	s24 =	sadd.s32 $0x4800, s1;
	[dreg:$0xa] =	wrdreg s14  }
0x12: {  	s17 =	simm.s32 $0x6;
	s25 =	sadd.s32 s4, s13;
	[dreg:$0xd] =	wrdreg s24  }
0x13: {  	s11 =	sadd.s32 $0x4E200, s9;
	s29 =	sadd.s32 $0x53800, s1;
	[dreg:$0xf] =	wrdreg s25  }
0x14: {  	s19 =	sshrl.u32 s11, $0x3;
	s1 =	sadd.s32 $0xA2800, s1;
	[dreg:$0x12] =	wrdreg s29  }
0x15: {  	s21 =	sadd.s32 $0x9D3A, s13;
	s20 =	sadd.s32 s3, s19;
	[dreg:$0x13] =	wrdreg s1  }
0x16: {  	s23 =	sadd.s32 $0xFA, s13;
	s22 =	sadd.s32 s3, s21;
	[dreg:$0x9] =	wrdreg s20  }
0x17: {  	s13 =	simm.s32 $0x0;
	s15 =	sadd.s32 s3, s23;
	[dreg:$0xb] =	wrdreg s22  }
.Ltmp0:
0x18: {  	s10 =	sadd.s32 s4, s19;
	[dreg:$0xc] =	wrdreg s15;
	(pc) =	sbr.rel .LBB2_1-.Ltmp0, $4  }
0x19: {  	s8 =	sadd.s32 s4, s21;
	s26 =	sadd.s32 s4, s23;
	[dreg:$0xe] =	wrdreg s10  }
0x1a: {  	s25 =	simm.s32 $0xB;
	s23 =	simm.s32 $0x8;
	[dreg:$0x10] =	wrdreg s8  }
0x1b: {  	s24 =	simm.s32 $0x5;
	[dreg:$0x11] =	wrdreg s26;
	s26 =	simm.s32 $0x9  }
0x1c: {  	s8 =	simm.s32 $0xA0;
	s10 =	simm.s32 $0x7000;
	s22 =	simm.s32 $0x7  }
.LBB2_17:
0x1d: {  	_ =	swait.ge [sflag:s17], $0x2800  }
0x1e: {  	[sflag:s17] =	ssyncset.done $0x0  }
0x1f: {  	[sflag:s17] =	ssyncadd.s32 $0xFFFFD800  }
0x20: {  	_ =	swait.ge [sflag:s22], $0x2800  }
0x21: {  	[sflag:s22] =	ssyncset.done $0x0  }
0x22: {  	[sflag:s22] =	ssyncadd.s32 $0xFFFFD800  }
0x23: {  	_ =	swait.ge [sflag:s23], $0x2800  }
0x24: {  	[sflag:s23] =	ssyncset.done $0x0  }
0x25: {  	[sflag:s23] =	ssyncadd.s32 $0xFFFFD800  }
0x26: {  	_ =	swait.ge [sflag:s24], $0x2800  }
0x27: {  	[sflag:s24] =	ssyncset.done $0x0  }
0x28: {  	[sflag:s24] =	ssyncadd.s32 $0xFFFFD800  }
0x29: {  	[bflag:$0x0] =	sbarrier.arrive $0xFFFF  }
0x2a: {  	s1 =	rddreg [dreg:$0x13]  }
0x2b: {  	[hbm:s1], [sflag:s12] =	dma.local [spmem:s14], $0x2780  }
0x2c: {  	_ =	swait.ge [sflag:s25], $0x2780  }
0x2d: {  	s13 =	sadd.s32 $0x1, s13;
	s30 =	rddreg [dreg:$0x14]  }
0x2e: {  	p0 =	sne.s32 s13, s30  }
.Ltmp1:
0x2f: {  	_ = 	snop;
	(pc) =	sbr.rel @!p0 .LBB2_18-.Ltmp1, $3  }
0x30: {  	_ =	sdelay $0x1  }
0x31: {  	[sflag:s25] =	ssyncset.done $0x0  }
0x32: {  	[sflag:s25] =	ssyncadd.s32 $0xFFFFD880  }
.LBB2_1:
0x33: {  	s1 =	rddreg [dreg:$0x8]  }
0x34: {  	s16 =	rddreg [dreg:$0x7];
	s14 =	sshrl.u32 s1, $0x3  }
0x35: {  	[spmem:s14], [sflag:s12] =	dma.local [hbm:s16], $0x2780  }
0x36: {  	_ =	swait.ge [sflag:s25], $0x2780  }
0x37: {  	[sflag:s25] =	ssyncset.done $0x0  }
0x38: {  	[sflag:s25] =	ssyncadd.s32 $0xFFFFD880  }
0x39: {  	[bflag:$0x0] =	sbarrier.arrive $0xFFFF  }
0x3a: {  	s18 =	rddreg [dreg:$0x9]  }
0x3b: {  	[tilespmem:s7], [sflag:$0x9] =	stream.linear.gather [hbm4b:s18+s7], $0x7D0, $0x38;
	[tilespmem:$0x1FC00] =	vst v63  }
0x3c: {  	s15 =	simm.s32 $0x1000;
	s19 =	rddreg [dreg:$0xa]  }
0x3d: {  	[tilespmem:s15], [sflag:$0xA] =	stream.linear.gather [hbm4b:s19+s7], $0x7D0, $0x38;
	[tilespmem:$0x1FC00] =	vst v63  }
0x3e: {  	_ =	swait.ge [sflag:s26], $0x7D0  }
0x3f: {  	[sflag:s26] =	ssyncset.done $0x0  }
0x40: {  	[sflag:s26] =	ssyncadd.s32 $0xFFFFF830  }
0x41: {  	_ =	swait.ge [sflag:s28], $0x7D0  }
0x42: {  	[sflag:s28] =	ssyncset.done $0x0  }
0x43: {  	s16 =	simm.s32 $0x7D0;
	s20 =	rddreg [dreg:$0xb];
	[sflag:s28] =	ssyncadd.s32 $0xFFFFF830  }
0x44: {  	[tilespmem:s16], [sflag:$0x9] =	stream.linear.gather [hbm4b:s20+s7], $0x7D0, $0x38;
	[tilespmem:$0x1FC00] =	vst v63  }
0x45: {  	s29 =	simm.s32 $0x17D0;
	s21 =	rddreg [dreg:$0xc]  }
0x46: {  	[tilespmem:s29], [sflag:$0xA] =	stream.linear.gather [hbm4b:s21+s7], $0x7D0, $0x38;
	[tilespmem:$0x1FC00] =	vst v63  }
0x47: {  	s30 =	simm.s32 $0x2000  }
0x48: {  	[tilespmem:s30], [sflag:$0x1] =	stream.indirect.gather [hbm4b:s0+s31], $0x80, s7, s31, $0xb8;
	[tilespmem:$0x1FC00] =	vst v63  }
.Ltmp2:
0x49: {  	_ = 	snop;
	(pc) =	sbr.rel .LBB2_2-.Ltmp2, $4  }
0x4a: {  	_ = 	snop  }
0x4b: {  	[tilespmem:s6], [sflag:$0x2] =	stream.indirect.gather [hbm4b:s0+s31], $0x80, s31, s31, $0xb8;
	[tilespmem:$0x1FC00] =	vst v63  }
0x4c: {  	s18 =	simm.s32 $0x0;
	s16 =	simm.s32 $0xF0  }
0x4d: {  	[tilespmem:s10], [sflag:$0x3] =	stream.indirect.gather [hbm4b:s0+s31], $0x80, s8, s31, $0xb8;
	[tilespmem:$0x1FC00] =	vst v63  }
.LBB2_4:
0x4e: {  	s21 =	smul.u32 $0x29, s18  }
0x4f: {  	s1 =	smulhi.u32 $0x51EB851F, s18  }
0x50: {  	s19 =	sand.u32 $0x3, s18;
	s18 =	sadd.s32 $0x1, s18;
	s21 =	sshrl.u32 s21, $0xA  }
0x51: {  	s20 =	sadd.s32 $0x1, s19;
	s30 =	smul.u32 $0xA000, s19;
	s21 =	sand.u32 $0x1, s21  }
0x52: {  	s1 =	sshrl.u32 s1, $0x3;
	p0 =	seq.s32 s21, $0x1;
	s21 =	simm.s32 $0x7D0  }
0x53: {  	s1 =	smul.u32 $0xFFFFE0C0, s1;
	s21 =	simm.s32 @!p0 $0x0;
	p0 =	sne.s32 s18, $0x7D  }
.Ltmp3:
0x54: {  	s16 =	sadd.s32 $0x50, s16;
	_ =	swait.ge [sflag:s20], $0x2800;
	(pc) =	sbr.rel @!p0 .LBB2_5-.Ltmp3, $4  }
0x55: {  	s19 =	sadd.s32 $0x5, s19;
	[sflag:s20] =	ssyncset.done $0x0;
	s1 =	sshra.s32 s1, $0x2  }
0x56: {  	[sflag:s20] =	ssyncadd.s32 $0xFFFFD800;
	s20 =	sshrl.u32 s30, $0x2;
	s1 =	sadd.s32 s1, s15  }
0x57: {  	s20 =	sadd.s32 $0x2000, s20;
	s15 =	sadd.s32 $0x50, s15;
	s1 =	sadd.s32 s21, s1  }
0x58: {  	[spmem:s5] =	stream.indirect.scatter.add.f32 [tilespmem:s20], [sflag:s19], $0x80, s1, s31, $0xb8;
	[tilespmem:$0x1FC00] =	vst v63  }
.LBB2_2:
0x59: {  	p0 =	sgt.u32 s18, $0x79  }
.Ltmp4:
0x5a: {  	_ = 	snop;
	(pc) =	sbr.rel @p0 .LBB2_4-.Ltmp4, $1  }
0x5b: {  	_ =	sdelay $0x3  }
0x5c: {  	p0 =	seq.s32 s18, $0x0  }
0x5d: {  	s19 =	smul.u32 @!p0 $0x29, s18;
	_ =	sdelay $0x1  }
0x5e: {  	s19 =	sand.u32 @!p0 $0xFF, s19  }
0x5f: {  	p2 =	sgt.u32 @!p0 s19, $0xA  }
0x60: {  	p3 =	por p2, p0  }
0x61: {  	p4 =	sgt.u32 @!p3 s18, $0x63  }
0x62: {  	p1 =	por @!p0 p4, p2  }
0x63: {  	p1 =	por p1, p0  }
0x64: {  	s19 =	smul.u32 @!p1 $0x29, s18;
	_ =	sdelay $0x1  }
0x65: {  	s20 =	sadd.s32 $0x3, s18;
	s19 =	sshrl.u32 @!p1 s19, $0xA  }
0x66: {  	s21 =	sand.u32 $0x3, s20;
	s19 =	sand.u32 @!p1 $0x3F, s19  }
0x67: {  	s29 =	sadd.s32 @!p0 $0x5, s21;
	s19 =	sadd.s32 @!p1 $0x1, s19  }
0x68: {  	_ =	swait.ge @!p0 [sflag:s29], $0x2800;
	s30 =	sand.u32 @!p1 $0x1, s19  }
0x69: {  	[sflag:s29] =	ssyncset.done @!p0 $0x0;
	s19 =	smul.u32 @!p1 $0x7D0, s19;
	p5 =	seq.s32 @!p1 s30, $0x1  }
0x6a: {  	[sflag:s29] =	ssyncadd.s32 @!p0 $0xFFFFD800;
	p3 =	por @!p3 !p5, p4  }
0x6b: {  	s29 =	sadd.s32 @!p1 s9, s19;
	s19 =	sadd.s32 @!p1 s11, s19;
	p2 =	por @!p0 !p3, p2  }
0x6c: {  	s30 =	simm.s32 @!p1 $0x7D0;
	s19 =	sshrl.u32 @!p1 s19, $0x3;
	p2 =	por !p2, p0  }
0x6d: {  	s1 =	simm.s32 @!p1 $0x0;
	s19 =	sadd.s32 @!p1 s3, s19;
	s30 =	simm.s32 @p2 $0x0  }
0x6e: {  	[tilespmem:s30], [sflag:$0x9] =	stream.linear.gather @!p1 [hbm4b:s19+s1], $0x7D0, $0x38;
	[tilespmem:$0x1FC00] =	vst v63  }
0x6f: {  	s19 =	sshrl.u32 @!p1 s29, $0x3  }
0x70: {  	s29 =	sor.u32 @!p1 $0x1000, s30;
	s30 =	smul.u32 @!p0 $0x29, s20;
	s19 =	sadd.s32 @!p1 s3, s19  }
0x71: {  	[tilespmem:s29], [sflag:$0xA] =	stream.linear.gather @!p1 [hbm4b:s19+s1], $0x7D0, $0x38;
	[tilespmem:$0x1FC00] =	vst v63  }
0x72: {  	s20 =	simm.s32 @p0 $0x3;
	s1 =	sand.u32 @!p0 $0xFF, s30  }
0x73: {  	s20 =	sand.u32 $0xFF, s20;
	p1 =	sgt.u32 @!p0 s1, $0xA  }
0x74: {  	s1 =	smul.u32 $0x29, s20;
	p0 =	por p1, p0  }
0x75: {  	s19 =	simm.s32 @!p0 $0x9  }
0x76: {  	s30 =	smul.u32 $0xA000, s21;
	s1 =	sshrl.u32 s1, $0xA;
	_ =	swait.ge @!p0 [sflag:s19], $0x7D0  }
0x77: {  	s20 =	simm.s32 $0x1F40;
	s29 =	sand.u32 $0x1, s1;
	[sflag:s19] =	ssyncset.done @!p0 $0x0  }
0x78: {  	s1 =	smul.u32 $0x1F40, s1;
	p1 =	seq.s32 s29, $0x1;
	[sflag:s19] =	ssyncadd.s32 @!p0 $0xFFFFF830  }
.Ltmp5:
0x79: {  	s19 =	simm.s32 @!p0 $0xA;
	s20 =	simm.s32 @!p1 $0x0;
	(pc) =	sbr.rel .LBB2_4-.Ltmp5, $4  }
0x7a: {  	s29 =	sshrl.u32 s30, $0x2;
	_ =	swait.ge @!p0 [sflag:s19], $0x7D0;
	s1 =	ssub.s32 s20, s1  }
0x7b: {  	s30 =	sadd.s32 $0x1, s21;
	[sflag:s19] =	ssyncset.done @!p0 $0x0;
	s1 =	sshra.s32 s1, $0x2  }
0x7c: {  	[sflag:s19] =	ssyncadd.s32 @!p0 $0xFFFFF830;
	s19 =	sadd.s32 $0x2000, s29;
	s1 =	sadd.s32 s1, s16  }
0x7d: {  	[tilespmem:s19], [sflag:s30] =	stream.indirect.gather [hbm4b:s0+s31], $0x80, s1, s31, $0xb8;
	[tilespmem:$0x1FC00] =	vst v63  }
.LBB2_5:
0x7e: {  	_ =	swait.ge [sflag:s17], $0x2800  }
0x7f: {  	[sflag:s17] =	ssyncset.done $0x0  }
0x80: {  	[sflag:s17] =	ssyncadd.s32 $0xFFFFD800  }
0x81: {  	_ =	swait.ge [sflag:s22], $0x2800  }
0x82: {  	[sflag:s22] =	ssyncset.done $0x0  }
0x83: {  	[sflag:s22] =	ssyncadd.s32 $0xFFFFD800  }
0x84: {  	_ =	swait.ge [sflag:s23], $0x2800  }
0x85: {  	[sflag:s23] =	ssyncset.done $0x0  }
0x86: {  	[sflag:s23] =	ssyncadd.s32 $0xFFFFD800  }
0x87: {  	_ =	swait.ge [sflag:s24], $0x2800  }
0x88: {  	[sflag:s24] =	ssyncset.done $0x0  }
0x89: {  	s15 =	simm.s32 $0x0;
	s1 =	rddreg [dreg:$0xa];
	[sflag:s24] =	ssyncadd.s32 $0xFFFFD800  }
0x8a: {  	[tilespmem:s15], [sflag:$0x9] =	stream.linear.gather [hbm4b:s1+s15], $0x7D0, $0x38;
	[tilespmem:$0x1FC00] =	vst v63  }
0x8b: {  	s16 =	simm.s32 $0x1000;
	s19 =	rddreg [dreg:$0x9]  }
0x8c: {  	[tilespmem:s16], [sflag:$0xA] =	stream.linear.gather [hbm4b:s19+s15], $0x7D0, $0x38;
	[tilespmem:$0x1FC00] =	vst v63  }
0x8d: {  	_ =	swait.ge [sflag:s26], $0x7D0  }
0x8e: {  	[sflag:s26] =	ssyncset.done $0x0  }
0x8f: {  	[sflag:s26] =	ssyncadd.s32 $0xFFFFF830  }
0x90: {  	_ =	swait.ge [sflag:s28], $0x7D0  }
0x91: {  	[sflag:s28] =	ssyncset.done $0x0  }
0x92: {  	s18 =	simm.s32 $0x7D0;
	s20 =	rddreg [dreg:$0xc];
	[sflag:s28] =	ssyncadd.s32 $0xFFFFF830  }
0x93: {  	[tilespmem:s18], [sflag:$0x9] =	stream.linear.gather [hbm4b:s20+s15], $0x7D0, $0x38;
	[tilespmem:$0x1FC00] =	vst v63  }
0x94: {  	s29 =	simm.s32 $0x17D0;
	s21 =	rddreg [dreg:$0xb]  }
0x95: {  	[tilespmem:s29], [sflag:$0xA] =	stream.linear.gather [hbm4b:s21+s15], $0x7D0, $0x38;
	[tilespmem:$0x1FC00] =	vst v63  }
0x96: {  	s30 =	simm.s32 $0x2000  }
0x97: {  	[tilespmem:s30], [sflag:$0x1] =	stream.indirect.gather [hbm4b:s0+s31], $0x80, s15, s31, $0xb8;
	[tilespmem:$0x1FC00] =	vst v63  }
.Ltmp6:
0x98: {  	_ = 	snop;
	(pc) =	sbr.rel .LBB2_6-.Ltmp6, $4  }
0x99: {  	_ = 	snop  }
0x9a: {  	[tilespmem:s6], [sflag:$0x2] =	stream.indirect.gather [hbm4b:s0+s31], $0x80, s31, s31, $0xb8;
	[tilespmem:$0x1FC00] =	vst v63  }
0x9b: {  	s18 =	simm.s32 $0xF0  }
0x9c: {  	[tilespmem:s10], [sflag:$0x3] =	stream.indirect.gather [hbm4b:s0+s31], $0x80, s8, s31, $0xb8;
	[tilespmem:$0x1FC00] =	vst v63  }
.LBB2_8:
0x9d: {  	s21 =	smul.u32 $0x29, s15  }
0x9e: {  	s1 =	smulhi.u32 $0x51EB851F, s15  }
0x9f: {  	s19 =	sand.u32 $0x3, s15;
	s15 =	sadd.s32 $0x1, s15;
	s21 =	sshrl.u32 s21, $0xA  }
0xa0: {  	s20 =	sadd.s32 $0x1, s19;
	s30 =	smul.u32 $0xA000, s19;
	s21 =	sand.u32 $0x1, s21  }
0xa1: {  	s1 =	sshrl.u32 s1, $0x3;
	p0 =	seq.s32 s21, $0x1;
	s21 =	simm.s32 $0x7D0  }
0xa2: {  	s1 =	smul.u32 $0xFFFFE0C0, s1;
	s21 =	simm.s32 @!p0 $0x0;
	p0 =	sne.s32 s15, $0x7D  }
.Ltmp7:
0xa3: {  	s18 =	sadd.s32 $0x50, s18;
	_ =	swait.ge [sflag:s20], $0x2800;
	(pc) =	sbr.rel @!p0 .LBB2_9-.Ltmp7, $4  }
0xa4: {  	s19 =	sadd.s32 $0x5, s19;
	[sflag:s20] =	ssyncset.done $0x0;
	s1 =	sshra.s32 s1, $0x2  }
0xa5: {  	[sflag:s20] =	ssyncadd.s32 $0xFFFFD800;
	s20 =	sshrl.u32 s30, $0x2;
	s1 =	sadd.s32 s1, s16  }
0xa6: {  	s20 =	sadd.s32 $0x2000, s20;
	s16 =	sadd.s32 $0x50, s16;
	s1 =	sadd.s32 s21, s1  }
0xa7: {  	[spmem:s5] =	stream.indirect.scatter.add.f32 [tilespmem:s20], [sflag:s19], $0x80, s1, s31, $0xb8;
	[tilespmem:$0x1FC00] =	vst v63  }
.LBB2_6:
0xa8: {  	p0 =	sgt.u32 s15, $0x79  }
.Ltmp8:
0xa9: {  	_ = 	snop;
	(pc) =	sbr.rel @p0 .LBB2_8-.Ltmp8, $1  }
0xaa: {  	_ =	sdelay $0x3  }
0xab: {  	p0 =	seq.s32 s15, $0x0  }
0xac: {  	s1 =	smul.u32 @!p0 $0x29, s15;
	_ =	sdelay $0x1  }
0xad: {  	s1 =	sand.u32 @!p0 $0xFF, s1  }
0xae: {  	p2 =	sgt.u32 @!p0 s1, $0xA  }
0xaf: {  	p3 =	por p2, p0  }
0xb0: {  	p4 =	sgt.u32 @!p3 s15, $0x63  }
0xb1: {  	p1 =	por @!p0 p4, p2  }
0xb2: {  	p1 =	por p1, p0  }
0xb3: {  	s1 =	smul.u32 @!p1 $0x29, s15;
	_ =	sdelay $0x1  }
0xb4: {  	s19 =	sadd.s32 $0x3, s15;
	s1 =	sshrl.u32 @!p1 s1, $0xA  }
0xb5: {  	s20 =	sand.u32 $0x3, s19;
	s1 =	sand.u32 @!p1 $0x3F, s1  }
0xb6: {  	s21 =	sadd.s32 @!p0 $0x5, s20;
	s1 =	sadd.s32 @!p1 $0x1, s1  }
0xb7: {  	_ =	swait.ge @!p0 [sflag:s21], $0x2800;
	s29 =	sand.u32 @!p1 $0x1, s1  }
0xb8: {  	[sflag:s21] =	ssyncset.done @!p0 $0x0;
	s1 =	smul.u32 @!p1 $0x7D0, s1;
	p5 =	seq.s32 @!p1 s29, $0x1  }
0xb9: {  	[sflag:s21] =	ssyncadd.s32 @!p0 $0xFFFFD800;
	p3 =	por @!p3 !p5, p4  }
0xba: {  	s21 =	sadd.s32 @!p1 s11, s1;
	s1 =	sadd.s32 @!p1 s9, s1;
	p2 =	por @!p0 !p3, p2  }
0xbb: {  	s29 =	simm.s32 @!p1 $0x7D0;
	s1 =	sshrl.u32 @!p1 s1, $0x3;
	p2 =	por !p2, p0  }
0xbc: {  	s30 =	simm.s32 @!p1 $0x0;
	s1 =	sadd.s32 @!p1 s3, s1;
	s29 =	simm.s32 @p2 $0x0  }
0xbd: {  	[tilespmem:s29], [sflag:$0x9] =	stream.linear.gather @!p1 [hbm4b:s1+s30], $0x7D0, $0x38;
	[tilespmem:$0x1FC00] =	vst v63  }
0xbe: {  	s1 =	sshrl.u32 @!p1 s21, $0x3  }
0xbf: {  	s21 =	sor.u32 @!p1 $0x1000, s29;
	s29 =	smul.u32 @!p0 $0x29, s19;
	s1 =	sadd.s32 @!p1 s3, s1  }
0xc0: {  	[tilespmem:s21], [sflag:$0xA] =	stream.linear.gather @!p1 [hbm4b:s1+s30], $0x7D0, $0x38;
	[tilespmem:$0x1FC00] =	vst v63  }
0xc1: {  	s19 =	simm.s32 @p0 $0x3;
	s1 =	sand.u32 @!p0 $0xFF, s29  }
0xc2: {  	s21 =	sand.u32 $0xFF, s19;
	p1 =	sgt.u32 @!p0 s1, $0xA  }
0xc3: {  	s1 =	smul.u32 $0x29, s21;
	p0 =	por p1, p0  }
0xc4: {  	s19 =	simm.s32 @!p0 $0x9  }
0xc5: {  	s30 =	smul.u32 $0xA000, s20;
	s1 =	sshrl.u32 s1, $0xA;
	_ =	swait.ge @!p0 [sflag:s19], $0x7D0  }
0xc6: {  	s21 =	simm.s32 $0x1F40;
	s29 =	sand.u32 $0x1, s1;
	[sflag:s19] =	ssyncset.done @!p0 $0x0  }
0xc7: {  	s1 =	smul.u32 $0x1F40, s1;
	p1 =	seq.s32 s29, $0x1;
	[sflag:s19] =	ssyncadd.s32 @!p0 $0xFFFFF830  }
.Ltmp9:
0xc8: {  	s19 =	simm.s32 @!p0 $0xA;
	s21 =	simm.s32 @!p1 $0x0;
	(pc) =	sbr.rel .LBB2_8-.Ltmp9, $4  }
0xc9: {  	s20 =	sadd.s32 $0x1, s20;
	_ =	swait.ge @!p0 [sflag:s19], $0x7D0;
	s1 =	ssub.s32 s21, s1  }
0xca: {  	s30 =	sshrl.u32 s30, $0x2;
	[sflag:s19] =	ssyncset.done @!p0 $0x0;
	s1 =	sshra.s32 s1, $0x2  }
0xcb: {  	[sflag:s19] =	ssyncadd.s32 @!p0 $0xFFFFF830;
	s19 =	sadd.s32 $0x2000, s30;
	s1 =	sadd.s32 s1, s18  }
0xcc: {  	[tilespmem:s19], [sflag:s20] =	stream.indirect.gather [hbm4b:s0+s31], $0x80, s1, s31, $0xb8;
	[tilespmem:$0x1FC00] =	vst v63  }
.LBB2_9:
0xcd: {  	_ =	swait.ge [sflag:s17], $0x2800  }
0xce: {  	[sflag:s17] =	ssyncset.done $0x0  }
0xcf: {  	[sflag:s17] =	ssyncadd.s32 $0xFFFFD800  }
0xd0: {  	_ =	swait.ge [sflag:s22], $0x2800  }
0xd1: {  	[sflag:s22] =	ssyncset.done $0x0  }
0xd2: {  	[sflag:s22] =	ssyncadd.s32 $0xFFFFD800  }
0xd3: {  	_ =	swait.ge [sflag:s23], $0x2800  }
0xd4: {  	[sflag:s23] =	ssyncset.done $0x0  }
0xd5: {  	[sflag:s23] =	ssyncadd.s32 $0xFFFFD800  }
0xd6: {  	_ =	swait.ge [sflag:s24], $0x2800  }
0xd7: {  	[sflag:s24] =	ssyncset.done $0x0  }
0xd8: {  	[sflag:s24] =	ssyncadd.s32 $0xFFFFD800  }
0xd9: {  	[bflag:$0x0] =	sbarrier.arrive $0xFFFF  }
0xda: {  	s1 =	rddreg [dreg:$0xd]  }
0xdb: {  	[hbm:s1], [sflag:s12] =	dma.local [spmem:s14], $0x2780  }
0xdc: {  	_ =	swait.ge [sflag:s25], $0x2780  }
0xdd: {  	[sflag:s25] =	ssyncset.done $0x0  }
0xde: {  	[sflag:s25] =	ssyncadd.s32 $0xFFFFD880  }
0xdf: {  	[bflag:$0x0] =	sbarrier.arrive $0xFFFF  }
0xe0: {  	s15 =	simm.s32 $0x0;
	s18 =	rddreg [dreg:$0xe]  }
0xe1: {  	[tilespmem:s15], [sflag:$0x9] =	stream.linear.gather [hbm4b:s18+s15], $0x7D0, $0x38;
	[tilespmem:$0x1FC00] =	vst v63  }
0xe2: {  	s16 =	simm.s32 $0x1000;
	s19 =	rddreg [dreg:$0xf]  }
0xe3: {  	[tilespmem:s16], [sflag:$0xA] =	stream.linear.gather [hbm4b:s19+s15], $0x7D0, $0x38;
	[tilespmem:$0x1FC00] =	vst v63  }
0xe4: {  	_ =	swait.ge [sflag:s26], $0x7D0  }
0xe5: {  	[sflag:s26] =	ssyncset.done $0x0  }
0xe6: {  	[sflag:s26] =	ssyncadd.s32 $0xFFFFF830  }
0xe7: {  	_ =	swait.ge [sflag:s28], $0x7D0  }
0xe8: {  	[sflag:s28] =	ssyncset.done $0x0  }
0xe9: {  	s18 =	simm.s32 $0x7D0;
	s20 =	rddreg [dreg:$0x10];
	[sflag:s28] =	ssyncadd.s32 $0xFFFFF830  }
0xea: {  	[tilespmem:s18], [sflag:$0x9] =	stream.linear.gather [hbm4b:s20+s15], $0x7D0, $0x38;
	[tilespmem:$0x1FC00] =	vst v63  }
0xeb: {  	s29 =	simm.s32 $0x17D0;
	s21 =	rddreg [dreg:$0x11]  }
0xec: {  	[tilespmem:s29], [sflag:$0xA] =	stream.linear.gather [hbm4b:s21+s15], $0x7D0, $0x38;
	[tilespmem:$0x1FC00] =	vst v63  }
0xed: {  	s30 =	simm.s32 $0x2000  }
0xee: {  	[tilespmem:s30], [sflag:$0x1] =	stream.indirect.gather [hbm4b:s2+s31], $0x80, s15, s31, $0xb8;
	[tilespmem:$0x1FC00] =	vst v63  }
.Ltmp10:
0xef: {  	_ = 	snop;
	(pc) =	sbr.rel .LBB2_10-.Ltmp10, $4  }
0xf0: {  	_ = 	snop  }
0xf1: {  	[tilespmem:s6], [sflag:$0x2] =	stream.indirect.gather [hbm4b:s2+s31], $0x80, s31, s31, $0xb8;
	[tilespmem:$0x1FC00] =	vst v63  }
0xf2: {  	s18 =	simm.s32 $0xF0  }
0xf3: {  	[tilespmem:s10], [sflag:$0x3] =	stream.indirect.gather [hbm4b:s2+s31], $0x80, s8, s31, $0xb8;
	[tilespmem:$0x1FC00] =	vst v63  }
.LBB2_12:
0xf4: {  	s21 =	smul.u32 $0x29, s15  }
0xf5: {  	s1 =	smulhi.u32 $0x51EB851F, s15  }
0xf6: {  	s19 =	sand.u32 $0x3, s15;
	s15 =	sadd.s32 $0x1, s15;
	s21 =	sshrl.u32 s21, $0xA  }
0xf7: {  	s20 =	sadd.s32 $0x1, s19;
	s30 =	smul.u32 $0xA000, s19;
	s21 =	sand.u32 $0x1, s21  }
0xf8: {  	s1 =	sshrl.u32 s1, $0x3;
	p0 =	seq.s32 s21, $0x1;
	s21 =	simm.s32 $0x7D0  }
0xf9: {  	s1 =	smul.u32 $0xFFFFE0C0, s1;
	s21 =	simm.s32 @!p0 $0x0;
	p0 =	sne.s32 s15, $0x7D  }
.Ltmp11:
0xfa: {  	s18 =	sadd.s32 $0x50, s18;
	_ =	swait.ge [sflag:s20], $0x2800;
	(pc) =	sbr.rel @!p0 .LBB2_13-.Ltmp11, $4  }
0xfb: {  	s19 =	sadd.s32 $0x5, s19;
	[sflag:s20] =	ssyncset.done $0x0;
	s1 =	sshra.s32 s1, $0x2  }
0xfc: {  	[sflag:s20] =	ssyncadd.s32 $0xFFFFD800;
	s20 =	sshrl.u32 s30, $0x2;
	s1 =	sadd.s32 s1, s16  }
0xfd: {  	s20 =	sadd.s32 $0x2000, s20;
	s16 =	sadd.s32 $0x50, s16;
	s1 =	sadd.s32 s21, s1  }
0xfe: {  	[spmem:s5] =	stream.indirect.scatter.add.f32 [tilespmem:s20], [sflag:s19], $0x80, s1, s31, $0xb8;
	[tilespmem:$0x1FC00] =	vst v63  }
.LBB2_10:
0xff: {  	p0 =	sgt.u32 s15, $0x79  }
.Ltmp12:
0x100: {  	_ = 	snop;
	(pc) =	sbr.rel @p0 .LBB2_12-.Ltmp12, $1  }
0x101: {  	_ =	sdelay $0x3  }
0x102: {  	p0 =	seq.s32 s15, $0x0  }
0x103: {  	s1 =	smul.u32 @!p0 $0x29, s15;
	_ =	sdelay $0x1  }
0x104: {  	s1 =	sand.u32 @!p0 $0xFF, s1  }
0x105: {  	p2 =	sgt.u32 @!p0 s1, $0xA  }
0x106: {  	p3 =	por p2, p0  }
0x107: {  	p4 =	sgt.u32 @!p3 s15, $0x63  }
0x108: {  	p1 =	por @!p0 p4, p2  }
0x109: {  	p1 =	por p1, p0  }
0x10a: {  	s1 =	smul.u32 @!p1 $0x29, s15;
	_ =	sdelay $0x1  }
0x10b: {  	s19 =	sadd.s32 $0x3, s15;
	s1 =	sshrl.u32 @!p1 s1, $0xA  }
0x10c: {  	s20 =	sand.u32 $0x3, s19;
	s1 =	sand.u32 @!p1 $0x3F, s1  }
0x10d: {  	s21 =	sadd.s32 @!p0 $0x5, s20;
	s1 =	sadd.s32 @!p1 $0x1, s1  }
0x10e: {  	_ =	swait.ge @!p0 [sflag:s21], $0x2800;
	s29 =	sand.u32 @!p1 $0x1, s1  }
0x10f: {  	[sflag:s21] =	ssyncset.done @!p0 $0x0;
	s1 =	smul.u32 @!p1 $0x7D0, s1;
	p5 =	seq.s32 @!p1 s29, $0x1  }
0x110: {  	[sflag:s21] =	ssyncadd.s32 @!p0 $0xFFFFD800;
	p3 =	por @!p3 !p5, p4  }
0x111: {  	s21 =	sadd.s32 @!p1 s9, s1;
	s1 =	sadd.s32 @!p1 s11, s1;
	p2 =	por @!p0 !p3, p2  }
0x112: {  	s29 =	simm.s32 @!p1 $0x7D0;
	s1 =	sshrl.u32 @!p1 s1, $0x3;
	p2 =	por !p2, p0  }
0x113: {  	s30 =	simm.s32 @!p1 $0x0;
	s1 =	sadd.s32 @!p1 s4, s1;
	s29 =	simm.s32 @p2 $0x0  }
0x114: {  	[tilespmem:s29], [sflag:$0x9] =	stream.linear.gather @!p1 [hbm4b:s1+s30], $0x7D0, $0x38;
	[tilespmem:$0x1FC00] =	vst v63  }
0x115: {  	s1 =	sshrl.u32 @!p1 s21, $0x3  }
0x116: {  	s21 =	sor.u32 @!p1 $0x1000, s29;
	s29 =	smul.u32 @!p0 $0x29, s19;
	s1 =	sadd.s32 @!p1 s4, s1  }
0x117: {  	[tilespmem:s21], [sflag:$0xA] =	stream.linear.gather @!p1 [hbm4b:s1+s30], $0x7D0, $0x38;
	[tilespmem:$0x1FC00] =	vst v63  }
0x118: {  	s19 =	simm.s32 @p0 $0x3;
	s1 =	sand.u32 @!p0 $0xFF, s29  }
0x119: {  	s21 =	sand.u32 $0xFF, s19;
	p1 =	sgt.u32 @!p0 s1, $0xA  }
0x11a: {  	s1 =	smul.u32 $0x29, s21;
	p0 =	por p1, p0  }
0x11b: {  	s19 =	simm.s32 @!p0 $0x9  }
0x11c: {  	s30 =	smul.u32 $0xA000, s20;
	s1 =	sshrl.u32 s1, $0xA;
	_ =	swait.ge @!p0 [sflag:s19], $0x7D0  }
0x11d: {  	s21 =	simm.s32 $0x1F40;
	s29 =	sand.u32 $0x1, s1;
	[sflag:s19] =	ssyncset.done @!p0 $0x0  }
0x11e: {  	s1 =	smul.u32 $0x1F40, s1;
	p1 =	seq.s32 s29, $0x1;
	[sflag:s19] =	ssyncadd.s32 @!p0 $0xFFFFF830  }
.Ltmp13:
0x11f: {  	s19 =	simm.s32 @!p0 $0xA;
	s21 =	simm.s32 @!p1 $0x0;
	(pc) =	sbr.rel .LBB2_12-.Ltmp13, $4  }
0x120: {  	s20 =	sadd.s32 $0x1, s20;
	_ =	swait.ge @!p0 [sflag:s19], $0x7D0;
	s1 =	ssub.s32 s21, s1  }
0x121: {  	s30 =	sshrl.u32 s30, $0x2;
	[sflag:s19] =	ssyncset.done @!p0 $0x0;
	s1 =	sshra.s32 s1, $0x2  }
0x122: {  	[sflag:s19] =	ssyncadd.s32 @!p0 $0xFFFFF830;
	s19 =	sadd.s32 $0x2000, s30;
	s1 =	sadd.s32 s1, s18  }
0x123: {  	[tilespmem:s19], [sflag:s20] =	stream.indirect.gather [hbm4b:s2+s31], $0x80, s1, s31, $0xb8;
	[tilespmem:$0x1FC00] =	vst v63  }
.LBB2_13:
0x124: {  	_ =	swait.ge [sflag:s17], $0x2800  }
0x125: {  	[sflag:s17] =	ssyncset.done $0x0  }
0x126: {  	[sflag:s17] =	ssyncadd.s32 $0xFFFFD800  }
0x127: {  	_ =	swait.ge [sflag:s22], $0x2800  }
0x128: {  	[sflag:s22] =	ssyncset.done $0x0  }
0x129: {  	[sflag:s22] =	ssyncadd.s32 $0xFFFFD800  }
0x12a: {  	_ =	swait.ge [sflag:s23], $0x2800  }
0x12b: {  	[sflag:s23] =	ssyncset.done $0x0  }
0x12c: {  	[sflag:s23] =	ssyncadd.s32 $0xFFFFD800  }
0x12d: {  	_ =	swait.ge [sflag:s24], $0x2800  }
0x12e: {  	[sflag:s24] =	ssyncset.done $0x0  }
0x12f: {  	[sflag:s24] =	ssyncadd.s32 $0xFFFFD800  }
0x130: {  	[bflag:$0x0] =	sbarrier.arrive $0xFFFF  }
0x131: {  	s1 =	rddreg [dreg:$0x12]  }
0x132: {  	[hbm:s1], [sflag:s12] =	dma.local [spmem:s14], $0x2780  }
0x133: {  	_ =	swait.ge [sflag:s25], $0x2780  }
0x134: {  	[sflag:s25] =	ssyncset.done $0x0  }
0x135: {  	[sflag:s25] =	ssyncadd.s32 $0xFFFFD880  }
0x136: {  	[bflag:$0x0] =	sbarrier.arrive $0xFFFF  }
0x137: {  	s15 =	simm.s32 $0x0;
	s18 =	rddreg [dreg:$0xf]  }
0x138: {  	[tilespmem:s15], [sflag:$0x9] =	stream.linear.gather [hbm4b:s18+s15], $0x7D0, $0x38;
	[tilespmem:$0x1FC00] =	vst v63  }
0x139: {  	s16 =	simm.s32 $0x1000;
	s19 =	rddreg [dreg:$0xe]  }
0x13a: {  	[tilespmem:s16], [sflag:$0xA] =	stream.linear.gather [hbm4b:s19+s15], $0x7D0, $0x38;
	[tilespmem:$0x1FC00] =	vst v63  }
0x13b: {  	_ =	swait.ge [sflag:s26], $0x7D0  }
0x13c: {  	[sflag:s26] =	ssyncset.done $0x0  }
0x13d: {  	[sflag:s26] =	ssyncadd.s32 $0xFFFFF830  }
0x13e: {  	_ =	swait.ge [sflag:s28], $0x7D0  }
0x13f: {  	[sflag:s28] =	ssyncset.done $0x0  }
0x140: {  	s18 =	simm.s32 $0x7D0;
	s20 =	rddreg [dreg:$0x11];
	[sflag:s28] =	ssyncadd.s32 $0xFFFFF830  }
0x141: {  	[tilespmem:s18], [sflag:$0x9] =	stream.linear.gather [hbm4b:s20+s15], $0x7D0, $0x38;
	[tilespmem:$0x1FC00] =	vst v63  }
0x142: {  	s29 =	simm.s32 $0x17D0;
	s21 =	rddreg [dreg:$0x10]  }
0x143: {  	[tilespmem:s29], [sflag:$0xA] =	stream.linear.gather [hbm4b:s21+s15], $0x7D0, $0x38;
	[tilespmem:$0x1FC00] =	vst v63  }
0x144: {  	s30 =	simm.s32 $0x2000  }
0x145: {  	[tilespmem:s30], [sflag:$0x1] =	stream.indirect.gather [hbm4b:s0+s31], $0x80, s15, s31, $0xb8;
	[tilespmem:$0x1FC00] =	vst v63  }
.Ltmp14:
0x146: {  	_ = 	snop;
	(pc) =	sbr.rel .LBB2_14-.Ltmp14, $4  }
0x147: {  	_ = 	snop  }
0x148: {  	[tilespmem:s6], [sflag:$0x2] =	stream.indirect.gather [hbm4b:s0+s31], $0x80, s31, s31, $0xb8;
	[tilespmem:$0x1FC00] =	vst v63  }
0x149: {  	s18 =	simm.s32 $0xF0  }
0x14a: {  	[tilespmem:s10], [sflag:$0x3] =	stream.indirect.gather [hbm4b:s0+s31], $0x80, s8, s31, $0xb8;
	[tilespmem:$0x1FC00] =	vst v63  }
.LBB2_16:
0x14b: {  	s21 =	smul.u32 $0x29, s15  }
0x14c: {  	s1 =	smulhi.u32 $0x51EB851F, s15  }
0x14d: {  	s19 =	sand.u32 $0x3, s15;
	s15 =	sadd.s32 $0x1, s15;
	s21 =	sshrl.u32 s21, $0xA  }
0x14e: {  	s20 =	sadd.s32 $0x1, s19;
	s30 =	smul.u32 $0xA000, s19;
	s21 =	sand.u32 $0x1, s21  }
0x14f: {  	s1 =	sshrl.u32 s1, $0x3;
	p0 =	seq.s32 s21, $0x1;
	s21 =	simm.s32 $0x7D0  }
0x150: {  	s1 =	smul.u32 $0xFFFFE0C0, s1;
	s21 =	simm.s32 @!p0 $0x0;
	p0 =	sne.s32 s15, $0x7D  }
.Ltmp15:
0x151: {  	s18 =	sadd.s32 $0x50, s18;
	_ =	swait.ge [sflag:s20], $0x2800;
	(pc) =	sbr.rel @!p0 .LBB2_17-.Ltmp15, $4  }
0x152: {  	s19 =	sadd.s32 $0x5, s19;
	[sflag:s20] =	ssyncset.done $0x0;
	s1 =	sshra.s32 s1, $0x2  }
0x153: {  	[sflag:s20] =	ssyncadd.s32 $0xFFFFD800;
	s20 =	sshrl.u32 s30, $0x2;
	s1 =	sadd.s32 s1, s16  }
0x154: {  	s20 =	sadd.s32 $0x2000, s20;
	s16 =	sadd.s32 $0x50, s16;
	s1 =	sadd.s32 s21, s1  }
0x155: {  	[spmem:s5] =	stream.indirect.scatter.add.f32 [tilespmem:s20], [sflag:s19], $0x80, s1, s31, $0xb8;
	[tilespmem:$0x1FC00] =	vst v63  }
.LBB2_14:
0x156: {  	p0 =	sgt.u32 s15, $0x79  }
.Ltmp16:
0x157: {  	_ = 	snop;
	(pc) =	sbr.rel @p0 .LBB2_16-.Ltmp16, $1  }
0x158: {  	_ =	sdelay $0x3  }
0x159: {  	p0 =	seq.s32 s15, $0x0  }
0x15a: {  	s1 =	smul.u32 @!p0 $0x29, s15;
	_ =	sdelay $0x1  }
0x15b: {  	s1 =	sand.u32 @!p0 $0xFF, s1  }
0x15c: {  	p2 =	sgt.u32 @!p0 s1, $0xA  }
0x15d: {  	p3 =	por p2, p0  }
0x15e: {  	p4 =	sgt.u32 @!p3 s15, $0x63  }
0x15f: {  	p1 =	por @!p0 p4, p2  }
0x160: {  	p1 =	por p1, p0  }
0x161: {  	s1 =	smul.u32 @!p1 $0x29, s15;
	_ =	sdelay $0x1  }
0x162: {  	s19 =	sadd.s32 $0x3, s15;
	s1 =	sshrl.u32 @!p1 s1, $0xA  }
0x163: {  	s20 =	sand.u32 $0x3, s19;
	s1 =	sand.u32 @!p1 $0x3F, s1  }
0x164: {  	s21 =	sadd.s32 @!p0 $0x5, s20;
	s1 =	sadd.s32 @!p1 $0x1, s1  }
0x165: {  	_ =	swait.ge @!p0 [sflag:s21], $0x2800;
	s29 =	sand.u32 @!p1 $0x1, s1  }
0x166: {  	[sflag:s21] =	ssyncset.done @!p0 $0x0;
	s1 =	smul.u32 @!p1 $0x7D0, s1;
	p5 =	seq.s32 @!p1 s29, $0x1  }
0x167: {  	[sflag:s21] =	ssyncadd.s32 @!p0 $0xFFFFD800;
	p3 =	por @!p3 !p5, p4  }
0x168: {  	s21 =	sadd.s32 @!p1 s11, s1;
	s1 =	sadd.s32 @!p1 s9, s1;
	p2 =	por @!p0 !p3, p2  }
0x169: {  	s29 =	simm.s32 @!p1 $0x7D0;
	s1 =	sshrl.u32 @!p1 s1, $0x3;
	p2 =	por !p2, p0  }
0x16a: {  	s30 =	simm.s32 @!p1 $0x0;
	s1 =	sadd.s32 @!p1 s4, s1;
	s29 =	simm.s32 @p2 $0x0  }
0x16b: {  	[tilespmem:s29], [sflag:$0x9] =	stream.linear.gather @!p1 [hbm4b:s1+s30], $0x7D0, $0x38;
	[tilespmem:$0x1FC00] =	vst v63  }
0x16c: {  	s1 =	sshrl.u32 @!p1 s21, $0x3  }
0x16d: {  	s21 =	sor.u32 @!p1 $0x1000, s29;
	s29 =	smul.u32 @!p0 $0x29, s19;
	s1 =	sadd.s32 @!p1 s4, s1  }
0x16e: {  	[tilespmem:s21], [sflag:$0xA] =	stream.linear.gather @!p1 [hbm4b:s1+s30], $0x7D0, $0x38;
	[tilespmem:$0x1FC00] =	vst v63  }
0x16f: {  	s19 =	simm.s32 @p0 $0x3;
	s1 =	sand.u32 @!p0 $0xFF, s29  }
0x170: {  	s21 =	sand.u32 $0xFF, s19;
	p1 =	sgt.u32 @!p0 s1, $0xA  }
0x171: {  	s1 =	smul.u32 $0x29, s21;
	p0 =	por p1, p0  }
0x172: {  	s19 =	simm.s32 @!p0 $0x9  }
0x173: {  	s30 =	smul.u32 $0xA000, s20;
	s1 =	sshrl.u32 s1, $0xA;
	_ =	swait.ge @!p0 [sflag:s19], $0x7D0  }
0x174: {  	s21 =	simm.s32 $0x1F40;
	s29 =	sand.u32 $0x1, s1;
	[sflag:s19] =	ssyncset.done @!p0 $0x0  }
0x175: {  	s1 =	smul.u32 $0x1F40, s1;
	p1 =	seq.s32 s29, $0x1;
	[sflag:s19] =	ssyncadd.s32 @!p0 $0xFFFFF830  }
.Ltmp17:
0x176: {  	s19 =	simm.s32 @!p0 $0xA;
	s21 =	simm.s32 @!p1 $0x0;
	(pc) =	sbr.rel .LBB2_16-.Ltmp17, $4  }
0x177: {  	s20 =	sadd.s32 $0x1, s20;
	_ =	swait.ge @!p0 [sflag:s19], $0x7D0;
	s1 =	ssub.s32 s21, s1  }
0x178: {  	s30 =	sshrl.u32 s30, $0x2;
	[sflag:s19] =	ssyncset.done @!p0 $0x0;
	s1 =	sshra.s32 s1, $0x2  }
0x179: {  	[sflag:s19] =	ssyncadd.s32 @!p0 $0xFFFFF830;
	s19 =	sadd.s32 $0x2000, s30;
	s1 =	sadd.s32 s1, s18  }
0x17a: {  	[tilespmem:s19], [sflag:s20] =	stream.indirect.gather [hbm4b:s0+s31], $0x80, s1, s31, $0xb8;
	[tilespmem:$0x1FC00] =	vst v63  }
.LBB2_18:
0x17b: {  	_ =	sfence.sel $0x180000  }
0x17c: {  	[bflag:$0x0] =	sbarrier.arrive $0xFFFF  }
0x17d: {  	_ =	strace $0x90000047  }
0x17e: {  	s0 =	stileid.u32;
	[bflag:$0x2] =	sbarrier.arrive $0xFFFF  }
0x17f: {  	p0 =	sne.s32 s0, $0x0;
	s0 =	rddreg [dreg:$0x6]  }
0x180: {  	s0 =	sadd.s32 @!p0 $0x100000, s0  }
0x181: {  	[sflag:s0] =	ssyncadd.tile.s32 @!p0 $0x1;
	_ =	shalt  }
.Lfunc_end2:
_tile_overlayer_lowered:
.L_overlay_start_2:
0x182: {  	(tag) =	ssettag $0x2  }
0x183: {  	s0 =	rddreg [dreg:$0x0];
	s2 =	stileid.u32  }
0x184: {  	s1 =	rddreg [dreg:$0x1];
	p0 =	sne.s32 s2, $0x0  }
0x185: {  	s3 =	rddreg [dreg:$0x2];
	[bflag:$0x3] =	sbarrier.arrive $0xFFFF;
	s2 =	simm.s32 @!p0 $0x1C0B  }
0x186: {  	[timem:s3], [sflag:s2] =	dma.local @!p0 [hbm:s0], s1  }
0x187: {  	s0 =	simm.s32 @!p0 $0xB  }
0x188: {  	_ =	swait.ge @!p0 [sflag:s0], s1  }
0x189: {  	s1 =	ssub.s32 @!p0 $0x0, s1;
	[sflag:s0] =	ssyncset.done @!p0 $0x0  }
0x18a: {  	[sflag:s0] =	ssyncadd.s32 @!p0 s1  }
0x18b: {  	[bflag:$0x3] =	sbarrier.arrive $0xFFFF  }
0x18c: {  	_ =	shalt  }

</sc_bundles>
